<compile_context>
chip_gen: v7x
topology: tpu7x:2x2x1
jax: 0.10.2.dev20260603
libtpu: 0.0.44.dev20260713+nightly
codegen_flags: <defaults>
</compile_context>

<pallas_src>
import functools

import jax
import jax.numpy as jnp
from jax import lax
from jax.experimental import pallas as pl
from jax.experimental.pallas import tpu as pltpu
from jax.experimental.pallas import tpu_sc as plsc

_N = 10000
_D = 128
_E = 320000

_NC = 2
_NS = 16
_NW = _NC * _NS
_C = 80
_NCH = 125
_EPW = _NCH * _C
_EP = _NW * _EPW
_NA = 10240
_RPS = _NA // _NS
_LAST = _N - 15 * _RPS
_PAD_DST = _NA - 8

_TCB = 2000
_TCG = _N // _TCB


def _make_sc_degree():
  mesh = plsc.VectorSubcoreMesh(core_axis_name="c", subcore_axis_name="s")

  @functools.partial(
      pl.kernel,
      out_type=jax.ShapeDtypeStruct((_NC * _NA,), jnp.float32),
      mesh=mesh,
      scratch_types=[
          pltpu.VMEM((_NCH, _C), jnp.int32),
          pltpu.VMEM((_C,), jnp.float32),
          pltpu.VMEM((_RPS,), jnp.float32),
          pltpu.VMEM_SHARED((_NA,), jnp.float32),
      ],
  )
  def deg_kernel(dst_hbm, out_hbm, didx_v, ones_v, zb_v, acc_sh):
    cid = lax.axis_index("c")
    sid = lax.axis_index("s")
    wid = cid * _NS + sid

    def fill(r, carry):
      ones_v[pl.ds(r * 16, 16)] = jnp.ones((16,), jnp.float32)
      return carry

    lax.fori_loop(0, _C // 16, fill, 0)

    def zfill(r, carry):
      zb_v[pl.ds(r * 16, 16)] = jnp.zeros((16,), jnp.float32)
      return carry

    lax.fori_loop(0, _RPS // 16, zfill, 0)
    pltpu.sync_copy(zb_v, acc_sh.at[pl.ds(sid * _RPS, _RPS)])
    pltpu.sync_copy(dst_hbm.at[wid], didx_v)
    plsc.subcore_barrier()

    def chunk(i, carry):
      pltpu.sync_copy(ones_v, acc_sh.at[didx_v.at[i]], add=True)
      return carry

    lax.fori_loop(0, _NCH, chunk, 0)
    plsc.subcore_barrier()
    pltpu.sync_copy(acc_sh.at[pl.ds(sid * _RPS, _RPS)],
                    out_hbm.at[pl.ds(cid * _NA + sid * _RPS, _RPS)])

  return deg_kernel


def _make_sc_scatter():
  mesh = plsc.VectorSubcoreMesh(core_axis_name="c", subcore_axis_name="s")

  @functools.partial(
      pl.kernel,
      out_type=jax.ShapeDtypeStruct((_NC, _N, _D), jnp.float32),
      mesh=mesh,
      scratch_types=[
          pltpu.VMEM((_C,), jnp.int32),
          pltpu.VMEM((_C,), jnp.int32),
          pltpu.VMEM((_C,), jnp.int32),
          pltpu.VMEM((_C,), jnp.int32),
          pltpu.VMEM((_C, _D), jnp.float32),
          pltpu.VMEM((_C, _D), jnp.float32),
          pltpu.VMEM_SHARED((_NA, _D), jnp.float32),
          pltpu.SemaphoreType.DMA,
          pltpu.SemaphoreType.DMA,
          pltpu.SemaphoreType.DMA,
          pltpu.SemaphoreType.DMA,
      ],
  )
  def scat_kernel(p_hbm, src_hbm, dst_hbm, out_hbm, sidx0, didx0, sidx1,
                  didx1, rows0, rows1, acc_sh, g0, g1, i0, i1):
    cid = lax.axis_index("c")
    sid = lax.axis_index("s")
    wid = cid * _NS + sid
    base = wid * _EPW

    def zfill(r, carry):
      for cc in range(_D // 16):
        rows0[r, pl.ds(cc * 16, 16)] = jnp.zeros((16,), jnp.float32)
      return carry

    lax.fori_loop(0, _C, zfill, 0)

    def zcopy(j, carry):
      pltpu.sync_copy(rows0, acc_sh.at[pl.ds(sid * _RPS + j * _C, _C)])
      return carry

    lax.fori_loop(0, _RPS // _C, zcopy, 0)
    plsc.subcore_barrier()

    pltpu.sync_copy(src_hbm.at[pl.ds(base, _C)], sidx0)
    pltpu.sync_copy(dst_hbm.at[pl.ds(base, _C)], didx0)
    pltpu.sync_copy(src_hbm.at[pl.ds(base + _C, _C)], sidx1)
    pltpu.sync_copy(dst_hbm.at[pl.ds(base + _C, _C)], didx1)
    pltpu.async_copy(p_hbm.at[sidx0], rows0, g0)
    pltpu.async_copy(p_hbm.at[sidx1], rows1, g1)

    def pair(t, carry):
      a = 2 * t

      def bank(c, sidx, didx, rows, gsem, isem):
        pltpu.make_async_copy(p_hbm.at[sidx], rows, gsem).wait()
        pltpu.sync_copy(rows, acc_sh.at[didx], add=True)

        @pl.when(c + 2 < _NCH)
        def _next():
          off = base + (c + 2) * _C
          pltpu.async_copy(src_hbm.at[pl.ds(off, _C)], sidx, isem)
          pltpu.async_copy(dst_hbm.at[pl.ds(off, _C)], didx, isem)
          pltpu.make_async_copy(src_hbm.at[pl.ds(off, _C)], sidx, isem).wait()
          pltpu.make_async_copy(dst_hbm.at[pl.ds(off, _C)], didx, isem).wait()
          pltpu.async_copy(p_hbm.at[sidx], rows, gsem)

      bank(a, sidx0, didx0, rows0, g0, i0)
      bank(a + 1, sidx1, didx1, rows1, g1, i1)
      return carry

    lax.fori_loop(0, _NCH // 2, pair, 0)
    pltpu.make_async_copy(p_hbm.at[sidx0], rows0, g0).wait()
    pltpu.sync_copy(rows0, acc_sh.at[didx0], add=True)
    plsc.subcore_barrier()

    @pl.when(sid < _NS - 1)
    def _full():
      pltpu.sync_copy(
          acc_sh.at[pl.ds(sid * _RPS, _RPS)],
          out_hbm.at[cid, pl.ds(sid * _RPS, _RPS)],
      )

    @pl.when(sid == _NS - 1)
    def _tail():
      pltpu.sync_copy(
          acc_sh.at[pl.ds(sid * _RPS, _LAST)],
          out_hbm.at[cid, pl.ds(sid * _RPS, _LAST)],
      )

  return scat_kernel


def _dinv_block(dpt_ref):
  deg = dpt_ref[:, 0:1] + dpt_ref[:, 1:2] + 1.0
  return lax.rsqrt(deg)


def _tc_first(x, w, dpt):
  def body(x_ref, w_ref, dpt_ref, p_ref):
    dinv = _dinv_block(dpt_ref)
    h = jnp.dot(x_ref[...], w_ref[...], preferred_element_type=jnp.float32)
    p_ref[...] = h * dinv

  return pl.pallas_call(
      body,
      grid=(_TCG,),
      in_specs=[
          pl.BlockSpec((_TCB, _D), lambda i: (i, 0)),
          pl.BlockSpec((_D, _D), lambda i: (0, 0)),
          pl.BlockSpec((_TCB, _NC), lambda i: (i, 0)),
      ],
      out_specs=pl.BlockSpec((_TCB, _D), lambda i: (i, 0)),
      out_shape=jax.ShapeDtypeStruct((_N, _D), jnp.float32),
  )(x, w, dpt)


def _tc_mid(p, dpt, sp, w, b):
  def body(p_ref, dpt_ref, sp_ref, w_ref, b_ref, o_ref):
    dinv = _dinv_block(dpt_ref)
    s = sp_ref[0] + sp_ref[1] + p_ref[...]
    a = jnp.maximum(s * dinv + b_ref[...], 0.0)
    h = jnp.dot(a, w_ref[...], preferred_element_type=jnp.float32)
    o_ref[...] = h * dinv

  return pl.pallas_call(
      body,
      grid=(_TCG,),
      in_specs=[
          pl.BlockSpec((_TCB, _D), lambda i: (i, 0)),
          pl.BlockSpec((_TCB, _NC), lambda i: (i, 0)),
          pl.BlockSpec((_NC, _TCB, _D), lambda i: (0, i, 0)),
          pl.BlockSpec((_D, _D), lambda i: (0, 0)),
          pl.BlockSpec((1, _D), lambda i: (0, 0)),
      ],
      out_specs=pl.BlockSpec((_TCB, _D), lambda i: (i, 0)),
      out_shape=jax.ShapeDtypeStruct((_N, _D), jnp.float32),
  )(p, dpt, sp, w, b)


def _tc_final(p, dpt, sp, b):
  def body(p_ref, dpt_ref, sp_ref, b_ref, o_ref):
    dinv = _dinv_block(dpt_ref)
    s = sp_ref[0] + sp_ref[1] + p_ref[...]
    o_ref[...] = s * dinv + b_ref[...]

  return pl.pallas_call(
      body,
      grid=(_TCG,),
      in_specs=[
          pl.BlockSpec((_TCB, _D), lambda i: (i, 0)),
          pl.BlockSpec((_TCB, _NC), lambda i: (i, 0)),
          pl.BlockSpec((_NC, _TCB, _D), lambda i: (0, i, 0)),
          pl.BlockSpec((1, _D), lambda i: (0, 0)),
      ],
      out_specs=pl.BlockSpec((_TCB, _D), lambda i: (i, 0)),
      out_shape=jax.ShapeDtypeStruct((_N, _D), jnp.float32),
  )(p, dpt, sp, b)


_sc_degree = _make_sc_degree()
_sc_scatter = _make_sc_scatter()


def kernel(x, edge_index, W1, b1, W2, b2, W3, b3):
  src1 = edge_index[0]
  dst1 = edge_index[1]
  dst3 = dst1.reshape(_NW, _NCH, _C)
  b1r = b1.reshape(1, _D)
  b2r = b2.reshape(1, _D)
  b3r = b3.reshape(1, _D)

  dflat = _sc_degree(dst3).reshape(_NC, _NA)
  dpt = jnp.stack([dflat[0, :_N], dflat[1, :_N]], axis=1)
  p1 = _tc_first(x, W1, dpt)
  sp = _sc_scatter(p1, src1, dst1)
  p2 = _tc_mid(p1, dpt, sp, W2, b1r)
  sp = _sc_scatter(p2, src1, dst1)
  p3 = _tc_mid(p2, dpt, sp, W3, b2r)
  sp = _sc_scatter(p3, src1, dst1)
  return _tc_final(p3, dpt, sp, b3r)

# --- scband reference (transcript-rebuilt; emitter-appended) ---
"""Pipeline reference for scband-gcnblock-35871566856216 (READ-ONLY COPY).

The authoritative reference and input builder live on the scoring server;
editing this copy changes nothing except your own understanding.
"""

import jax, jax.numpy as jnp
import numpy as np

N = 10000
D = 128
E = 320000


def _gcn_conv(x, src, dst, W, b):
    # GCNConv: h = x @ W, symmetric normalization with self-loops (already appended),
    # scatter-add messages to destination nodes, then add bias.
    h = x @ W
    ones = jnp.ones(src.shape[0], dtype=x.dtype)
    deg = jax.ops.segment_sum(ones, dst, num_segments=N)
    dinv = jnp.where(deg > 0, jax.lax.rsqrt(jnp.maximum(deg, 1e-12)), 0.0)
    norm = dinv[src] * dinv[dst]
    msg = h[src] * norm[:, None]
    out = jax.ops.segment_sum(msg, dst, num_segments=N)
    return out + b


def setup_inputs(seed: int = 0) -> dict:
    key = jax.random.key(seed)
    ks = jax.random.split(key, 8)
    x = jax.random.normal(ks[0], (N, D), dtype=jnp.float32)
    edge_index = jax.random.randint(ks[1], (2, E), 0, N)
    scale = 1.0 / np.sqrt(D)
    W1 = jax.random.normal(ks[2], (D, D), dtype=jnp.float32) * scale
    W2 = jax.random.normal(ks[3], (D, D), dtype=jnp.float32) * scale
    W3 = jax.random.normal(ks[4], (D, D), dtype=jnp.float32) * scale
    b1 = jnp.zeros((D,), dtype=jnp.float32)
    b2 = jnp.zeros((D,), dtype=jnp.float32)
    b3 = jnp.zeros((D,), dtype=jnp.float32)
    return {"x": x, "edge_index": edge_index, "W1": W1, "b1": b1, "W2": W2, "b2": b2, "W3": W3, "b3": b3}


def reference(x, edge_index, W1, b1, W2, b2, W3, b3):
    # GCNBlock with depth=3, time_inv=False (3 distinct GCNConv layers),
    # linear=False -> ReLU between layers, dropout_rate=0.0 (eval), control_type='null'.
    loops = jnp.arange(N, dtype=edge_index.dtype)
    src = jnp.concatenate([edge_index[0], loops])
    dst = jnp.concatenate([edge_index[1], loops])
    h = _gcn_conv(x, src, dst, W1, b1)
    h = jax.nn.relu(h)
    h = _gcn_conv(h, src, dst, W2, b2)
    h = jax.nn.relu(h)
    h = _gcn_conv(h, src, dst, W3, b3)
    return h

if __name__ == "__main__":
    import jax
    _d = setup_inputs()
    print(jax.jit(kernel)(*tuple(_d.values())))

</pallas_src>

<mosaic_0001>
#map = affine_map<(d0, d1) -> (0, 0)>
#map1 = affine_map<(d0, d1) -> (0)>
#map2 = affine_map<(d0, d1) -> (0, 0, 0)>
module attributes {stable_mosaic.version = 14 : i64} {
  func.func @scat_kernel(%arg0: i32, %arg1: i32, %arg2: memref<10000x128xf32, #tpu.memory_space<hbm>>, %arg3: memref<320000xi32, #tpu.memory_space<hbm>>, %arg4: memref<320000xi32, #tpu.memory_space<hbm>>, %arg5: memref<2x10000x128xf32, #tpu.memory_space<hbm>>, %arg6: memref<80xi32, #tpu.memory_space<vmem>>, %arg7: memref<80xi32, #tpu.memory_space<vmem>>, %arg8: memref<80xi32, #tpu.memory_space<vmem>>, %arg9: memref<80xi32, #tpu.memory_space<vmem>>, %arg10: memref<80x128xf32, #tpu.memory_space<vmem>>, %arg11: memref<80x128xf32, #tpu.memory_space<vmem>>, %arg12: memref<10240x128xf32, #tpu.memory_space<vmem_shared>>, %arg13: memref<!tpu.dma_semaphore, #tpu.memory_space<semaphore_mem>>, %arg14: memref<!tpu.dma_semaphore, #tpu.memory_space<semaphore_mem>>, %arg15: memref<!tpu.dma_semaphore, #tpu.memory_space<semaphore_mem>>, %arg16: memref<!tpu.dma_semaphore, #tpu.memory_space<semaphore_mem>>) attributes {dimension_semantics = [#tpu.dimension_semantics<core_parallel>, #tpu.dimension_semantics<subcore_parallel>], iteration_bounds = array<i64: 2, 16>, scalar_prefetch = 0 : i64, scratch_operands = 11 : i64, tpu.core_type = #tpu.core_type<sc_vector_subcore>, window_params = [{transform_indices = #map}, {transform_indices = #map1}, {transform_indices = #map1}, {transform_indices = #map2}]} {
    %mul3A = arith.constant 16 : i32
    %mul3A_0 = arith.muli %arg0, %mul3A : i32
    %add3A = arith.addi %mul3A_0, %arg1 : i32
    %mul3A_1 = arith.constant 10000 : i32
    %mul3A_2 = arith.muli %add3A, %mul3A_1 : i32
    %scan3A = arith.constant 0 : i32
    %scan3A_3 = arith.constant 0 : i32
    %scan3A_4 = arith.constant 80 : i32
    %scan3A_5 = arith.addi %scan3A_3, %scan3A_4 : i32
    %scan3A_6 = arith.constant 1 : i32
    scf.for %scan3A_38 = %scan3A_3 to %scan3A_5 step %scan3A_6  : i32 {
      %broadcast_in_dim3A = arith.constant 0.000000e+00 : f32
      %broadcast_in_dim3A_39 = vector.broadcast %broadcast_in_dim3A : f32 to vector<16xf32>
      %swap3A = arith.index_cast %scan3A_38 : i32 to index
      %swap3A_40 = arith.constant 0 : index
      %swap3A_41 = tpu.vector_load %arg10[%swap3A, %swap3A_40] {strides = array<i32>} : memref<80x128xf32, #tpu.memory_space<vmem>>, vector<1x16xf32>,
      %swap3A_42 = vector.shape_cast %swap3A_41 : vector<1x16xf32> to vector<16xf32>
      %swap3A_43 = vector.shape_cast %broadcast_in_dim3A_39 : vector<16xf32> to vector<1x16xf32>
      tpu.vector_store %arg10[%swap3A, %swap3A_40], %swap3A_43 {strides = array<i32>} : memref<80x128xf32, #tpu.memory_space<vmem>>, vector<1x16xf32>,
      %broadcast_in_dim3A_44 = arith.constant 0.000000e+00 : f32
      %broadcast_in_dim3A_45 = vector.broadcast %broadcast_in_dim3A_44 : f32 to vector<16xf32>
      %swap3A_46 = arith.index_cast %scan3A_38 : i32 to index
      %swap3A_47 = arith.constant 16 : index
      %swap3A_48 = tpu.vector_load %arg10[%swap3A_46, %swap3A_47] {strides = array<i32>} : memref<80x128xf32, #tpu.memory_space<vmem>>, vector<1x16xf32>,
      %swap3A_49 = vector.shape_cast %swap3A_48 : vector<1x16xf32> to vector<16xf32>
      %swap3A_50 = vector.shape_cast %broadcast_in_dim3A_45 : vector<16xf32> to vector<1x16xf32>
      tpu.vector_store %arg10[%swap3A_46, %swap3A_47], %swap3A_50 {strides = array<i32>} : memref<80x128xf32, #tpu.memory_space<vmem>>, vector<1x16xf32>,
      %broadcast_in_dim3A_51 = arith.constant 0.000000e+00 : f32
      %broadcast_in_dim3A_52 = vector.broadcast %broadcast_in_dim3A_51 : f32 to vector<16xf32>
      %swap3A_53 = arith.index_cast %scan3A_38 : i32 to index
      %swap3A_54 = arith.constant 32 : index
      %swap3A_55 = tpu.vector_load %arg10[%swap3A_53, %swap3A_54] {strides = array<i32>} : memref<80x128xf32, #tpu.memory_space<vmem>>, vector<1x16xf32>,
      %swap3A_56 = vector.shape_cast %swap3A_55 : vector<1x16xf32> to vector<16xf32>
      %swap3A_57 = vector.shape_cast %broadcast_in_dim3A_52 : vector<16xf32> to vector<1x16xf32>
      tpu.vector_store %arg10[%swap3A_53, %swap3A_54], %swap3A_57 {strides = array<i32>} : memref<80x128xf32, #tpu.memory_space<vmem>>, vector<1x16xf32>,
      %broadcast_in_dim3A_58 = arith.constant 0.000000e+00 : f32
      %broadcast_in_dim3A_59 = vector.broadcast %broadcast_in_dim3A_58 : f32 to vector<16xf32>
      %swap3A_60 = arith.index_cast %scan3A_38 : i32 to index
      %swap3A_61 = arith.constant 48 : index
      %swap3A_62 = tpu.vector_load %arg10[%swap3A_60, %swap3A_61] {strides = array<i32>} : memref<80x128xf32, #tpu.memory_space<vmem>>, vector<1x16xf32>,
      %swap3A_63 = vector.shape_cast %swap3A_62 : vector<1x16xf32> to vector<16xf32>
      %swap3A_64 = vector.shape_cast %broadcast_in_dim3A_59 : vector<16xf32> to vector<1x16xf32>
      tpu.vector_store %arg10[%swap3A_60, %swap3A_61], %swap3A_64 {strides = array<i32>} : memref<80x128xf32, #tpu.memory_space<vmem>>, vector<1x16xf32>,
      %broadcast_in_dim3A_65 = arith.constant 0.000000e+00 : f32
      %broadcast_in_dim3A_66 = vector.broadcast %broadcast_in_dim3A_65 : f32 to vector<16xf32>
      %swap3A_67 = arith.index_cast %scan3A_38 : i32 to index
      %swap3A_68 = arith.constant 64 : index
      %swap3A_69 = tpu.vector_load %arg10[%swap3A_67, %swap3A_68] {strides = array<i32>} : memref<80x128xf32, #tpu.memory_space<vmem>>, vector<1x16xf32>,
      %swap3A_70 = vector.shape_cast %swap3A_69 : vector<1x16xf32> to vector<16xf32>
      %swap3A_71 = vector.shape_cast %broadcast_in_dim3A_66 : vector<16xf32> to vector<1x16xf32>
      tpu.vector_store %arg10[%swap3A_67, %swap3A_68], %swap3A_71 {strides = array<i32>} : memref<80x128xf32, #tpu.memory_space<vmem>>, vector<1x16xf32>,
      %broadcast_in_dim3A_72 = arith.constant 0.000000e+00 : f32
      %broadcast_in_dim3A_73 = vector.broadcast %broadcast_in_dim3A_72 : f32 to vector<16xf32>
      %swap3A_74 = arith.index_cast %scan3A_38 : i32 to index
      %swap3A_75 = arith.constant 80 : index
      %swap3A_76 = tpu.vector_load %arg10[%swap3A_74, %swap3A_75] {strides = array<i32>} : memref<80x128xf32, #tpu.memory_space<vmem>>, vector<1x16xf32>,
      %swap3A_77 = vector.shape_cast %swap3A_76 : vector<1x16xf32> to vector<16xf32>
      %swap3A_78 = vector.shape_cast %broadcast_in_dim3A_73 : vector<16xf32> to vector<1x16xf32>
      tpu.vector_store %arg10[%swap3A_74, %swap3A_75], %swap3A_78 {strides = array<i32>} : memref<80x128xf32, #tpu.memory_space<vmem>>, vector<1x16xf32>,
      %broadcast_in_dim3A_79 = arith.constant 0.000000e+00 : f32
      %broadcast_in_dim3A_80 = vector.broadcast %broadcast_in_dim3A_79 : f32 to vector<16xf32>
      %swap3A_81 = arith.index_cast %scan3A_38 : i32 to index
      %swap3A_82 = arith.constant 96 : index
      %swap3A_83 = tpu.vector_load %arg10[%swap3A_81, %swap3A_82] {strides = array<i32>} : memref<80x128xf32, #tpu.memory_space<vmem>>, vector<1x16xf32>,
      %swap3A_84 = vector.shape_cast %swap3A_83 : vector<1x16xf32> to vector<16xf32>
      %swap3A_85 = vector.shape_cast %broadcast_in_dim3A_80 : vector<16xf32> to vector<1x16xf32>
      tpu.vector_store %arg10[%swap3A_81, %swap3A_82], %swap3A_85 {strides = array<i32>} : memref<80x128xf32, #tpu.memory_space<vmem>>, vector<1x16xf32>,
      %broadcast_in_dim3A_86 = arith.constant 0.000000e+00 : f32
      %broadcast_in_dim3A_87 = vector.broadcast %broadcast_in_dim3A_86 : f32 to vector<16xf32>
      %swap3A_88 = arith.index_cast %scan3A_38 : i32 to index
      %swap3A_89 = arith.constant 112 : index
      %swap3A_90 = tpu.vector_load %arg10[%swap3A_88, %swap3A_89] {strides = array<i32>} : memref<80x128xf32, #tpu.memory_space<vmem>>, vector<1x16xf32>,
      %swap3A_91 = vector.shape_cast %swap3A_90 : vector<1x16xf32> to vector<16xf32>
      %swap3A_92 = vector.shape_cast %broadcast_in_dim3A_87 : vector<16xf32> to vector<1x16xf32>
      tpu.vector_store %arg10[%swap3A_88, %swap3A_89], %swap3A_92 {strides = array<i32>} : memref<80x128xf32, #tpu.memory_space<vmem>>, vector<1x16xf32>,
    }
    %scan3A_7 = arith.constant 80 : i32
    %scan3A_8 = arith.constant 0 : i32
    %scan3A_9 = arith.constant 0 : i32
    %scan3A_10 = arith.constant 8 : i32
    %scan3A_11 = arith.addi %scan3A_9, %scan3A_10 : i32
    %scan3A_12 = arith.constant 1 : i32
    scf.for %scan3A_38 = %scan3A_9 to %scan3A_11 step %scan3A_12  : i32 {
      %mul3A_39 = arith.constant 640 : i32
      %mul3A_40 = arith.muli %arg1, %mul3A_39 : i32
      %mul3A_41 = arith.constant 80 : i32
      %mul3A_42 = arith.muli %scan3A_38, %mul3A_41 : i32
      %add3A_43 = arith.addi %mul3A_40, %mul3A_42 : i32
      "tpu.region"() ({
        %run_scoped3A = tpu.sem_alloc : memref<!tpu.dma_semaphore, #tpu.memory_space<semaphore_mem>>
        %dma_start3A_44 = arith.constant 0 : i32
        %dma_start3A_45 = tpu.memref_slice %arg12[%add3A_43, %dma_start3A_44] : memref<10240x128xf32, #tpu.memory_space<vmem_shared>> -> memref<80x128xf32, #tpu.memory_space<vmem_shared>>
        %dma_start3A_46 = arith.constant 0 : i32
        %dma_start3A_47 = tpu.memref_slice %arg12[%add3A_43, %dma_start3A_46] : memref<10240x128xf32, #tpu.memory_space<vmem_shared>> -> memref<80x128xf32, #tpu.memory_space<vmem_shared>>
        tpu.enqueue_dma source(%arg10 : memref<80x128xf32, #tpu.memory_space<vmem>>) target(%dma_start3A_47 : memref<80x128xf32, #tpu.memory_space<vmem_shared>>) target_semaphore(%run_scoped3A : memref<!tpu.dma_semaphore, #tpu.memory_space<semaphore_mem>>)
        %dma_wait3A_48 = arith.constant 0 : i32
        %dma_wait3A_49 = tpu.memref_slice %arg12[%add3A_43, %dma_wait3A_48] : memref<10240x128xf32, #tpu.memory_space<vmem_shared>> -> memref<80x128xf32, #tpu.memory_space<vmem_shared>>
        %dma_wait3A_50 = arith.constant 0 : i32
        %dma_wait3A_51 = tpu.memref_slice %arg12[%add3A_43, %dma_wait3A_50] : memref<10240x128xf32, #tpu.memory_space<vmem_shared>> -> memref<80x128xf32, #tpu.memory_space<vmem_shared>>
        tpu.wait_dma2 semaphore(%run_scoped3A : memref<!tpu.dma_semaphore, #tpu.memory_space<semaphore_mem>>) src(%arg10 : memref<80x128xf32, #tpu.memory_space<vmem>>) dst(%dma_wait3A_51 : memref<80x128xf32, #tpu.memory_space<vmem_shared>>)
        tpu.yield
      }) : () -> ()
    }
    %scan3A_13 = arith.constant 8 : i32
    %barrier3A = arith.constant 0 : index
    tpu.barrier barrier_id(%barrier3A)
    "tpu.region"() ({
      %run_scoped3A = tpu.sem_alloc : memref<!tpu.dma_semaphore, #tpu.memory_space<semaphore_mem>>
      %dma_start3A_38 = tpu.memref_slice %arg3[%mul3A_2] : memref<320000xi32, #tpu.memory_space<hbm>> -> memref<80xi32, #tpu.memory_space<hbm>>
      %dma_start3A_39 = tpu.memref_slice %arg3[%mul3A_2] : memref<320000xi32, #tpu.memory_space<hbm>> -> memref<80xi32, #tpu.memory_space<hbm>>
      tpu.enqueue_dma source(%dma_start3A_39 : memref<80xi32, #tpu.memory_space<hbm>>) target(%arg6 : memref<80xi32, #tpu.memory_space<vmem>>) target_semaphore(%run_scoped3A : memref<!tpu.dma_semaphore, #tpu.memory_space<semaphore_mem>>)
      %dma_wait3A_40 = tpu.memref_slice %arg3[%mul3A_2] : memref<320000xi32, #tpu.memory_space<hbm>> -> memref<80xi32, #tpu.memory_space<hbm>>
      %dma_wait3A_41 = tpu.memref_slice %arg3[%mul3A_2] : memref<320000xi32, #tpu.memory_space<hbm>> -> memref<80xi32, #tpu.memory_space<hbm>>
      tpu.wait_dma2 semaphore(%run_scoped3A : memref<!tpu.dma_semaphore, #tpu.memory_space<semaphore_mem>>) src(%dma_wait3A_41 : memref<80xi32, #tpu.memory_space<hbm>>) dst(%arg6 : memref<80xi32, #tpu.memory_space<vmem>>)
      tpu.yield
    }) : () -> ()
    "tpu.region"() ({
      %run_scoped3A = tpu.sem_alloc : memref<!tpu.dma_semaphore, #tpu.memory_space<semaphore_mem>>
      %dma_start3A_38 = tpu.memref_slice %arg4[%mul3A_2] : memref<320000xi32, #tpu.memory_space<hbm>> -> memref<80xi32, #tpu.memory_space<hbm>>
      %dma_start3A_39 = tpu.memref_slice %arg4[%mul3A_2] : memref<320000xi32, #tpu.memory_space<hbm>> -> memref<80xi32, #tpu.memory_space<hbm>>
      tpu.enqueue_dma source(%dma_start3A_39 : memref<80xi32, #tpu.memory_space<hbm>>) target(%arg7 : memref<80xi32, #tpu.memory_space<vmem>>) target_semaphore(%run_scoped3A : memref<!tpu.dma_semaphore, #tpu.memory_space<semaphore_mem>>)
      %dma_wait3A_40 = tpu.memref_slice %arg4[%mul3A_2] : memref<320000xi32, #tpu.memory_space<hbm>> -> memref<80xi32, #tpu.memory_space<hbm>>
      %dma_wait3A_41 = tpu.memref_slice %arg4[%mul3A_2] : memref<320000xi32, #tpu.memory_space<hbm>> -> memref<80xi32, #tpu.memory_space<hbm>>
      tpu.wait_dma2 semaphore(%run_scoped3A : memref<!tpu.dma_semaphore, #tpu.memory_space<semaphore_mem>>) src(%dma_wait3A_41 : memref<80xi32, #tpu.memory_space<hbm>>) dst(%arg7 : memref<80xi32, #tpu.memory_space<vmem>>)
      tpu.yield
    }) : () -> ()
    %add3A_14 = arith.constant 80 : i32
    %add3A_15 = arith.addi %mul3A_2, %add3A_14 : i32
    "tpu.region"() ({
      %run_scoped3A = tpu.sem_alloc : memref<!tpu.dma_semaphore, #tpu.memory_space<semaphore_mem>>
      %dma_start3A_38 = tpu.memref_slice %arg3[%add3A_15] : memref<320000xi32, #tpu.memory_space<hbm>> -> memref<80xi32, #tpu.memory_space<hbm>>
      %dma_start3A_39 = tpu.memref_slice %arg3[%add3A_15] : memref<320000xi32, #tpu.memory_space<hbm>> -> memref<80xi32, #tpu.memory_space<hbm>>
      tpu.enqueue_dma source(%dma_start3A_39 : memref<80xi32, #tpu.memory_space<hbm>>) target(%arg8 : memref<80xi32, #tpu.memory_space<vmem>>) target_semaphore(%run_scoped3A : memref<!tpu.dma_semaphore, #tpu.memory_space<semaphore_mem>>)
      %dma_wait3A_40 = tpu.memref_slice %arg3[%add3A_15] : memref<320000xi32, #tpu.memory_space<hbm>> -> memref<80xi32, #tpu.memory_space<hbm>>
      %dma_wait3A_41 = tpu.memref_slice %arg3[%add3A_15] : memref<320000xi32, #tpu.memory_space<hbm>> -> memref<80xi32, #tpu.memory_space<hbm>>
      tpu.wait_dma2 semaphore(%run_scoped3A : memref<!tpu.dma_semaphore, #tpu.memory_space<semaphore_mem>>) src(%dma_wait3A_41 : memref<80xi32, #tpu.memory_space<hbm>>) dst(%arg8 : memref<80xi32, #tpu.memory_space<vmem>>)
      tpu.yield
    }) : () -> ()
    %add3A_16 = arith.constant 80 : i32
    %add3A_17 = arith.addi %mul3A_2, %add3A_16 : i32
    "tpu.region"() ({
      %run_scoped3A = tpu.sem_alloc : memref<!tpu.dma_semaphore, #tpu.memory_space<semaphore_mem>>
      %dma_start3A_38 = tpu.memref_slice %arg4[%add3A_17] : memref<320000xi32, #tpu.memory_space<hbm>> -> memref<80xi32, #tpu.memory_space<hbm>>
      %dma_start3A_39 = tpu.memref_slice %arg4[%add3A_17] : memref<320000xi32, #tpu.memory_space<hbm>> -> memref<80xi32, #tpu.memory_space<hbm>>
      tpu.enqueue_dma source(%dma_start3A_39 : memref<80xi32, #tpu.memory_space<hbm>>) target(%arg9 : memref<80xi32, #tpu.memory_space<vmem>>) target_semaphore(%run_scoped3A : memref<!tpu.dma_semaphore, #tpu.memory_space<semaphore_mem>>)
      %dma_wait3A_40 = tpu.memref_slice %arg4[%add3A_17] : memref<320000xi32, #tpu.memory_space<hbm>> -> memref<80xi32, #tpu.memory_space<hbm>>
      %dma_wait3A_41 = tpu.memref_slice %arg4[%add3A_17] : memref<320000xi32, #tpu.memory_space<hbm>> -> memref<80xi32, #tpu.memory_space<hbm>>
      tpu.wait_dma2 semaphore(%run_scoped3A : memref<!tpu.dma_semaphore, #tpu.memory_space<semaphore_mem>>) src(%dma_wait3A_41 : memref<80xi32, #tpu.memory_space<hbm>>) dst(%arg9 : memref<80xi32, #tpu.memory_space<vmem>>)
      tpu.yield
    }) : () -> ()
    %dma_start3A = arith.constant 0 : i32
    %dma_start3A_18 = arith.constant 0 : i32
    %dma_start3A_19 = tpu.memref_slice %arg2[%dma_start3A, %dma_start3A_18] : memref<10000x128xf32, #tpu.memory_space<hbm>> -> memref<10000x128xf32, #tpu.memory_space<hbm>>
    tpu.enqueue_indirect_dma source(%dma_start3A_19 : memref<10000x128xf32, #tpu.memory_space<hbm>>) target(%arg10 : memref<80x128xf32, #tpu.memory_space<vmem>>) offsets(%arg6 : memref<80xi32, #tpu.memory_space<vmem>>) semaphore(%arg13 : memref<!tpu.dma_semaphore, #tpu.memory_space<semaphore_mem>>)
    %dma_start3A_20 = arith.constant 0 : i32
    %dma_start3A_21 = arith.constant 0 : i32
    %dma_start3A_22 = tpu.memref_slice %arg2[%dma_start3A_20, %dma_start3A_21] : memref<10000x128xf32, #tpu.memory_space<hbm>> -> memref<10000x128xf32, #tpu.memory_space<hbm>>
    tpu.enqueue_indirect_dma source(%dma_start3A_22 : memref<10000x128xf32, #tpu.memory_space<hbm>>) target(%arg11 : memref<80x128xf32, #tpu.memory_space<vmem>>) offsets(%arg8 : memref<80xi32, #tpu.memory_space<vmem>>) semaphore(%arg14 : memref<!tpu.dma_semaphore, #tpu.memory_space<semaphore_mem>>)
    %scan3A_23 = arith.constant 0 : i32
    %scan3A_24 = arith.constant 0 : i32
    %scan3A_25 = arith.constant 62 : i32
    %scan3A_26 = arith.addi %scan3A_24, %scan3A_25 : i32
    %scan3A_27 = arith.constant 1 : i32
    scf.for %scan3A_38 = %scan3A_24 to %scan3A_26 step %scan3A_27  : i32 {
      %mul3A_39 = arith.constant 2 : i32
      %mul3A_40 = arith.muli %mul3A_39, %scan3A_38 : i32
      %dma_wait3A_41 = arith.constant 0 : i32
      %dma_wait3A_42 = arith.constant 0 : i32
      %dma_wait3A_43 = tpu.memref_slice %arg2[%dma_wait3A_41, %dma_wait3A_42] : memref<10000x128xf32, #tpu.memory_space<hbm>> -> memref<10000x128xf32, #tpu.memory_space<hbm>>
      tpu.wait_indirect_dma semaphore(%arg13 : memref<!tpu.dma_semaphore, #tpu.memory_space<semaphore_mem>>) src(%dma_wait3A_43 : memref<10000x128xf32, #tpu.memory_space<hbm>>) dst(%arg10 : memref<80x128xf32, #tpu.memory_space<vmem>>)
      "tpu.region"() ({
        %run_scoped3A = tpu.sem_alloc : memref<!tpu.dma_semaphore, #tpu.memory_space<semaphore_mem>>
        %dma_start3A_63 = arith.constant 0 : i32
        %dma_start3A_64 = arith.constant 0 : i32
        %dma_start3A_65 = tpu.memref_slice %arg12[%dma_start3A_63, %dma_start3A_64] : memref<10240x128xf32, #tpu.memory_space<vmem_shared>> -> memref<10240x128xf32, #tpu.memory_space<vmem_shared>>
        tpu.enqueue_indirect_dma source(%arg10 : memref<80x128xf32, #tpu.memory_space<vmem>>) target(%dma_start3A_65 : memref<10240x128xf32, #tpu.memory_space<vmem_shared>>) offsets(%arg7 : memref<80xi32, #tpu.memory_space<vmem>>) semaphore(%run_scoped3A : memref<!tpu.dma_semaphore, #tpu.memory_space<semaphore_mem>>) {add = true}
        %dma_wait3A_66 = arith.constant 0 : i32
        %dma_wait3A_67 = arith.constant 0 : i32
        %dma_wait3A_68 = tpu.memref_slice %arg12[%dma_wait3A_66, %dma_wait3A_67] : memref<10240x128xf32, #tpu.memory_space<vmem_shared>> -> memref<10240x128xf32, #tpu.memory_space<vmem_shared>>
        tpu.wait_indirect_dma semaphore(%run_scoped3A : memref<!tpu.dma_semaphore, #tpu.memory_space<semaphore_mem>>) src(%arg10 : memref<80x128xf32, #tpu.memory_space<vmem>>) dst(%dma_wait3A_68 : memref<10240x128xf32, #tpu.memory_space<vmem_shared>>)
        tpu.yield
      }) : () -> ()
      %add3A_44 = arith.constant 2 : i32
      %add3A_45 = arith.addi %mul3A_40, %add3A_44 : i32
      %lt3A_46 = arith.constant 125 : i32
      %lt3A_47 = arith.cmpi slt, %add3A_45, %lt3A_46 : i32
      %convert_element_type3A_48 = arith.extui %lt3A_47 : i1 to i32
      %cond3A_49 = arith.constant 0 : i32
      %cond3A_50 = arith.cmpi ne, %convert_element_type3A_48, %cond3A_49 : i32
      scf.if %cond3A_50 {
        %add3A_63 = arith.constant 2 : i32
        %add3A_64 = arith.addi %mul3A_40, %add3A_63 : i32
        %mul3A_65 = arith.constant 80 : i32
        %mul3A_66 = arith.muli %add3A_64, %mul3A_65 : i32
        %add3A_67 = arith.addi %mul3A_2, %mul3A_66 : i32
        %dma_start3A_68 = tpu.memref_slice %arg3[%add3A_67] : memref<320000xi32, #tpu.memory_space<hbm>> -> memref<80xi32, #tpu.memory_space<hbm>>
        %dma_start3A_69 = tpu.memref_slice %arg3[%add3A_67] : memref<320000xi32, #tpu.memory_space<hbm>> -> memref<80xi32, #tpu.memory_space<hbm>>
        tpu.enqueue_dma source(%dma_start3A_69 : memref<80xi32, #tpu.memory_space<hbm>>) target(%arg6 : memref<80xi32, #tpu.memory_space<vmem>>) target_semaphore(%arg15 : memref<!tpu.dma_semaphore, #tpu.memory_space<semaphore_mem>>)
        %dma_start3A_70 = tpu.memref_slice %arg4[%add3A_67] : memref<320000xi32, #tpu.memory_space<hbm>> -> memref<80xi32, #tpu.memory_space<hbm>>
        %dma_start3A_71 = tpu.memref_slice %arg4[%add3A_67] : memref<320000xi32, #tpu.memory_space<hbm>> -> memref<80xi32, #tpu.memory_space<hbm>>
        tpu.enqueue_dma source(%dma_start3A_71 : memref<80xi32, #tpu.memory_space<hbm>>) target(%arg7 : memref<80xi32, #tpu.memory_space<vmem>>) target_semaphore(%arg15 : memref<!tpu.dma_semaphore, #tpu.memory_space<semaphore_mem>>)
        %dma_wait3A_72 = tpu.memref_slice %arg3[%add3A_67] : memref<320000xi32, #tpu.memory_space<hbm>> -> memref<80xi32, #tpu.memory_space<hbm>>
        %dma_wait3A_73 = tpu.memref_slice %arg3[%add3A_67] : memref<320000xi32, #tpu.memory_space<hbm>> -> memref<80xi32, #tpu.memory_space<hbm>>
        tpu.wait_dma2 semaphore(%arg15 : memref<!tpu.dma_semaphore, #tpu.memory_space<semaphore_mem>>) src(%dma_wait3A_73 : memref<80xi32, #tpu.memory_space<hbm>>) dst(%arg6 : memref<80xi32, #tpu.memory_space<vmem>>)
        %dma_wait3A_74 = tpu.memref_slice %arg4[%add3A_67] : memref<320000xi32, #tpu.memory_space<hbm>> -> memref<80xi32, #tpu.memory_space<hbm>>
        %dma_wait3A_75 = tpu.memref_slice %arg4[%add3A_67] : memref<320000xi32, #tpu.memory_space<hbm>> -> memref<80xi32, #tpu.memory_space<hbm>>
        tpu.wait_dma2 semaphore(%arg15 : memref<!tpu.dma_semaphore, #tpu.memory_space<semaphore_mem>>) src(%dma_wait3A_75 : memref<80xi32, #tpu.memory_space<hbm>>) dst(%arg7 : memref<80xi32, #tpu.memory_space<vmem>>)
        %dma_start3A_76 = arith.constant 0 : i32
        %dma_start3A_77 = arith.constant 0 : i32
        %dma_start3A_78 = tpu.memref_slice %arg2[%dma_start3A_76, %dma_start3A_77] : memref<10000x128xf32, #tpu.memory_space<hbm>> -> memref<10000x128xf32, #tpu.memory_space<hbm>>
        tpu.enqueue_indirect_dma source(%dma_start3A_78 : memref<10000x128xf32, #tpu.memory_space<hbm>>) target(%arg10 : memref<80x128xf32, #tpu.memory_space<vmem>>) offsets(%arg6 : memref<80xi32, #tpu.memory_space<vmem>>) semaphore(%arg13 : memref<!tpu.dma_semaphore, #tpu.memory_space<semaphore_mem>>)
      } else {
      }
      %add3A_51 = arith.constant 1 : i32
      %add3A_52 = arith.addi %mul3A_40, %add3A_51 : i32
      %dma_wait3A_53 = arith.constant 0 : i32
      %dma_wait3A_54 = arith.constant 0 : i32
      %dma_wait3A_55 = tpu.memref_slice %arg2[%dma_wait3A_53, %dma_wait3A_54] : memref<10000x128xf32, #tpu.memory_space<hbm>> -> memref<10000x128xf32, #tpu.memory_space<hbm>>
      tpu.wait_indirect_dma semaphore(%arg14 : memref<!tpu.dma_semaphore, #tpu.memory_space<semaphore_mem>>) src(%dma_wait3A_55 : memref<10000x128xf32, #tpu.memory_space<hbm>>) dst(%arg11 : memref<80x128xf32, #tpu.memory_space<vmem>>)
      "tpu.region"() ({
        %run_scoped3A = tpu.sem_alloc : memref<!tpu.dma_semaphore, #tpu.memory_space<semaphore_mem>>
        %dma_start3A_63 = arith.constant 0 : i32
        %dma_start3A_64 = arith.constant 0 : i32
        %dma_start3A_65 = tpu.memref_slice %arg12[%dma_start3A_63, %dma_start3A_64] : memref<10240x128xf32, #tpu.memory_space<vmem_shared>> -> memref<10240x128xf32, #tpu.memory_space<vmem_shared>>
        tpu.enqueue_indirect_dma source(%arg11 : memref<80x128xf32, #tpu.memory_space<vmem>>) target(%dma_start3A_65 : memref<10240x128xf32, #tpu.memory_space<vmem_shared>>) offsets(%arg9 : memref<80xi32, #tpu.memory_space<vmem>>) semaphore(%run_scoped3A : memref<!tpu.dma_semaphore, #tpu.memory_space<semaphore_mem>>) {add = true}
        %dma_wait3A_66 = arith.constant 0 : i32
        %dma_wait3A_67 = arith.constant 0 : i32
        %dma_wait3A_68 = tpu.memref_slice %arg12[%dma_wait3A_66, %dma_wait3A_67] : memref<10240x128xf32, #tpu.memory_space<vmem_shared>> -> memref<10240x128xf32, #tpu.memory_space<vmem_shared>>
        tpu.wait_indirect_dma semaphore(%run_scoped3A : memref<!tpu.dma_semaphore, #tpu.memory_space<semaphore_mem>>) src(%arg11 : memref<80x128xf32, #tpu.memory_space<vmem>>) dst(%dma_wait3A_68 : memref<10240x128xf32, #tpu.memory_space<vmem_shared>>)
        tpu.yield
      }) : () -> ()
      %add3A_56 = arith.constant 2 : i32
      %add3A_57 = arith.addi %add3A_52, %add3A_56 : i32
      %lt3A_58 = arith.constant 125 : i32
      %lt3A_59 = arith.cmpi slt, %add3A_57, %lt3A_58 : i32
      %convert_element_type3A_60 = arith.extui %lt3A_59 : i1 to i32
      %cond3A_61 = arith.constant 0 : i32
      %cond3A_62 = arith.cmpi ne, %convert_element_type3A_60, %cond3A_61 : i32
      scf.if %cond3A_62 {
        %add3A_63 = arith.constant 2 : i32
        %add3A_64 = arith.addi %add3A_52, %add3A_63 : i32
        %mul3A_65 = arith.constant 80 : i32
        %mul3A_66 = arith.muli %add3A_64, %mul3A_65 : i32
        %add3A_67 = arith.addi %mul3A_2, %mul3A_66 : i32
        %dma_start3A_68 = tpu.memref_slice %arg3[%add3A_67] : memref<320000xi32, #tpu.memory_space<hbm>> -> memref<80xi32, #tpu.memory_space<hbm>>
        %dma_start3A_69 = tpu.memref_slice %arg3[%add3A_67] : memref<320000xi32, #tpu.memory_space<hbm>> -> memref<80xi32, #tpu.memory_space<hbm>>
        tpu.enqueue_dma source(%dma_start3A_69 : memref<80xi32, #tpu.memory_space<hbm>>) target(%arg8 : memref<80xi32, #tpu.memory_space<vmem>>) target_semaphore(%arg16 : memref<!tpu.dma_semaphore, #tpu.memory_space<semaphore_mem>>)
        %dma_start3A_70 = tpu.memref_slice %arg4[%add3A_67] : memref<320000xi32, #tpu.memory_space<hbm>> -> memref<80xi32, #tpu.memory_space<hbm>>
        %dma_start3A_71 = tpu.memref_slice %arg4[%add3A_67] : memref<320000xi32, #tpu.memory_space<hbm>> -> memref<80xi32, #tpu.memory_space<hbm>>
        tpu.enqueue_dma source(%dma_start3A_71 : memref<80xi32, #tpu.memory_space<hbm>>) target(%arg9 : memref<80xi32, #tpu.memory_space<vmem>>) target_semaphore(%arg16 : memref<!tpu.dma_semaphore, #tpu.memory_space<semaphore_mem>>)
        %dma_wait3A_72 = tpu.memref_slice %arg3[%add3A_67] : memref<320000xi32, #tpu.memory_space<hbm>> -> memref<80xi32, #tpu.memory_space<hbm>>
        %dma_wait3A_73 = tpu.memref_slice %arg3[%add3A_67] : memref<320000xi32, #tpu.memory_space<hbm>> -> memref<80xi32, #tpu.memory_space<hbm>>
        tpu.wait_dma2 semaphore(%arg16 : memref<!tpu.dma_semaphore, #tpu.memory_space<semaphore_mem>>) src(%dma_wait3A_73 : memref<80xi32, #tpu.memory_space<hbm>>) dst(%arg8 : memref<80xi32, #tpu.memory_space<vmem>>)
        %dma_wait3A_74 = tpu.memref_slice %arg4[%add3A_67] : memref<320000xi32, #tpu.memory_space<hbm>> -> memref<80xi32, #tpu.memory_space<hbm>>
        %dma_wait3A_75 = tpu.memref_slice %arg4[%add3A_67] : memref<320000xi32, #tpu.memory_space<hbm>> -> memref<80xi32, #tpu.memory_space<hbm>>
        tpu.wait_dma2 semaphore(%arg16 : memref<!tpu.dma_semaphore, #tpu.memory_space<semaphore_mem>>) src(%dma_wait3A_75 : memref<80xi32, #tpu.memory_space<hbm>>) dst(%arg9 : memref<80xi32, #tpu.memory_space<vmem>>)
        %dma_start3A_76 = arith.constant 0 : i32
        %dma_start3A_77 = arith.constant 0 : i32
        %dma_start3A_78 = tpu.memref_slice %arg2[%dma_start3A_76, %dma_start3A_77] : memref<10000x128xf32, #tpu.memory_space<hbm>> -> memref<10000x128xf32, #tpu.memory_space<hbm>>
        tpu.enqueue_indirect_dma source(%dma_start3A_78 : memref<10000x128xf32, #tpu.memory_space<hbm>>) target(%arg11 : memref<80x128xf32, #tpu.memory_space<vmem>>) offsets(%arg8 : memref<80xi32, #tpu.memory_space<vmem>>) semaphore(%arg14 : memref<!tpu.dma_semaphore, #tpu.memory_space<semaphore_mem>>)
      } else {
      }
    }
    %scan3A_28 = arith.constant 62 : i32
    %dma_wait3A = arith.constant 0 : i32
    %dma_wait3A_29 = arith.constant 0 : i32
    %dma_wait3A_30 = tpu.memref_slice %arg2[%dma_wait3A, %dma_wait3A_29] : memref<10000x128xf32, #tpu.memory_space<hbm>> -> memref<10000x128xf32, #tpu.memory_space<hbm>>
    tpu.wait_indirect_dma semaphore(%arg13 : memref<!tpu.dma_semaphore, #tpu.memory_space<semaphore_mem>>) src(%dma_wait3A_30 : memref<10000x128xf32, #tpu.memory_space<hbm>>) dst(%arg10 : memref<80x128xf32, #tpu.memory_space<vmem>>)
    "tpu.region"() ({
      %run_scoped3A = tpu.sem_alloc : memref<!tpu.dma_semaphore, #tpu.memory_space<semaphore_mem>>
      %dma_start3A_38 = arith.constant 0 : i32
      %dma_start3A_39 = arith.constant 0 : i32
      %dma_start3A_40 = tpu.memref_slice %arg12[%dma_start3A_38, %dma_start3A_39] : memref<10240x128xf32, #tpu.memory_space<vmem_shared>> -> memref<10240x128xf32, #tpu.memory_space<vmem_shared>>
      tpu.enqueue_indirect_dma source(%arg10 : memref<80x128xf32, #tpu.memory_space<vmem>>) target(%dma_start3A_40 : memref<10240x128xf32, #tpu.memory_space<vmem_shared>>) offsets(%arg7 : memref<80xi32, #tpu.memory_space<vmem>>) semaphore(%run_scoped3A : memref<!tpu.dma_semaphore, #tpu.memory_space<semaphore_mem>>) {add = true}
      %dma_wait3A_41 = arith.constant 0 : i32
      %dma_wait3A_42 = arith.constant 0 : i32
      %dma_wait3A_43 = tpu.memref_slice %arg12[%dma_wait3A_41, %dma_wait3A_42] : memref<10240x128xf32, #tpu.memory_space<vmem_shared>> -> memref<10240x128xf32, #tpu.memory_space<vmem_shared>>
      tpu.wait_indirect_dma semaphore(%run_scoped3A : memref<!tpu.dma_semaphore, #tpu.memory_space<semaphore_mem>>) src(%arg10 : memref<80x128xf32, #tpu.memory_space<vmem>>) dst(%dma_wait3A_43 : memref<10240x128xf32, #tpu.memory_space<vmem_shared>>)
      tpu.yield
    }) : () -> ()
    %barrier3A_31 = arith.constant 0 : index
    tpu.barrier barrier_id(%barrier3A_31)
    %lt3A = arith.constant 15 : i32
    %lt3A_32 = arith.cmpi slt, %arg1, %lt3A : i32
    %convert_element_type3A = arith.extui %lt3A_32 : i1 to i32
    %cond3A = arith.constant 0 : i32
    %cond3A_33 = arith.cmpi ne, %convert_element_type3A, %cond3A : i32
    scf.if %cond3A_33 {
      %mul3A_38 = arith.constant 640 : i32
      %mul3A_39 = arith.muli %arg1, %mul3A_38 : i32
      %mul3A_40 = arith.constant 640 : i32
      %mul3A_41 = arith.muli %arg1, %mul3A_40 : i32
      "tpu.region"() ({
        %run_scoped3A = tpu.sem_alloc : memref<!tpu.dma_semaphore, #tpu.memory_space<semaphore_mem>>
        %dma_start3A_42 = arith.constant 0 : i32
        %dma_start3A_43 = tpu.memref_slice %arg5[%arg0, %mul3A_41, %dma_start3A_42] : memref<2x10000x128xf32, #tpu.memory_space<hbm>> -> memref<1x640x128xf32, #tpu.memory_space<hbm>>
        %dma_start3A_44 = tpu.memref_squeeze %dma_start3A_43 : memref<1x640x128xf32, #tpu.memory_space<hbm>> -> memref<640x128xf32, #tpu.memory_space<hbm>>
        %dma_start3A_45 = arith.constant 0 : i32
        %dma_start3A_46 = tpu.memref_slice %arg12[%mul3A_39, %dma_start3A_45] : memref<10240x128xf32, #tpu.memory_space<vmem_shared>> -> memref<640x128xf32, #tpu.memory_space<vmem_shared>>
        tpu.enqueue_dma source(%dma_start3A_46 : memref<640x128xf32, #tpu.memory_space<vmem_shared>>) target(%dma_start3A_44 : memref<640x128xf32, #tpu.memory_space<hbm>>) target_semaphore(%run_scoped3A : memref<!tpu.dma_semaphore, #tpu.memory_space<semaphore_mem>>)
        %dma_wait3A_47 = arith.constant 0 : i32
        %dma_wait3A_48 = tpu.memref_slice %arg5[%arg0, %mul3A_41, %dma_wait3A_47] : memref<2x10000x128xf32, #tpu.memory_space<hbm>> -> memref<1x640x128xf32, #tpu.memory_space<hbm>>
        %dma_wait3A_49 = tpu.memref_squeeze %dma_wait3A_48 : memref<1x640x128xf32, #tpu.memory_space<hbm>> -> memref<640x128xf32, #tpu.memory_space<hbm>>
        %dma_wait3A_50 = arith.constant 0 : i32
        %dma_wait3A_51 = tpu.memref_slice %arg12[%mul3A_39, %dma_wait3A_50] : memref<10240x128xf32, #tpu.memory_space<vmem_shared>> -> memref<640x128xf32, #tpu.memory_space<vmem_shared>>
        tpu.wait_dma2 semaphore(%run_scoped3A : memref<!tpu.dma_semaphore, #tpu.memory_space<semaphore_mem>>) src(%dma_wait3A_51 : memref<640x128xf32, #tpu.memory_space<vmem_shared>>) dst(%dma_wait3A_49 : memref<640x128xf32, #tpu.memory_space<hbm>>)
        tpu.yield
      }) : () -> ()
    } else {
    }
    %eq3A = arith.constant 15 : i32
    %eq3A_34 = arith.cmpi eq, %arg1, %eq3A : i32
    %convert_element_type3A_35 = arith.extui %eq3A_34 : i1 to i32
    %cond3A_36 = arith.constant 0 : i32
    %cond3A_37 = arith.cmpi ne, %convert_element_type3A_35, %cond3A_36 : i32
    scf.if %cond3A_37 {
      %mul3A_38 = arith.constant 640 : i32
      %mul3A_39 = arith.muli %arg1, %mul3A_38 : i32
      %mul3A_40 = arith.constant 640 : i32
      %mul3A_41 = arith.muli %arg1, %mul3A_40 : i32
      "tpu.region"() ({
        %run_scoped3A = tpu.sem_alloc : memref<!tpu.dma_semaphore, #tpu.memory_space<semaphore_mem>>
        %dma_start3A_42 = arith.constant 0 : i32
        %dma_start3A_43 = tpu.memref_slice %arg5[%arg0, %mul3A_41, %dma_start3A_42] : memref<2x10000x128xf32, #tpu.memory_space<hbm>> -> memref<1x400x128xf32, #tpu.memory_space<hbm>>
        %dma_start3A_44 = tpu.memref_squeeze %dma_start3A_43 : memref<1x400x128xf32, #tpu.memory_space<hbm>> -> memref<400x128xf32, #tpu.memory_space<hbm>>
        %dma_start3A_45 = arith.constant 0 : i32
        %dma_start3A_46 = tpu.memref_slice %arg12[%mul3A_39, %dma_start3A_45] : memref<10240x128xf32, #tpu.memory_space<vmem_shared>> -> memref<400x128xf32, #tpu.memory_space<vmem_shared>>
        tpu.enqueue_dma source(%dma_start3A_46 : memref<400x128xf32, #tpu.memory_space<vmem_shared>>) target(%dma_start3A_44 : memref<400x128xf32, #tpu.memory_space<hbm>>) target_semaphore(%run_scoped3A : memref<!tpu.dma_semaphore, #tpu.memory_space<semaphore_mem>>)
        %dma_wait3A_47 = arith.constant 0 : i32
        %dma_wait3A_48 = tpu.memref_slice %arg5[%arg0, %mul3A_41, %dma_wait3A_47] : memref<2x10000x128xf32, #tpu.memory_space<hbm>> -> memref<1x400x128xf32, #tpu.memory_space<hbm>>
        %dma_wait3A_49 = tpu.memref_squeeze %dma_wait3A_48 : memref<1x400x128xf32, #tpu.memory_space<hbm>> -> memref<400x128xf32, #tpu.memory_space<hbm>>
        %dma_wait3A_50 = arith.constant 0 : i32
        %dma_wait3A_51 = tpu.memref_slice %arg12[%mul3A_39, %dma_wait3A_50] : memref<10240x128xf32, #tpu.memory_space<vmem_shared>> -> memref<400x128xf32, #tpu.memory_space<vmem_shared>>
        tpu.wait_dma2 semaphore(%run_scoped3A : memref<!tpu.dma_semaphore, #tpu.memory_space<semaphore_mem>>) src(%dma_wait3A_51 : memref<400x128xf32, #tpu.memory_space<vmem_shared>>) dst(%dma_wait3A_49 : memref<400x128xf32, #tpu.memory_space<hbm>>)
        tpu.yield
      }) : () -> ()
    } else {
    }
    return
  }
}

#map = affine_map<(d0, d1) -> (0, 0)>
#map1 = affine_map<(d0, d1) -> (0)>
#map2 = affine_map<(d0, d1) -> (0, 0, 0)>
module attributes {stable_mosaic.version = 14 : i64} {
  func.func @scat_kernel(%arg0: i32, %arg1: i32, %arg2: memref<10000x128xf32, #tpu.memory_space<hbm>>, %arg3: memref<320000xi32, #tpu.memory_space<hbm>>, %arg4: memref<320000xi32, #tpu.memory_space<hbm>>, %arg5: memref<2x10000x128xf32, #tpu.memory_space<hbm>>, %arg6: memref<80xi32, #tpu.memory_space<vmem>>, %arg7: memref<80xi32, #tpu.memory_space<vmem>>, %arg8: memref<80xi32, #tpu.memory_space<vmem>>, %arg9: memref<80xi32, #tpu.memory_space<vmem>>, %arg10: memref<80x128xf32, #tpu.memory_space<vmem>>, %arg11: memref<80x128xf32, #tpu.memory_space<vmem>>, %arg12: memref<10240x128xf32, #tpu.memory_space<vmem_shared>>, %arg13: memref<!tpu.dma_semaphore, #tpu.memory_space<semaphore_mem>>, %arg14: memref<!tpu.dma_semaphore, #tpu.memory_space<semaphore_mem>>, %arg15: memref<!tpu.dma_semaphore, #tpu.memory_space<semaphore_mem>>, %arg16: memref<!tpu.dma_semaphore, #tpu.memory_space<semaphore_mem>>) attributes {dimension_semantics = [#tpu.dimension_semantics<core_parallel>, #tpu.dimension_semantics<subcore_parallel>], iteration_bounds = array<i64: 2, 16>, scalar_prefetch = 0 : i64, scratch_operands = 11 : i64, tpu.core_type = #tpu.core_type<sc_vector_subcore>, window_params = [{transform_indices = #map}, {transform_indices = #map1}, {transform_indices = #map1}, {transform_indices = #map2}]} {
    %mul3A = arith.constant 16 : i32
    %mul3A_0 = arith.muli %arg0, %mul3A : i32
    %add3A = arith.addi %mul3A_0, %arg1 : i32
    %mul3A_1 = arith.constant 10000 : i32
    %mul3A_2 = arith.muli %add3A, %mul3A_1 : i32
    %scan3A = arith.constant 0 : i32
    %scan3A_3 = arith.constant 0 : i32
    %scan3A_4 = arith.constant 80 : i32
    %scan3A_5 = arith.addi %scan3A_3, %scan3A_4 : i32
    %scan3A_6 = arith.constant 1 : i32
    scf.for %scan3A_38 = %scan3A_3 to %scan3A_5 step %scan3A_6  : i32 {
      %broadcast_in_dim3A = arith.constant 0.000000e+00 : f32
      %broadcast_in_dim3A_39 = vector.broadcast %broadcast_in_dim3A : f32 to vector<16xf32>
      %swap3A = arith.index_cast %scan3A_38 : i32 to index
      %swap3A_40 = arith.constant 0 : index
      %swap3A_41 = tpu.vector_load %arg10[%swap3A, %swap3A_40] {strides = array<i32>} : memref<80x128xf32, #tpu.memory_space<vmem>>, vector<1x16xf32>,
      %swap3A_42 = vector.shape_cast %swap3A_41 : vector<1x16xf32> to vector<16xf32>
      %swap3A_43 = vector.shape_cast %broadcast_in_dim3A_39 : vector<16xf32> to vector<1x16xf32>
      tpu.vector_store %arg10[%swap3A, %swap3A_40], %swap3A_43 {strides = array<i32>} : memref<80x128xf32, #tpu.memory_space<vmem>>, vector<1x16xf32>,
      %broadcast_in_dim3A_44 = arith.constant 0.000000e+00 : f32
      %broadcast_in_dim3A_45 = vector.broadcast %broadcast_in_dim3A_44 : f32 to vector<16xf32>
      %swap3A_46 = arith.index_cast %scan3A_38 : i32 to index
      %swap3A_47 = arith.constant 16 : index
      %swap3A_48 = tpu.vector_load %arg10[%swap3A_46, %swap3A_47] {strides = array<i32>} : memref<80x128xf32, #tpu.memory_space<vmem>>, vector<1x16xf32>,
      %swap3A_49 = vector.shape_cast %swap3A_48 : vector<1x16xf32> to vector<16xf32>
      %swap3A_50 = vector.shape_cast %broadcast_in_dim3A_45 : vector<16xf32> to vector<1x16xf32>
      tpu.vector_store %arg10[%swap3A_46, %swap3A_47], %swap3A_50 {strides = array<i32>} : memref<80x128xf32, #tpu.memory_space<vmem>>, vector<1x16xf32>,
      %broadcast_in_dim3A_51 = arith.constant 0.000000e+00 : f32
      %broadcast_in_dim3A_52 = vector.broadcast %broadcast_in_dim3A_51 : f32 to vector<16xf32>
      %swap3A_53 = arith.index_cast %scan3A_38 : i32 to index
      %swap3A_54 = arith.constant 32 : index
      %swap3A_55 = tpu.vector_load %arg10[%swap3A_53, %swap3A_54] {strides = array<i32>} : memref<80x128xf32, #tpu.memory_space<vmem>>, vector<1x16xf32>,
      %swap3A_56 = vector.shape_cast %swap3A_55 : vector<1x16xf32> to vector<16xf32>
      %swap3A_57 = vector.shape_cast %broadcast_in_dim3A_52 : vector<16xf32> to vector<1x16xf32>
      tpu.vector_store %arg10[%swap3A_53, %swap3A_54], %swap3A_57 {strides = array<i32>} : memref<80x128xf32, #tpu.memory_space<vmem>>, vector<1x16xf32>,
      %broadcast_in_dim3A_58 = arith.constant 0.000000e+00 : f32
      %broadcast_in_dim3A_59 = vector.broadcast %broadcast_in_dim3A_58 : f32 to vector<16xf32>
      %swap3A_60 = arith.index_cast %scan3A_38 : i32 to index
      %swap3A_61 = arith.constant 48 : index
      %swap3A_62 = tpu.vector_load %arg10[%swap3A_60, %swap3A_61] {strides = array<i32>} : memref<80x128xf32, #tpu.memory_space<vmem>>, vector<1x16xf32>,
      %swap3A_63 = vector.shape_cast %swap3A_62 : vector<1x16xf32> to vector<16xf32>
      %swap3A_64 = vector.shape_cast %broadcast_in_dim3A_59 : vector<16xf32> to vector<1x16xf32>
      tpu.vector_store %arg10[%swap3A_60, %swap3A_61], %swap3A_64 {strides = array<i32>} : memref<80x128xf32, #tpu.memory_space<vmem>>, vector<1x16xf32>,
      %broadcast_in_dim3A_65 = arith.constant 0.000000e+00 : f32
      %broadcast_in_dim3A_66 = vector.broadcast %broadcast_in_dim3A_65 : f32 to vector<16xf32>
      %swap3A_67 = arith.index_cast %scan3A_38 : i32 to index
      %swap3A_68 = arith.constant 64 : index
      %swap3A_69 = tpu.vector_load %arg10[%swap3A_67, %swap3A_68] {strides = array<i32>} : memref<80x128xf32, #tpu.memory_space<vmem>>, vector<1x16xf32>,
      %swap3A_70 = vector.shape_cast %swap3A_69 : vector<1x16xf32> to vector<16xf32>
      %swap3A_71 = vector.shape_cast %broadcast_in_dim3A_66 : vector<16xf32> to vector<1x16xf32>
      tpu.vector_store %arg10[%swap3A_67, %swap3A_68], %swap3A_71 {strides = array<i32>} : memref<80x128xf32, #tpu.memory_space<vmem>>, vector<1x16xf32>,
      %broadcast_in_dim3A_72 = arith.constant 0.000000e+00 : f32
      %broadcast_in_dim3A_73 = vector.broadcast %broadcast_in_dim3A_72 : f32 to vector<16xf32>
      %swap3A_74 = arith.index_cast %scan3A_38 : i32 to index
      %swap3A_75 = arith.constant 80 : index
      %swap3A_76 = tpu.vector_load %arg10[%swap3A_74, %swap3A_75] {strides = array<i32>} : memref<80x128xf32, #tpu.memory_space<vmem>>, vector<1x16xf32>,
      %swap3A_77 = vector.shape_cast %swap3A_76 : vector<1x16xf32> to vector<16xf32>
      %swap3A_78 = vector.shape_cast %broadcast_in_dim3A_73 : vector<16xf32> to vector<1x16xf32>
      tpu.vector_store %arg10[%swap3A_74, %swap3A_75], %swap3A_78 {strides = array<i32>} : memref<80x128xf32, #tpu.memory_space<vmem>>, vector<1x16xf32>,
      %broadcast_in_dim3A_79 = arith.constant 0.000000e+00 : f32
      %broadcast_in_dim3A_80 = vector.broadcast %broadcast_in_dim3A_79 : f32 to vector<16xf32>
      %swap3A_81 = arith.index_cast %scan3A_38 : i32 to index
      %swap3A_82 = arith.constant 96 : index
      %swap3A_83 = tpu.vector_load %arg10[%swap3A_81, %swap3A_82] {strides = array<i32>} : memref<80x128xf32, #tpu.memory_space<vmem>>, vector<1x16xf32>,
      %swap3A_84 = vector.shape_cast %swap3A_83 : vector<1x16xf32> to vector<16xf32>
      %swap3A_85 = vector.shape_cast %broadcast_in_dim3A_80 : vector<16xf32> to vector<1x16xf32>
      tpu.vector_store %arg10[%swap3A_81, %swap3A_82], %swap3A_85 {strides = array<i32>} : memref<80x128xf32, #tpu.memory_space<vmem>>, vector<1x16xf32>,
      %broadcast_in_dim3A_86 = arith.constant 0.000000e+00 : f32
      %broadcast_in_dim3A_87 = vector.broadcast %broadcast_in_dim3A_86 : f32 to vector<16xf32>
      %swap3A_88 = arith.index_cast %scan3A_38 : i32 to index
      %swap3A_89 = arith.constant 112 : index
      %swap3A_90 = tpu.vector_load %arg10[%swap3A_88, %swap3A_89] {strides = array<i32>} : memref<80x128xf32, #tpu.memory_space<vmem>>, vector<1x16xf32>,
      %swap3A_91 = vector.shape_cast %swap3A_90 : vector<1x16xf32> to vector<16xf32>
      %swap3A_92 = vector.shape_cast %broadcast_in_dim3A_87 : vector<16xf32> to vector<1x16xf32>
      tpu.vector_store %arg10[%swap3A_88, %swap3A_89], %swap3A_92 {strides = array<i32>} : memref<80x128xf32, #tpu.memory_space<vmem>>, vector<1x16xf32>,
    }
    %scan3A_7 = arith.constant 80 : i32
    %scan3A_8 = arith.constant 0 : i32
    %scan3A_9 = arith.constant 0 : i32
    %scan3A_10 = arith.constant 8 : i32
    %scan3A_11 = arith.addi %scan3A_9, %scan3A_10 : i32
    %scan3A_12 = arith.constant 1 : i32
    scf.for %scan3A_38 = %scan3A_9 to %scan3A_11 step %scan3A_12  : i32 {
      %mul3A_39 = arith.constant 640 : i32
      %mul3A_40 = arith.muli %arg1, %mul3A_39 : i32
      %mul3A_41 = arith.constant 80 : i32
      %mul3A_42 = arith.muli %scan3A_38, %mul3A_41 : i32
      %add3A_43 = arith.addi %mul3A_40, %mul3A_42 : i32
      "tpu.region"() ({
        %run_scoped3A = tpu.sem_alloc : memref<!tpu.dma_semaphore, #tpu.memory_space<semaphore_mem>>
        %dma_start3A_44 = arith.constant 0 : i32
        %dma_start3A_45 = tpu.memref_slice %arg12[%add3A_43, %dma_start3A_44] : memref<10240x128xf32, #tpu.memory_space<vmem_shared>> -> memref<80x128xf32, #tpu.memory_space<vmem_shared>>
        %dma_start3A_46 = arith.constant 0 : i32
        %dma_start3A_47 = tpu.memref_slice %arg12[%add3A_43, %dma_start3A_46] : memref<10240x128xf32, #tpu.memory_space<vmem_shared>> -> memref<80x128xf32, #tpu.memory_space<vmem_shared>>
        tpu.enqueue_dma source(%arg10 : memref<80x128xf32, #tpu.memory_space<vmem>>) target(%dma_start3A_47 : memref<80x128xf32, #tpu.memory_space<vmem_shared>>) target_semaphore(%run_scoped3A : memref<!tpu.dma_semaphore, #tpu.memory_space<semaphore_mem>>)
        %dma_wait3A_48 = arith.constant 0 : i32
        %dma_wait3A_49 = tpu.memref_slice %arg12[%add3A_43, %dma_wait3A_48] : memref<10240x128xf32, #tpu.memory_space<vmem_shared>> -> memref<80x128xf32, #tpu.memory_space<vmem_shared>>
        %dma_wait3A_50 = arith.constant 0 : i32
        %dma_wait3A_51 = tpu.memref_slice %arg12[%add3A_43, %dma_wait3A_50] : memref<10240x128xf32, #tpu.memory_space<vmem_shared>> -> memref<80x128xf32, #tpu.memory_space<vmem_shared>>
        tpu.wait_dma2 semaphore(%run_scoped3A : memref<!tpu.dma_semaphore, #tpu.memory_space<semaphore_mem>>) src(%arg10 : memref<80x128xf32, #tpu.memory_space<vmem>>) dst(%dma_wait3A_51 : memref<80x128xf32, #tpu.memory_space<vmem_shared>>)
        tpu.yield
      }) : () -> ()
    }
    %scan3A_13 = arith.constant 8 : i32
    %barrier3A = arith.constant 0 : index
    tpu.barrier barrier_id(%barrier3A)
    "tpu.region"() ({
      %run_scoped3A = tpu.sem_alloc : memref<!tpu.dma_semaphore, #tpu.memory_space<semaphore_mem>>
      %dma_start3A_38 = tpu.memref_slice %arg3[%mul3A_2] : memref<320000xi32, #tpu.memory_space<hbm>> -> memref<80xi32, #tpu.memory_space<hbm>>
      %dma_start3A_39 = tpu.memref_slice %arg3[%mul3A_2] : memref<320000xi32, #tpu.memory_space<hbm>> -> memref<80xi32, #tpu.memory_space<hbm>>
      tpu.enqueue_dma source(%dma_start3A_39 : memref<80xi32, #tpu.memory_space<hbm>>) target(%arg6 : memref<80xi32, #tpu.memory_space<vmem>>) target_semaphore(%run_scoped3A : memref<!tpu.dma_semaphore, #tpu.memory_space<semaphore_mem>>)
      %dma_wait3A_40 = tpu.memref_slice %arg3[%mul3A_2] : memref<320000xi32, #tpu.memory_space<hbm>> -> memref<80xi32, #tpu.memory_space<hbm>>
      %dma_wait3A_41 = tpu.memref_slice %arg3[%mul3A_2] : memref<320000xi32, #tpu.memory_space<hbm>> -> memref<80xi32, #tpu.memory_space<hbm>>
      tpu.wait_dma2 semaphore(%run_scoped3A : memref<!tpu.dma_semaphore, #tpu.memory_space<semaphore_mem>>) src(%dma_wait3A_41 : memref<80xi32, #tpu.memory_space<hbm>>) dst(%arg6 : memref<80xi32, #tpu.memory_space<vmem>>)
      tpu.yield
    }) : () -> ()
    "tpu.region"() ({
      %run_scoped3A = tpu.sem_alloc : memref<!tpu.dma_semaphore, #tpu.memory_space<semaphore_mem>>
      %dma_start3A_38 = tpu.memref_slice %arg4[%mul3A_2] : memref<320000xi32, #tpu.memory_space<hbm>> -> memref<80xi32, #tpu.memory_space<hbm>>
      %dma_start3A_39 = tpu.memref_slice %arg4[%mul3A_2] : memref<320000xi32, #tpu.memory_space<hbm>> -> memref<80xi32, #tpu.memory_space<hbm>>
      tpu.enqueue_dma source(%dma_start3A_39 : memref<80xi32, #tpu.memory_space<hbm>>) target(%arg7 : memref<80xi32, #tpu.memory_space<vmem>>) target_semaphore(%run_scoped3A : memref<!tpu.dma_semaphore, #tpu.memory_space<semaphore_mem>>)
      %dma_wait3A_40 = tpu.memref_slice %arg4[%mul3A_2] : memref<320000xi32, #tpu.memory_space<hbm>> -> memref<80xi32, #tpu.memory_space<hbm>>
      %dma_wait3A_41 = tpu.memref_slice %arg4[%mul3A_2] : memref<320000xi32, #tpu.memory_space<hbm>> -> memref<80xi32, #tpu.memory_space<hbm>>
      tpu.wait_dma2 semaphore(%run_scoped3A : memref<!tpu.dma_semaphore, #tpu.memory_space<semaphore_mem>>) src(%dma_wait3A_41 : memref<80xi32, #tpu.memory_space<hbm>>) dst(%arg7 : memref<80xi32, #tpu.memory_space<vmem>>)
      tpu.yield
    }) : () -> ()
    %add3A_14 = arith.constant 80 : i32
    %add3A_15 = arith.addi %mul3A_2, %add3A_14 : i32
    "tpu.region"() ({
      %run_scoped3A = tpu.sem_alloc : memref<!tpu.dma_semaphore, #tpu.memory_space<semaphore_mem>>
      %dma_start3A_38 = tpu.memref_slice %arg3[%add3A_15] : memref<320000xi32, #tpu.memory_space<hbm>> -> memref<80xi32, #tpu.memory_space<hbm>>
      %dma_start3A_39 = tpu.memref_slice %arg3[%add3A_15] : memref<320000xi32, #tpu.memory_space<hbm>> -> memref<80xi32, #tpu.memory_space<hbm>>
      tpu.enqueue_dma source(%dma_start3A_39 : memref<80xi32, #tpu.memory_space<hbm>>) target(%arg8 : memref<80xi32, #tpu.memory_space<vmem>>) target_semaphore(%run_scoped3A : memref<!tpu.dma_semaphore, #tpu.memory_space<semaphore_mem>>)
      %dma_wait3A_40 = tpu.memref_slice %arg3[%add3A_15] : memref<320000xi32, #tpu.memory_space<hbm>> -> memref<80xi32, #tpu.memory_space<hbm>>
      %dma_wait3A_41 = tpu.memref_slice %arg3[%add3A_15] : memref<320000xi32, #tpu.memory_space<hbm>> -> memref<80xi32, #tpu.memory_space<hbm>>
      tpu.wait_dma2 semaphore(%run_scoped3A : memref<!tpu.dma_semaphore, #tpu.memory_space<semaphore_mem>>) src(%dma_wait3A_41 : memref<80xi32, #tpu.memory_space<hbm>>) dst(%arg8 : memref<80xi32, #tpu.memory_space<vmem>>)
      tpu.yield
    }) : () -> ()
    %add3A_16 = arith.constant 80 : i32
    %add3A_17 = arith.addi %mul3A_2, %add3A_16 : i32
    "tpu.region"() ({
      %run_scoped3A = tpu.sem_alloc : memref<!tpu.dma_semaphore, #tpu.memory_space<semaphore_mem>>
      %dma_start3A_38 = tpu.memref_slice %arg4[%add3A_17] : memref<320000xi32, #tpu.memory_space<hbm>> -> memref<80xi32, #tpu.memory_space<hbm>>
      %dma_start3A_39 = tpu.memref_slice %arg4[%add3A_17] : memref<320000xi32, #tpu.memory_space<hbm>> -> memref<80xi32, #tpu.memory_space<hbm>>
      tpu.enqueue_dma source(%dma_start3A_39 : memref<80xi32, #tpu.memory_space<hbm>>) target(%arg9 : memref<80xi32, #tpu.memory_space<vmem>>) target_semaphore(%run_scoped3A : memref<!tpu.dma_semaphore, #tpu.memory_space<semaphore_mem>>)
      %dma_wait3A_40 = tpu.memref_slice %arg4[%add3A_17] : memref<320000xi32, #tpu.memory_space<hbm>> -> memref<80xi32, #tpu.memory_space<hbm>>
      %dma_wait3A_41 = tpu.memref_slice %arg4[%add3A_17] : memref<320000xi32, #tpu.memory_space<hbm>> -> memref<80xi32, #tpu.memory_space<hbm>>
      tpu.wait_dma2 semaphore(%run_scoped3A : memref<!tpu.dma_semaphore, #tpu.memory_space<semaphore_mem>>) src(%dma_wait3A_41 : memref<80xi32, #tpu.memory_space<hbm>>) dst(%arg9 : memref<80xi32, #tpu.memory_space<vmem>>)
      tpu.yield
    }) : () -> ()
    %dma_start3A = arith.constant 0 : i32
    %dma_start3A_18 = arith.constant 0 : i32
    %dma_start3A_19 = tpu.memref_slice %arg2[%dma_start3A, %dma_start3A_18] : memref<10000x128xf32, #tpu.memory_space<hbm>> -> memref<10000x128xf32, #tpu.memory_space<hbm>>
    tpu.enqueue_indirect_dma source(%dma_start3A_19 : memref<10000x128xf32, #tpu.memory_space<hbm>>) target(%arg10 : memref<80x128xf32, #tpu.memory_space<vmem>>) offsets(%arg6 : memref<80xi32, #tpu.memory_space<vmem>>) semaphore(%arg13 : memref<!tpu.dma_semaphore, #tpu.memory_space<semaphore_mem>>)
    %dma_start3A_20 = arith.constant 0 : i32
    %dma_start3A_21 = arith.constant 0 : i32
    %dma_start3A_22 = tpu.memref_slice %arg2[%dma_start3A_20, %dma_start3A_21] : memref<10000x128xf32, #tpu.memory_space<hbm>> -> memref<10000x128xf32, #tpu.memory_space<hbm>>
    tpu.enqueue_indirect_dma source(%dma_start3A_22 : memref<10000x128xf32, #tpu.memory_space<hbm>>) target(%arg11 : memref<80x128xf32, #tpu.memory_space<vmem>>) offsets(%arg8 : memref<80xi32, #tpu.memory_space<vmem>>) semaphore(%arg14 : memref<!tpu.dma_semaphore, #tpu.memory_space<semaphore_mem>>)
    %scan3A_23 = arith.constant 0 : i32
    %scan3A_24 = arith.constant 0 : i32
    %scan3A_25 = arith.constant 62 : i32
    %scan3A_26 = arith.addi %scan3A_24, %scan3A_25 : i32
    %scan3A_27 = arith.constant 1 : i32
    scf.for %scan3A_38 = %scan3A_24 to %scan3A_26 step %scan3A_27  : i32 {
      %mul3A_39 = arith.constant 2 : i32
      %mul3A_40 = arith.muli %mul3A_39, %scan3A_38 : i32
      %dma_wait3A_41 = arith.constant 0 : i32
      %dma_wait3A_42 = arith.constant 0 : i32
      %dma_wait3A_43 = tpu.memref_slice %arg2[%dma_wait3A_41, %dma_wait3A_42] : memref<10000x128xf32, #tpu.memory_space<hbm>> -> memref<10000x128xf32, #tpu.memory_space<hbm>>
      tpu.wait_indirect_dma semaphore(%arg13 : memref<!tpu.dma_semaphore, #tpu.memory_space<semaphore_mem>>) src(%dma_wait3A_43 : memref<10000x128xf32, #tpu.memory_space<hbm>>) dst(%arg10 : memref<80x128xf32, #tpu.memory_space<vmem>>)
      "tpu.region"() ({
        %run_scoped3A = tpu.sem_alloc : memref<!tpu.dma_semaphore, #tpu.memory_space<semaphore_mem>>
        %dma_start3A_63 = arith.constant 0 : i32
        %dma_start3A_64 = arith.constant 0 : i32
        %dma_start3A_65 = tpu.memref_slice %arg12[%dma_start3A_63, %dma_start3A_64] : memref<10240x128xf32, #tpu.memory_space<vmem_shared>> -> memref<10240x128xf32, #tpu.memory_space<vmem_shared>>
        tpu.enqueue_indirect_dma source(%arg10 : memref<80x128xf32, #tpu.memory_space<vmem>>) target(%dma_start3A_65 : memref<10240x128xf32, #tpu.memory_space<vmem_shared>>) offsets(%arg7 : memref<80xi32, #tpu.memory_space<vmem>>) semaphore(%run_scoped3A : memref<!tpu.dma_semaphore, #tpu.memory_space<semaphore_mem>>) {add = true}
        %dma_wait3A_66 = arith.constant 0 : i32
        %dma_wait3A_67 = arith.constant 0 : i32
        %dma_wait3A_68 = tpu.memref_slice %arg12[%dma_wait3A_66, %dma_wait3A_67] : memref<10240x128xf32, #tpu.memory_space<vmem_shared>> -> memref<10240x128xf32, #tpu.memory_space<vmem_shared>>
        tpu.wait_indirect_dma semaphore(%run_scoped3A : memref<!tpu.dma_semaphore, #tpu.memory_space<semaphore_mem>>) src(%arg10 : memref<80x128xf32, #tpu.memory_space<vmem>>) dst(%dma_wait3A_68 : memref<10240x128xf32, #tpu.memory_space<vmem_shared>>)
        tpu.yield
      }) : () -> ()
      %add3A_44 = arith.constant 2 : i32
      %add3A_45 = arith.addi %mul3A_40, %add3A_44 : i32
      %lt3A_46 = arith.constant 125 : i32
      %lt3A_47 = arith.cmpi slt, %add3A_45, %lt3A_46 : i32
      %convert_element_type3A_48 = arith.extui %lt3A_47 : i1 to i32
      %cond3A_49 = arith.constant 0 : i32
      %cond3A_50 = arith.cmpi ne, %convert_element_type3A_48, %cond3A_49 : i32
      scf.if %cond3A_50 {
        %add3A_63 = arith.constant 2 : i32
        %add3A_64 = arith.addi %mul3A_40, %add3A_63 : i32
        %mul3A_65 = arith.constant 80 : i32
        %mul3A_66 = arith.muli %add3A_64, %mul3A_65 : i32
        %add3A_67 = arith.addi %mul3A_2, %mul3A_66 : i32
        %dma_start3A_68 = tpu.memref_slice %arg3[%add3A_67] : memref<320000xi32, #tpu.memory_space<hbm>> -> memref<80xi32, #tpu.memory_space<hbm>>
        %dma_start3A_69 = tpu.memref_slice %arg3[%add3A_67] : memref<320000xi32, #tpu.memory_space<hbm>> -> memref<80xi32, #tpu.memory_space<hbm>>
        tpu.enqueue_dma source(%dma_start3A_69 : memref<80xi32, #tpu.memory_space<hbm>>) target(%arg6 : memref<80xi32, #tpu.memory_space<vmem>>) target_semaphore(%arg15 : memref<!tpu.dma_semaphore, #tpu.memory_space<semaphore_mem>>)
        %dma_start3A_70 = tpu.memref_slice %arg4[%add3A_67] : memref<320000xi32, #tpu.memory_space<hbm>> -> memref<80xi32, #tpu.memory_space<hbm>>
        %dma_start3A_71 = tpu.memref_slice %arg4[%add3A_67] : memref<320000xi32, #tpu.memory_space<hbm>> -> memref<80xi32, #tpu.memory_space<hbm>>
        tpu.enqueue_dma source(%dma_start3A_71 : memref<80xi32, #tpu.memory_space<hbm>>) target(%arg7 : memref<80xi32, #tpu.memory_space<vmem>>) target_semaphore(%arg15 : memref<!tpu.dma_semaphore, #tpu.memory_space<semaphore_mem>>)
        %dma_wait3A_72 = tpu.memref_slice %arg3[%add3A_67] : memref<320000xi32, #tpu.memory_space<hbm>> -> memref<80xi32, #tpu.memory_space<hbm>>
        %dma_wait3A_73 = tpu.memref_slice %arg3[%add3A_67] : memref<320000xi32, #tpu.memory_space<hbm>> -> memref<80xi32, #tpu.memory_space<hbm>>
        tpu.wait_dma2 semaphore(%arg15 : memref<!tpu.dma_semaphore, #tpu.memory_space<semaphore_mem>>) src(%dma_wait3A_73 : memref<80xi32, #tpu.memory_space<hbm>>) dst(%arg6 : memref<80xi32, #tpu.memory_space<vmem>>)
        %dma_wait3A_74 = tpu.memref_slice %arg4[%add3A_67] : memref<320000xi32, #tpu.memory_space<hbm>> -> memref<80xi32, #tpu.memory_space<hbm>>
        %dma_wait3A_75 = tpu.memref_slice %arg4[%add3A_67] : memref<320000xi32, #tpu.memory_space<hbm>> -> memref<80xi32, #tpu.memory_space<hbm>>
        tpu.wait_dma2 semaphore(%arg15 : memref<!tpu.dma_semaphore, #tpu.memory_space<semaphore_mem>>) src(%dma_wait3A_75 : memref<80xi32, #tpu.memory_space<hbm>>) dst(%arg7 : memref<80xi32, #tpu.memory_space<vmem>>)
        %dma_start3A_76 = arith.constant 0 : i32
        %dma_start3A_77 = arith.constant 0 : i32
        %dma_start3A_78 = tpu.memref_slice %arg2[%dma_start3A_76, %dma_start3A_77] : memref<10000x128xf32, #tpu.memory_space<hbm>> -> memref<10000x128xf32, #tpu.memory_space<hbm>>
        tpu.enqueue_indirect_dma source(%dma_start3A_78 : memref<10000x128xf32, #tpu.memory_space<hbm>>) target(%arg10 : memref<80x128xf32, #tpu.memory_space<vmem>>) offsets(%arg6 : memref<80xi32, #tpu.memory_space<vmem>>) semaphore(%arg13 : memref<!tpu.dma_semaphore, #tpu.memory_space<semaphore_mem>>)
      } else {
      }
      %add3A_51 = arith.constant 1 : i32
      %add3A_52 = arith.addi %mul3A_40, %add3A_51 : i32
      %dma_wait3A_53 = arith.constant 0 : i32
      %dma_wait3A_54 = arith.constant 0 : i32
      %dma_wait3A_55 = tpu.memref_slice %arg2[%dma_wait3A_53, %dma_wait3A_54] : memref<10000x128xf32, #tpu.memory_space<hbm>> -> memref<10000x128xf32, #tpu.memory_space<hbm>>
      tpu.wait_indirect_dma semaphore(%arg14 : memref<!tpu.dma_semaphore, #tpu.memory_space<semaphore_mem>>) src(%dma_wait3A_55 : memref<10000x128xf32, #tpu.memory_space<hbm>>) dst(%arg11 : memref<80x128xf32, #tpu.memory_space<vmem>>)
      "tpu.region"() ({
        %run_scoped3A = tpu.sem_alloc : memref<!tpu.dma_semaphore, #tpu.memory_space<semaphore_mem>>
        %dma_start3A_63 = arith.constant 0 : i32
        %dma_start3A_64 = arith.constant 0 : i32
        %dma_start3A_65 = tpu.memref_slice %arg12[%dma_start3A_63, %dma_start3A_64] : memref<10240x128xf32, #tpu.memory_space<vmem_shared>> -> memref<10240x128xf32, #tpu.memory_space<vmem_shared>>
        tpu.enqueue_indirect_dma source(%arg11 : memref<80x128xf32, #tpu.memory_space<vmem>>) target(%dma_start3A_65 : memref<10240x128xf32, #tpu.memory_space<vmem_shared>>) offsets(%arg9 : memref<80xi32, #tpu.memory_space<vmem>>) semaphore(%run_scoped3A : memref<!tpu.dma_semaphore, #tpu.memory_space<semaphore_mem>>) {add = true}
        %dma_wait3A_66 = arith.constant 0 : i32
        %dma_wait3A_67 = arith.constant 0 : i32
        %dma_wait3A_68 = tpu.memref_slice %arg12[%dma_wait3A_66, %dma_wait3A_67] : memref<10240x128xf32, #tpu.memory_space<vmem_shared>> -> memref<10240x128xf32, #tpu.memory_space<vmem_shared>>
        tpu.wait_indirect_dma semaphore(%run_scoped3A : memref<!tpu.dma_semaphore, #tpu.memory_space<semaphore_mem>>) src(%arg11 : memref<80x128xf32, #tpu.memory_space<vmem>>) dst(%dma_wait3A_68 : memref<10240x128xf32, #tpu.memory_space<vmem_shared>>)
        tpu.yield
      }) : () -> ()
      %add3A_56 = arith.constant 2 : i32
      %add3A_57 = arith.addi %add3A_52, %add3A_56 : i32
      %lt3A_58 = arith.constant 125 : i32
      %lt3A_59 = arith.cmpi slt, %add3A_57, %lt3A_58 : i32
      %convert_element_type3A_60 = arith.extui %lt3A_59 : i1 to i32
      %cond3A_61 = arith.constant 0 : i32
      %cond3A_62 = arith.cmpi ne, %convert_element_type3A_60, %cond3A_61 : i32
      scf.if %cond3A_62 {
        %add3A_63 = arith.constant 2 : i32
        %add3A_64 = arith.addi %add3A_52, %add3A_63 : i32
        %mul3A_65 = arith.constant 80 : i32
        %mul3A_66 = arith.muli %add3A_64, %mul3A_65 : i32
        %add3A_67 = arith.addi %mul3A_2, %mul3A_66 : i32
        %dma_start3A_68 = tpu.memref_slice %arg3[%add3A_67] : memref<320000xi32, #tpu.memory_space<hbm>> -> memref<80xi32, #tpu.memory_space<hbm>>
        %dma_start3A_69 = tpu.memref_slice %arg3[%add3A_67] : memref<320000xi32, #tpu.memory_space<hbm>> -> memref<80xi32, #tpu.memory_space<hbm>>
        tpu.enqueue_dma source(%dma_start3A_69 : memref<80xi32, #tpu.memory_space<hbm>>) target(%arg8 : memref<80xi32, #tpu.memory_space<vmem>>) target_semaphore(%arg16 : memref<!tpu.dma_semaphore, #tpu.memory_space<semaphore_mem>>)
        %dma_start3A_70 = tpu.memref_slice %arg4[%add3A_67] : memref<320000xi32, #tpu.memory_space<hbm>> -> memref<80xi32, #tpu.memory_space<hbm>>
        %dma_start3A_71 = tpu.memref_slice %arg4[%add3A_67] : memref<320000xi32, #tpu.memory_space<hbm>> -> memref<80xi32, #tpu.memory_space<hbm>>
        tpu.enqueue_dma source(%dma_start3A_71 : memref<80xi32, #tpu.memory_space<hbm>>) target(%arg9 : memref<80xi32, #tpu.memory_space<vmem>>) target_semaphore(%arg16 : memref<!tpu.dma_semaphore, #tpu.memory_space<semaphore_mem>>)
        %dma_wait3A_72 = tpu.memref_slice %arg3[%add3A_67] : memref<320000xi32, #tpu.memory_space<hbm>> -> memref<80xi32, #tpu.memory_space<hbm>>
        %dma_wait3A_73 = tpu.memref_slice %arg3[%add3A_67] : memref<320000xi32, #tpu.memory_space<hbm>> -> memref<80xi32, #tpu.memory_space<hbm>>
        tpu.wait_dma2 semaphore(%arg16 : memref<!tpu.dma_semaphore, #tpu.memory_space<semaphore_mem>>) src(%dma_wait3A_73 : memref<80xi32, #tpu.memory_space<hbm>>) dst(%arg8 : memref<80xi32, #tpu.memory_space<vmem>>)
        %dma_wait3A_74 = tpu.memref_slice %arg4[%add3A_67] : memref<320000xi32, #tpu.memory_space<hbm>> -> memref<80xi32, #tpu.memory_space<hbm>>
        %dma_wait3A_75 = tpu.memref_slice %arg4[%add3A_67] : memref<320000xi32, #tpu.memory_space<hbm>> -> memref<80xi32, #tpu.memory_space<hbm>>
        tpu.wait_dma2 semaphore(%arg16 : memref<!tpu.dma_semaphore, #tpu.memory_space<semaphore_mem>>) src(%dma_wait3A_75 : memref<80xi32, #tpu.memory_space<hbm>>) dst(%arg9 : memref<80xi32, #tpu.memory_space<vmem>>)
        %dma_start3A_76 = arith.constant 0 : i32
        %dma_start3A_77 = arith.constant 0 : i32
        %dma_start3A_78 = tpu.memref_slice %arg2[%dma_start3A_76, %dma_start3A_77] : memref<10000x128xf32, #tpu.memory_space<hbm>> -> memref<10000x128xf32, #tpu.memory_space<hbm>>
        tpu.enqueue_indirect_dma source(%dma_start3A_78 : memref<10000x128xf32, #tpu.memory_space<hbm>>) target(%arg11 : memref<80x128xf32, #tpu.memory_space<vmem>>) offsets(%arg8 : memref<80xi32, #tpu.memory_space<vmem>>) semaphore(%arg14 : memref<!tpu.dma_semaphore, #tpu.memory_space<semaphore_mem>>)
      } else {
      }
    }
    %scan3A_28 = arith.constant 62 : i32
    %dma_wait3A = arith.constant 0 : i32
    %dma_wait3A_29 = arith.constant 0 : i32
    %dma_wait3A_30 = tpu.memref_slice %arg2[%dma_wait3A, %dma_wait3A_29] : memref<10000x128xf32, #tpu.memory_space<hbm>> -> memref<10000x128xf32, #tpu.memory_space<hbm>>
    tpu.wait_indirect_dma semaphore(%arg13 : memref<!tpu.dma_semaphore, #tpu.memory_space<semaphore_mem>>) src(%dma_wait3A_30 : memref<10000x128xf32, #tpu.memory_space<hbm>>) dst(%arg10 : memref<80x128xf32, #tpu.memory_space<vmem>>)
    "tpu.region"() ({
      %run_scoped3A = tpu.sem_alloc : memref<!tpu.dma_semaphore, #tpu.memory_space<semaphore_mem>>
      %dma_start3A_38 = arith.constant 0 : i32
      %dma_start3A_39 = arith.constant 0 : i32
      %dma_start3A_40 = tpu.memref_slice %arg12[%dma_start3A_38, %dma_start3A_39] : memref<10240x128xf32, #tpu.memory_space<vmem_shared>> -> memref<10240x128xf32, #tpu.memory_space<vmem_shared>>
      tpu.enqueue_indirect_dma source(%arg10 : memref<80x128xf32, #tpu.memory_space<vmem>>) target(%dma_start3A_40 : memref<10240x128xf32, #tpu.memory_space<vmem_shared>>) offsets(%arg7 : memref<80xi32, #tpu.memory_space<vmem>>) semaphore(%run_scoped3A : memref<!tpu.dma_semaphore, #tpu.memory_space<semaphore_mem>>) {add = true}
      %dma_wait3A_41 = arith.constant 0 : i32
      %dma_wait3A_42 = arith.constant 0 : i32
      %dma_wait3A_43 = tpu.memref_slice %arg12[%dma_wait3A_41, %dma_wait3A_42] : memref<10240x128xf32, #tpu.memory_space<vmem_shared>> -> memref<10240x128xf32, #tpu.memory_space<vmem_shared>>
      tpu.wait_indirect_dma semaphore(%run_scoped3A : memref<!tpu.dma_semaphore, #tpu.memory_space<semaphore_mem>>) src(%arg10 : memref<80x128xf32, #tpu.memory_space<vmem>>) dst(%dma_wait3A_43 : memref<10240x128xf32, #tpu.memory_space<vmem_shared>>)
      tpu.yield
    }) : () -> ()
    %barrier3A_31 = arith.constant 0 : index
    tpu.barrier barrier_id(%barrier3A_31)
    %lt3A = arith.constant 15 : i32
    %lt3A_32 = arith.cmpi slt, %arg1, %lt3A : i32
    %convert_element_type3A = arith.extui %lt3A_32 : i1 to i32
    %cond3A = arith.constant 0 : i32
    %cond3A_33 = arith.cmpi ne, %convert_element_type3A, %cond3A : i32
    scf.if %cond3A_33 {
      %mul3A_38 = arith.constant 640 : i32
      %mul3A_39 = arith.muli %arg1, %mul3A_38 : i32
      %mul3A_40 = arith.constant 640 : i32
      %mul3A_41 = arith.muli %arg1, %mul3A_40 : i32
      "tpu.region"() ({
        %run_scoped3A = tpu.sem_alloc : memref<!tpu.dma_semaphore, #tpu.memory_space<semaphore_mem>>
        %dma_start3A_42 = arith.constant 0 : i32
        %dma_start3A_43 = tpu.memref_slice %arg5[%arg0, %mul3A_41, %dma_start3A_42] : memref<2x10000x128xf32, #tpu.memory_space<hbm>> -> memref<1x640x128xf32, #tpu.memory_space<hbm>>
        %dma_start3A_44 = tpu.memref_squeeze %dma_start3A_43 : memref<1x640x128xf32, #tpu.memory_space<hbm>> -> memref<640x128xf32, #tpu.memory_space<hbm>>
        %dma_start3A_45 = arith.constant 0 : i32
        %dma_start3A_46 = tpu.memref_slice %arg12[%mul3A_39, %dma_start3A_45] : memref<10240x128xf32, #tpu.memory_space<vmem_shared>> -> memref<640x128xf32, #tpu.memory_space<vmem_shared>>
        tpu.enqueue_dma source(%dma_start3A_46 : memref<640x128xf32, #tpu.memory_space<vmem_shared>>) target(%dma_start3A_44 : memref<640x128xf32, #tpu.memory_space<hbm>>) target_semaphore(%run_scoped3A : memref<!tpu.dma_semaphore, #tpu.memory_space<semaphore_mem>>)
        %dma_wait3A_47 = arith.constant 0 : i32
        %dma_wait3A_48 = tpu.memref_slice %arg5[%arg0, %mul3A_41, %dma_wait3A_47] : memref<2x10000x128xf32, #tpu.memory_space<hbm>> -> memref<1x640x128xf32, #tpu.memory_space<hbm>>
        %dma_wait3A_49 = tpu.memref_squeeze %dma_wait3A_48 : memref<1x640x128xf32, #tpu.memory_space<hbm>> -> memref<640x128xf32, #tpu.memory_space<hbm>>
        %dma_wait3A_50 = arith.constant 0 : i32
        %dma_wait3A_51 = tpu.memref_slice %arg12[%mul3A_39, %dma_wait3A_50] : memref<10240x128xf32, #tpu.memory_space<vmem_shared>> -> memref<640x128xf32, #tpu.memory_space<vmem_shared>>
        tpu.wait_dma2 semaphore(%run_scoped3A : memref<!tpu.dma_semaphore, #tpu.memory_space<semaphore_mem>>) src(%dma_wait3A_51 : memref<640x128xf32, #tpu.memory_space<vmem_shared>>) dst(%dma_wait3A_49 : memref<640x128xf32, #tpu.memory_space<hbm>>)
        tpu.yield
      }) : () -> ()
    } else {
    }
    %eq3A = arith.constant 15 : i32
    %eq3A_34 = arith.cmpi eq, %arg1, %eq3A : i32
    %convert_element_type3A_35 = arith.extui %eq3A_34 : i1 to i32
    %cond3A_36 = arith.constant 0 : i32
    %cond3A_37 = arith.cmpi ne, %convert_element_type3A_35, %cond3A_36 : i32
    scf.if %cond3A_37 {
      %mul3A_38 = arith.constant 640 : i32
      %mul3A_39 = arith.muli %arg1, %mul3A_38 : i32
      %mul3A_40 = arith.constant 640 : i32
      %mul3A_41 = arith.muli %arg1, %mul3A_40 : i32
      "tpu.region"() ({
        %run_scoped3A = tpu.sem_alloc : memref<!tpu.dma_semaphore, #tpu.memory_space<semaphore_mem>>
        %dma_start3A_42 = arith.constant 0 : i32
        %dma_start3A_43 = tpu.memref_slice %arg5[%arg0, %mul3A_41, %dma_start3A_42] : memref<2x10000x128xf32, #tpu.memory_space<hbm>> -> memref<1x400x128xf32, #tpu.memory_space<hbm>>
        %dma_start3A_44 = tpu.memref_squeeze %dma_start3A_43 : memref<1x400x128xf32, #tpu.memory_space<hbm>> -> memref<400x128xf32, #tpu.memory_space<hbm>>
        %dma_start3A_45 = arith.constant 0 : i32
        %dma_start3A_46 = tpu.memref_slice %arg12[%mul3A_39, %dma_start3A_45] : memref<10240x128xf32, #tpu.memory_space<vmem_shared>> -> memref<400x128xf32, #tpu.memory_space<vmem_shared>>
        tpu.enqueue_dma source(%dma_start3A_46 : memref<400x128xf32, #tpu.memory_space<vmem_shared>>) target(%dma_start3A_44 : memref<400x128xf32, #tpu.memory_space<hbm>>) target_semaphore(%run_scoped3A : memref<!tpu.dma_semaphore, #tpu.memory_space<semaphore_mem>>)
        %dma_wait3A_47 = arith.constant 0 : i32
        %dma_wait3A_48 = tpu.memref_slice %arg5[%arg0, %mul3A_41, %dma_wait3A_47] : memref<2x10000x128xf32, #tpu.memory_space<hbm>> -> memref<1x400x128xf32, #tpu.memory_space<hbm>>
        %dma_wait3A_49 = tpu.memref_squeeze %dma_wait3A_48 : memref<1x400x128xf32, #tpu.memory_space<hbm>> -> memref<400x128xf32, #tpu.memory_space<hbm>>
        %dma_wait3A_50 = arith.constant 0 : i32
        %dma_wait3A_51 = tpu.memref_slice %arg12[%mul3A_39, %dma_wait3A_50] : memref<10240x128xf32, #tpu.memory_space<vmem_shared>> -> memref<400x128xf32, #tpu.memory_space<vmem_shared>>
        tpu.wait_dma2 semaphore(%run_scoped3A : memref<!tpu.dma_semaphore, #tpu.memory_space<semaphore_mem>>) src(%dma_wait3A_51 : memref<400x128xf32, #tpu.memory_space<vmem_shared>>) dst(%dma_wait3A_49 : memref<400x128xf32, #tpu.memory_space<hbm>>)
        tpu.yield
      }) : () -> ()
    } else {
    }
    return
  }
}

#map = affine_map<(d0, d1) -> (0, 0, 0)>
#map1 = affine_map<(d0, d1) -> (0)>
module attributes {stable_mosaic.version = 14 : i64} {
  func.func @deg_kernel(%arg0: i32, %arg1: i32, %arg2: memref<32x125x80xi32, #tpu.memory_space<hbm>>, %arg3: memref<20480xf32, #tpu.memory_space<hbm>>, %arg4: memref<125x80xi32, #tpu.memory_space<vmem>>, %arg5: memref<80xf32, #tpu.memory_space<vmem>>, %arg6: memref<640xf32, #tpu.memory_space<vmem>>, %arg7: memref<10240xf32, #tpu.memory_space<vmem_shared>>) attributes {dimension_semantics = [#tpu.dimension_semantics<core_parallel>, #tpu.dimension_semantics<subcore_parallel>], iteration_bounds = array<i64: 2, 16>, scalar_prefetch = 0 : i64, scratch_operands = 4 : i64, tpu.core_type = #tpu.core_type<sc_vector_subcore>, window_params = [{transform_indices = #map}, {transform_indices = #map1}]} {
    %mul3A = arith.constant 16 : i32
    %mul3A_0 = arith.muli %arg0, %mul3A : i32
    %add3A = arith.addi %mul3A_0, %arg1 : i32
    %scan3A = arith.constant 0 : i32
    %scan3A_1 = arith.constant 0 : i32
    %scan3A_2 = arith.constant 5 : i32
    %scan3A_3 = arith.addi %scan3A_1, %scan3A_2 : i32
    %scan3A_4 = arith.constant 1 : i32
    scf.for %scan3A_28 = %scan3A_1 to %scan3A_3 step %scan3A_4  : i32 {
      %broadcast_in_dim3A = arith.constant 1.000000e+00 : f32
      %broadcast_in_dim3A_29 = vector.broadcast %broadcast_in_dim3A : f32 to vector<16xf32>
      %mul3A_30 = arith.constant 16 : i32
      %mul3A_31 = arith.muli %scan3A_28, %mul3A_30 : i32
      %swap3A = arith.index_cast %mul3A_31 : i32 to index
      %swap3A_32 = tpu.vector_load %arg5[%swap3A] {strides = array<i32>} : memref<80xf32, #tpu.memory_space<vmem>>, vector<16xf32>,
      %swap3A_33 = vector.shape_cast %swap3A_32 : vector<16xf32> to vector<16xf32>
      %swap3A_34 = vector.shape_cast %broadcast_in_dim3A_29 : vector<16xf32> to vector<16xf32>
      tpu.vector_store %arg5[%swap3A], %swap3A_34 {strides = array<i32>} : memref<80xf32, #tpu.memory_space<vmem>>, vector<16xf32>,
    }
    %scan3A_5 = arith.constant 5 : i32
    %scan3A_6 = arith.constant 0 : i32
    %scan3A_7 = arith.constant 0 : i32
    %scan3A_8 = arith.constant 40 : i32
    %scan3A_9 = arith.addi %scan3A_7, %scan3A_8 : i32
    %scan3A_10 = arith.constant 1 : i32
    scf.for %scan3A_28 = %scan3A_7 to %scan3A_9 step %scan3A_10  : i32 {
      %broadcast_in_dim3A = arith.constant 0.000000e+00 : f32
      %broadcast_in_dim3A_29 = vector.broadcast %broadcast_in_dim3A : f32 to vector<16xf32>
      %mul3A_30 = arith.constant 16 : i32
      %mul3A_31 = arith.muli %scan3A_28, %mul3A_30 : i32
      %swap3A = arith.index_cast %mul3A_31 : i32 to index
      %swap3A_32 = tpu.vector_load %arg6[%swap3A] {strides = array<i32>} : memref<640xf32, #tpu.memory_space<vmem>>, vector<16xf32>,
      %swap3A_33 = vector.shape_cast %swap3A_32 : vector<16xf32> to vector<16xf32>
      %swap3A_34 = vector.shape_cast %broadcast_in_dim3A_29 : vector<16xf32> to vector<16xf32>
      tpu.vector_store %arg6[%swap3A], %swap3A_34 {strides = array<i32>} : memref<640xf32, #tpu.memory_space<vmem>>, vector<16xf32>,
    }
    %scan3A_11 = arith.constant 40 : i32
    %mul3A_12 = arith.constant 640 : i32
    %mul3A_13 = arith.muli %arg1, %mul3A_12 : i32
    "tpu.region"() ({
      %run_scoped3A = tpu.sem_alloc : memref<!tpu.dma_semaphore, #tpu.memory_space<semaphore_mem>>
      %dma_start3A = tpu.memref_slice %arg7[%mul3A_13] : memref<10240xf32, #tpu.memory_space<vmem_shared>> -> memref<640xf32, #tpu.memory_space<vmem_shared>>
      %dma_start3A_28 = tpu.memref_slice %arg7[%mul3A_13] : memref<10240xf32, #tpu.memory_space<vmem_shared>> -> memref<640xf32, #tpu.memory_space<vmem_shared>>
      tpu.enqueue_dma source(%arg6 : memref<640xf32, #tpu.memory_space<vmem>>) target(%dma_start3A_28 : memref<640xf32, #tpu.memory_space<vmem_shared>>) target_semaphore(%run_scoped3A : memref<!tpu.dma_semaphore, #tpu.memory_space<semaphore_mem>>)
      %dma_wait3A = tpu.memref_slice %arg7[%mul3A_13] : memref<10240xf32, #tpu.memory_space<vmem_shared>> -> memref<640xf32, #tpu.memory_space<vmem_shared>>
      %dma_wait3A_29 = tpu.memref_slice %arg7[%mul3A_13] : memref<10240xf32, #tpu.memory_space<vmem_shared>> -> memref<640xf32, #tpu.memory_space<vmem_shared>>
      tpu.wait_dma2 semaphore(%run_scoped3A : memref<!tpu.dma_semaphore, #tpu.memory_space<semaphore_mem>>) src(%arg6 : memref<640xf32, #tpu.memory_space<vmem>>) dst(%dma_wait3A_29 : memref<640xf32, #tpu.memory_space<vmem_shared>>)
      tpu.yield
    }) : () -> ()
    "tpu.region"() ({
      %run_scoped3A = tpu.sem_alloc : memref<!tpu.dma_semaphore, #tpu.memory_space<semaphore_mem>>
      %dma_start3A = arith.constant 0 : i32
      %dma_start3A_28 = arith.constant 0 : i32
      %dma_start3A_29 = tpu.memref_slice %arg2[%add3A, %dma_start3A, %dma_start3A_28] : memref<32x125x80xi32, #tpu.memory_space<hbm>> -> memref<1x125x80xi32, #tpu.memory_space<hbm>>
      %dma_start3A_30 = tpu.memref_squeeze %dma_start3A_29 : memref<1x125x80xi32, #tpu.memory_space<hbm>> -> memref<125x80xi32, #tpu.memory_space<hbm>>
      %dma_start3A_31 = arith.constant 0 : i32
      %dma_start3A_32 = arith.constant 0 : i32
      %dma_start3A_33 = tpu.memref_slice %arg2[%add3A, %dma_start3A_31, %dma_start3A_32] : memref<32x125x80xi32, #tpu.memory_space<hbm>> -> memref<1x125x80xi32, #tpu.memory_space<hbm>>
      %dma_start3A_34 = tpu.memref_squeeze %dma_start3A_33 : memref<1x125x80xi32, #tpu.memory_space<hbm>> -> memref<125x80xi32, #tpu.memory_space<hbm>>
      tpu.enqueue_dma source(%dma_start3A_34 : memref<125x80xi32, #tpu.memory_space<hbm>>) target(%arg4 : memref<125x80xi32, #tpu.memory_space<vmem>>) target_semaphore(%run_scoped3A : memref<!tpu.dma_semaphore, #tpu.memory_space<semaphore_mem>>)
      %dma_wait3A = arith.constant 0 : i32
      %dma_wait3A_35 = arith.constant 0 : i32
      %dma_wait3A_36 = tpu.memref_slice %arg2[%add3A, %dma_wait3A, %dma_wait3A_35] : memref<32x125x80xi32, #tpu.memory_space<hbm>> -> memref<1x125x80xi32, #tpu.memory_space<hbm>>
      %dma_wait3A_37 = tpu.memref_squeeze %dma_wait3A_36 : memref<1x125x80xi32, #tpu.memory_space<hbm>> -> memref<125x80xi32, #tpu.memory_space<hbm>>
      %dma_wait3A_38 = arith.constant 0 : i32
      %dma_wait3A_39 = arith.constant 0 : i32
      %dma_wait3A_40 = tpu.memref_slice %arg2[%add3A, %dma_wait3A_38, %dma_wait3A_39] : memref<32x125x80xi32, #tpu.memory_space<hbm>> -> memref<1x125x80xi32, #tpu.memory_space<hbm>>
      %dma_wait3A_41 = tpu.memref_squeeze %dma_wait3A_40 : memref<1x125x80xi32, #tpu.memory_space<hbm>> -> memref<125x80xi32, #tpu.memory_space<hbm>>
      tpu.wait_dma2 semaphore(%run_scoped3A : memref<!tpu.dma_semaphore, #tpu.memory_space<semaphore_mem>>) src(%dma_wait3A_41 : memref<125x80xi32, #tpu.memory_space<hbm>>) dst(%arg4 : memref<125x80xi32, #tpu.memory_space<vmem>>)
      tpu.yield
    }) : () -> ()
    %barrier3A = arith.constant 0 : index
    tpu.barrier barrier_id(%barrier3A)
    %scan3A_14 = arith.constant 0 : i32
    %scan3A_15 = arith.constant 0 : i32
    %scan3A_16 = arith.constant 125 : i32
    %scan3A_17 = arith.addi %scan3A_15, %scan3A_16 : i32
    %scan3A_18 = arith.constant 1 : i32
    scf.for %scan3A_28 = %scan3A_15 to %scan3A_17 step %scan3A_18  : i32 {
      "tpu.region"() ({
        %run_scoped3A = tpu.sem_alloc : memref<!tpu.dma_semaphore, #tpu.memory_space<semaphore_mem>>
        %dma_start3A = arith.constant 0 : i32
        %dma_start3A_29 = tpu.memref_slice %arg4[%scan3A_28, %dma_start3A] : memref<125x80xi32, #tpu.memory_space<vmem>> -> memref<1x80xi32, #tpu.memory_space<vmem>>
        %dma_start3A_30 = tpu.memref_squeeze %dma_start3A_29 : memref<1x80xi32, #tpu.memory_space<vmem>> -> memref<80xi32, #tpu.memory_space<vmem>>
        %dma_start3A_31 = arith.constant 0 : i32
        %dma_start3A_32 = tpu.memref_slice %arg7[%dma_start3A_31] : memref<10240xf32, #tpu.memory_space<vmem_shared>> -> memref<10240xf32, #tpu.memory_space<vmem_shared>>
        tpu.enqueue_indirect_dma source(%arg5 : memref<80xf32, #tpu.memory_space<vmem>>) target(%dma_start3A_32 : memref<10240xf32, #tpu.memory_space<vmem_shared>>) offsets(%dma_start3A_30 : memref<80xi32, #tpu.memory_space<vmem>>) semaphore(%run_scoped3A : memref<!tpu.dma_semaphore, #tpu.memory_space<semaphore_mem>>) {add = true}
        %dma_wait3A = arith.constant 0 : i32
        %dma_wait3A_33 = tpu.memref_slice %arg4[%scan3A_28, %dma_wait3A] : memref<125x80xi32, #tpu.memory_space<vmem>> -> memref<1x80xi32, #tpu.memory_space<vmem>>
        %dma_wait3A_34 = tpu.memref_squeeze %dma_wait3A_33 : memref<1x80xi32, #tpu.memory_space<vmem>> -> memref<80xi32, #tpu.memory_space<vmem>>
        %dma_wait3A_35 = arith.constant 0 : i32
        %dma_wait3A_36 = tpu.memref_slice %arg7[%dma_wait3A_35] : memref<10240xf32, #tpu.memory_space<vmem_shared>> -> memref<10240xf32, #tpu.memory_space<vmem_shared>>
        tpu.wait_indirect_dma semaphore(%run_scoped3A : memref<!tpu.dma_semaphore, #tpu.memory_space<semaphore_mem>>) src(%arg5 : memref<80xf32, #tpu.memory_space<vmem>>) dst(%dma_wait3A_36 : memref<10240xf32, #tpu.memory_space<vmem_shared>>)
        tpu.yield
      }) : () -> ()
    }
    %scan3A_19 = arith.constant 125 : i32
    %barrier3A_20 = arith.constant 0 : index
    tpu.barrier barrier_id(%barrier3A_20)
    %mul3A_21 = arith.constant 640 : i32
    %mul3A_22 = arith.muli %arg1, %mul3A_21 : i32
    %mul3A_23 = arith.constant 10240 : i32
    %mul3A_24 = arith.muli %arg0, %mul3A_23 : i32
    %mul3A_25 = arith.constant 640 : i32
    %mul3A_26 = arith.muli %arg1, %mul3A_25 : i32
    %add3A_27 = arith.addi %mul3A_24, %mul3A_26 : i32
    "tpu.region"() ({
      %run_scoped3A = tpu.sem_alloc : memref<!tpu.dma_semaphore, #tpu.memory_space<semaphore_mem>>
      %dma_start3A = tpu.memref_slice %arg3[%add3A_27] : memref<20480xf32, #tpu.memory_space<hbm>> -> memref<640xf32, #tpu.memory_space<hbm>>
      %dma_start3A_28 = tpu.memref_slice %arg7[%mul3A_22] : memref<10240xf32, #tpu.memory_space<vmem_shared>> -> memref<640xf32, #tpu.memory_space<vmem_shared>>
      tpu.enqueue_dma source(%dma_start3A_28 : memref<640xf32, #tpu.memory_space<vmem_shared>>) target(%dma_start3A : memref<640xf32, #tpu.memory_space<hbm>>) target_semaphore(%run_scoped3A : memref<!tpu.dma_semaphore, #tpu.memory_space<semaphore_mem>>)
      %dma_wait3A = tpu.memref_slice %arg3[%add3A_27] : memref<20480xf32, #tpu.memory_space<hbm>> -> memref<640xf32, #tpu.memory_space<hbm>>
      %dma_wait3A_29 = tpu.memref_slice %arg7[%mul3A_22] : memref<10240xf32, #tpu.memory_space<vmem_shared>> -> memref<640xf32, #tpu.memory_space<vmem_shared>>
      tpu.wait_dma2 semaphore(%run_scoped3A : memref<!tpu.dma_semaphore, #tpu.memory_space<semaphore_mem>>) src(%dma_wait3A_29 : memref<640xf32, #tpu.memory_space<vmem_shared>>) dst(%dma_wait3A : memref<640xf32, #tpu.memory_space<hbm>>)
      tpu.yield
    }) : () -> ()
    return
  }
}

#map = affine_map<(d0, d1) -> (0, 0)>
#map1 = affine_map<(d0, d1) -> (0)>
#map2 = affine_map<(d0, d1) -> (0, 0, 0)>
module attributes {stable_mosaic.version = 14 : i64} {
  func.func @scat_kernel(%arg0: i32, %arg1: i32, %arg2: memref<10000x128xf32, #tpu.memory_space<hbm>>, %arg3: memref<320000xi32, #tpu.memory_space<hbm>>, %arg4: memref<320000xi32, #tpu.memory_space<hbm>>, %arg5: memref<2x10000x128xf32, #tpu.memory_space<hbm>>, %arg6: memref<80xi32, #tpu.memory_space<vmem>>, %arg7: memref<80xi32, #tpu.memory_space<vmem>>, %arg8: memref<80xi32, #tpu.memory_space<vmem>>, %arg9: memref<80xi32, #tpu.memory_space<vmem>>, %arg10: memref<80x128xf32, #tpu.memory_space<vmem>>, %arg11: memref<80x128xf32, #tpu.memory_space<vmem>>, %arg12: memref<10240x128xf32, #tpu.memory_space<vmem_shared>>, %arg13: memref<!tpu.dma_semaphore, #tpu.memory_space<semaphore_mem>>, %arg14: memref<!tpu.dma_semaphore, #tpu.memory_space<semaphore_mem>>, %arg15: memref<!tpu.dma_semaphore, #tpu.memory_space<semaphore_mem>>, %arg16: memref<!tpu.dma_semaphore, #tpu.memory_space<semaphore_mem>>) attributes {dimension_semantics = [#tpu.dimension_semantics<core_parallel>, #tpu.dimension_semantics<subcore_parallel>], iteration_bounds = array<i64: 2, 16>, scalar_prefetch = 0 : i64, scratch_operands = 11 : i64, tpu.core_type = #tpu.core_type<sc_vector_subcore>, window_params = [{transform_indices = #map}, {transform_indices = #map1}, {transform_indices = #map1}, {transform_indices = #map2}]} {
    %mul3A = arith.constant 16 : i32
    %mul3A_0 = arith.muli %arg0, %mul3A : i32
    %add3A = arith.addi %mul3A_0, %arg1 : i32
    %mul3A_1 = arith.constant 10000 : i32
    %mul3A_2 = arith.muli %add3A, %mul3A_1 : i32
    %scan3A = arith.constant 0 : i32
    %scan3A_3 = arith.constant 0 : i32
    %scan3A_4 = arith.constant 80 : i32
    %scan3A_5 = arith.addi %scan3A_3, %scan3A_4 : i32
    %scan3A_6 = arith.constant 1 : i32
    scf.for %scan3A_38 = %scan3A_3 to %scan3A_5 step %scan3A_6  : i32 {
      %broadcast_in_dim3A = arith.constant 0.000000e+00 : f32
      %broadcast_in_dim3A_39 = vector.broadcast %broadcast_in_dim3A : f32 to vector<16xf32>
      %swap3A = arith.index_cast %scan3A_38 : i32 to index
      %swap3A_40 = arith.constant 0 : index
      %swap3A_41 = tpu.vector_load %arg10[%swap3A, %swap3A_40] {strides = array<i32>} : memref<80x128xf32, #tpu.memory_space<vmem>>, vector<1x16xf32>,
      %swap3A_42 = vector.shape_cast %swap3A_41 : vector<1x16xf32> to vector<16xf32>
      %swap3A_43 = vector.shape_cast %broadcast_in_dim3A_39 : vector<16xf32> to vector<1x16xf32>
      tpu.vector_store %arg10[%swap3A, %swap3A_40], %swap3A_43 {strides = array<i32>} : memref<80x128xf32, #tpu.memory_space<vmem>>, vector<1x16xf32>,
      %broadcast_in_dim3A_44 = arith.constant 0.000000e+00 : f32
      %broadcast_in_dim3A_45 = vector.broadcast %broadcast_in_dim3A_44 : f32 to vector<16xf32>
      %swap3A_46 = arith.index_cast %scan3A_38 : i32 to index
      %swap3A_47 = arith.constant 16 : index
      %swap3A_48 = tpu.vector_load %arg10[%swap3A_46, %swap3A_47] {strides = array<i32>} : memref<80x128xf32, #tpu.memory_space<vmem>>, vector<1x16xf32>,
      %swap3A_49 = vector.shape_cast %swap3A_48 : vector<1x16xf32> to vector<16xf32>
      %swap3A_50 = vector.shape_cast %broadcast_in_dim3A_45 : vector<16xf32> to vector<1x16xf32>
      tpu.vector_store %arg10[%swap3A_46, %swap3A_47], %swap3A_50 {strides = array<i32>} : memref<80x128xf32, #tpu.memory_space<vmem>>, vector<1x16xf32>,
      %broadcast_in_dim3A_51 = arith.constant 0.000000e+00 : f32
      %broadcast_in_dim3A_52 = vector.broadcast %broadcast_in_dim3A_51 : f32 to vector<16xf32>
      %swap3A_53 = arith.index_cast %scan3A_38 : i32 to index
      %swap3A_54 = arith.constant 32 : index
      %swap3A_55 = tpu.vector_load %arg10[%swap3A_53, %swap3A_54] {strides = array<i32>} : memref<80x128xf32, #tpu.memory_space<vmem>>, vector<1x16xf32>,
      %swap3A_56 = vector.shape_cast %swap3A_55 : vector<1x16xf32> to vector<16xf32>
      %swap3A_57 = vector.shape_cast %broadcast_in_dim3A_52 : vector<16xf32> to vector<1x16xf32>
      tpu.vector_store %arg10[%swap3A_53, %swap3A_54], %swap3A_57 {strides = array<i32>} : memref<80x128xf32, #tpu.memory_space<vmem>>, vector<1x16xf32>,
      %broadcast_in_dim3A_58 = arith.constant 0.000000e+00 : f32
      %broadcast_in_dim3A_59 = vector.broadcast %broadcast_in_dim3A_58 : f32 to vector<16xf32>
      %swap3A_60 = arith.index_cast %scan3A_38 : i32 to index
      %swap3A_61 = arith.constant 48 : index
      %swap3A_62 = tpu.vector_load %arg10[%swap3A_60, %swap3A_61] {strides = array<i32>} : memref<80x128xf32, #tpu.memory_space<vmem>>, vector<1x16xf32>,
      %swap3A_63 = vector.shape_cast %swap3A_62 : vector<1x16xf32> to vector<16xf32>
      %swap3A_64 = vector.shape_cast %broadcast_in_dim3A_59 : vector<16xf32> to vector<1x16xf32>
      tpu.vector_store %arg10[%swap3A_60, %swap3A_61], %swap3A_64 {strides = array<i32>} : memref<80x128xf32, #tpu.memory_space<vmem>>, vector<1x16xf32>,
      %broadcast_in_dim3A_65 = arith.constant 0.000000e+00 : f32
      %broadcast_in_dim3A_66 = vector.broadcast %broadcast_in_dim3A_65 : f32 to vector<16xf32>
      %swap3A_67 = arith.index_cast %scan3A_38 : i32 to index
      %swap3A_68 = arith.constant 64 : index
      %swap3A_69 = tpu.vector_load %arg10[%swap3A_67, %swap3A_68] {strides = array<i32>} : memref<80x128xf32, #tpu.memory_space<vmem>>, vector<1x16xf32>,
      %swap3A_70 = vector.shape_cast %swap3A_69 : vector<1x16xf32> to vector<16xf32>
      %swap3A_71 = vector.shape_cast %broadcast_in_dim3A_66 : vector<16xf32> to vector<1x16xf32>
      tpu.vector_store %arg10[%swap3A_67, %swap3A_68], %swap3A_71 {strides = array<i32>} : memref<80x128xf32, #tpu.memory_space<vmem>>, vector<1x16xf32>,
      %broadcast_in_dim3A_72 = arith.constant 0.000000e+00 : f32
      %broadcast_in_dim3A_73 = vector.broadcast %broadcast_in_dim3A_72 : f32 to vector<16xf32>
      %swap3A_74 = arith.index_cast %scan3A_38 : i32 to index
      %swap3A_75 = arith.constant 80 : index
      %swap3A_76 = tpu.vector_load %arg10[%swap3A_74, %swap3A_75] {strides = array<i32>} : memref<80x128xf32, #tpu.memory_space<vmem>>, vector<1x16xf32>,
      %swap3A_77 = vector.shape_cast %swap3A_76 : vector<1x16xf32> to vector<16xf32>
      %swap3A_78 = vector.shape_cast %broadcast_in_dim3A_73 : vector<16xf32> to vector<1x16xf32>
      tpu.vector_store %arg10[%swap3A_74, %swap3A_75], %swap3A_78 {strides = array<i32>} : memref<80x128xf32, #tpu.memory_space<vmem>>, vector<1x16xf32>,
      %broadcast_in_dim3A_79 = arith.constant 0.000000e+00 : f32
      %broadcast_in_dim3A_80 = vector.broadcast %broadcast_in_dim3A_79 : f32 to vector<16xf32>
      %swap3A_81 = arith.index_cast %scan3A_38 : i32 to index
      %swap3A_82 = arith.constant 96 : index
      %swap3A_83 = tpu.vector_load %arg10[%swap3A_81, %swap3A_82] {strides = array<i32>} : memref<80x128xf32, #tpu.memory_space<vmem>>, vector<1x16xf32>,
      %swap3A_84 = vector.shape_cast %swap3A_83 : vector<1x16xf32> to vector<16xf32>
      %swap3A_85 = vector.shape_cast %broadcast_in_dim3A_80 : vector<16xf32> to vector<1x16xf32>
      tpu.vector_store %arg10[%swap3A_81, %swap3A_82], %swap3A_85 {strides = array<i32>} : memref<80x128xf32, #tpu.memory_space<vmem>>, vector<1x16xf32>,
      %broadcast_in_dim3A_86 = arith.constant 0.000000e+00 : f32
      %broadcast_in_dim3A_87 = vector.broadcast %broadcast_in_dim3A_86 : f32 to vector<16xf32>
      %swap3A_88 = arith.index_cast %scan3A_38 : i32 to index
      %swap3A_89 = arith.constant 112 : index
      %swap3A_90 = tpu.vector_load %arg10[%swap3A_88, %swap3A_89] {strides = array<i32>} : memref<80x128xf32, #tpu.memory_space<vmem>>, vector<1x16xf32>,
      %swap3A_91 = vector.shape_cast %swap3A_90 : vector<1x16xf32> to vector<16xf32>
      %swap3A_92 = vector.shape_cast %broadcast_in_dim3A_87 : vector<16xf32> to vector<1x16xf32>
      tpu.vector_store %arg10[%swap3A_88, %swap3A_89], %swap3A_92 {strides = array<i32>} : memref<80x128xf32, #tpu.memory_space<vmem>>, vector<1x16xf32>,
    }
    %scan3A_7 = arith.constant 80 : i32
    %scan3A_8 = arith.constant 0 : i32
    %scan3A_9 = arith.constant 0 : i32
    %scan3A_10 = arith.constant 8 : i32
    %scan3A_11 = arith.addi %scan3A_9, %scan3A_10 : i32
    %scan3A_12 = arith.constant 1 : i32
    scf.for %scan3A_38 = %scan3A_9 to %scan3A_11 step %scan3A_12  : i32 {
      %mul3A_39 = arith.constant 640 : i32
      %mul3A_40 = arith.muli %arg1, %mul3A_39 : i32
      %mul3A_41 = arith.constant 80 : i32
      %mul3A_42 = arith.muli %scan3A_38, %mul3A_41 : i32
      %add3A_43 = arith.addi %mul3A_40, %mul3A_42 : i32
      "tpu.region"() ({
        %run_scoped3A = tpu.sem_alloc : memref<!tpu.dma_semaphore, #tpu.memory_space<semaphore_mem>>
        %dma_start3A_44 = arith.constant 0 : i32
        %dma_start3A_45 = tpu.memref_slice %arg12[%add3A_43, %dma_start3A_44] : memref<10240x128xf32, #tpu.memory_space<vmem_shared>> -> memref<80x128xf32, #tpu.memory_space<vmem_shared>>
        %dma_start3A_46 = arith.constant 0 : i32
        %dma_start3A_47 = tpu.memref_slice %arg12[%add3A_43, %dma_start3A_46] : memref<10240x128xf32, #tpu.memory_space<vmem_shared>> -> memref<80x128xf32, #tpu.memory_space<vmem_shared>>
        tpu.enqueue_dma source(%arg10 : memref<80x128xf32, #tpu.memory_space<vmem>>) target(%dma_start3A_47 : memref<80x128xf32, #tpu.memory_space<vmem_shared>>) target_semaphore(%run_scoped3A : memref<!tpu.dma_semaphore, #tpu.memory_space<semaphore_mem>>)
        %dma_wait3A_48 = arith.constant 0 : i32
        %dma_wait3A_49 = tpu.memref_slice %arg12[%add3A_43, %dma_wait3A_48] : memref<10240x128xf32, #tpu.memory_space<vmem_shared>> -> memref<80x128xf32, #tpu.memory_space<vmem_shared>>
        %dma_wait3A_50 = arith.constant 0 : i32
        %dma_wait3A_51 = tpu.memref_slice %arg12[%add3A_43, %dma_wait3A_50] : memref<10240x128xf32, #tpu.memory_space<vmem_shared>> -> memref<80x128xf32, #tpu.memory_space<vmem_shared>>
        tpu.wait_dma2 semaphore(%run_scoped3A : memref<!tpu.dma_semaphore, #tpu.memory_space<semaphore_mem>>) src(%arg10 : memref<80x128xf32, #tpu.memory_space<vmem>>) dst(%dma_wait3A_51 : memref<80x128xf32, #tpu.memory_space<vmem_shared>>)
        tpu.yield
      }) : () -> ()
    }
    %scan3A_13 = arith.constant 8 : i32
    %barrier3A = arith.constant 0 : index
    tpu.barrier barrier_id(%barrier3A)
    "tpu.region"() ({
      %run_scoped3A = tpu.sem_alloc : memref<!tpu.dma_semaphore, #tpu.memory_space<semaphore_mem>>
      %dma_start3A_38 = tpu.memref_slice %arg3[%mul3A_2] : memref<320000xi32, #tpu.memory_space<hbm>> -> memref<80xi32, #tpu.memory_space<hbm>>
      %dma_start3A_39 = tpu.memref_slice %arg3[%mul3A_2] : memref<320000xi32, #tpu.memory_space<hbm>> -> memref<80xi32, #tpu.memory_space<hbm>>
      tpu.enqueue_dma source(%dma_start3A_39 : memref<80xi32, #tpu.memory_space<hbm>>) target(%arg6 : memref<80xi32, #tpu.memory_space<vmem>>) target_semaphore(%run_scoped3A : memref<!tpu.dma_semaphore, #tpu.memory_space<semaphore_mem>>)
      %dma_wait3A_40 = tpu.memref_slice %arg3[%mul3A_2] : memref<320000xi32, #tpu.memory_space<hbm>> -> memref<80xi32, #tpu.memory_space<hbm>>
      %dma_wait3A_41 = tpu.memref_slice %arg3[%mul3A_2] : memref<320000xi32, #tpu.memory_space<hbm>> -> memref<80xi32, #tpu.memory_space<hbm>>
      tpu.wait_dma2 semaphore(%run_scoped3A : memref<!tpu.dma_semaphore, #tpu.memory_space<semaphore_mem>>) src(%dma_wait3A_41 : memref<80xi32, #tpu.memory_space<hbm>>) dst(%arg6 : memref<80xi32, #tpu.memory_space<vmem>>)
      tpu.yield
    }) : () -> ()
    "tpu.region"() ({
      %run_scoped3A = tpu.sem_alloc : memref<!tpu.dma_semaphore, #tpu.memory_space<semaphore_mem>>
      %dma_start3A_38 = tpu.memref_slice %arg4[%mul3A_2] : memref<320000xi32, #tpu.memory_space<hbm>> -> memref<80xi32, #tpu.memory_space<hbm>>
      %dma_start3A_39 = tpu.memref_slice %arg4[%mul3A_2] : memref<320000xi32, #tpu.memory_space<hbm>> -> memref<80xi32, #tpu.memory_space<hbm>>
      tpu.enqueue_dma source(%dma_start3A_39 : memref<80xi32, #tpu.memory_space<hbm>>) target(%arg7 : memref<80xi32, #tpu.memory_space<vmem>>) target_semaphore(%run_scoped3A : memref<!tpu.dma_semaphore, #tpu.memory_space<semaphore_mem>>)
      %dma_wait3A_40 = tpu.memref_slice %arg4[%mul3A_2] : memref<320000xi32, #tpu.memory_space<hbm>> -> memref<80xi32, #tpu.memory_space<hbm>>
      %dma_wait3A_41 = tpu.memref_slice %arg4[%mul3A_2] : memref<320000xi32, #tpu.memory_space<hbm>> -> memref<80xi32, #tpu.memory_space<hbm>>
      tpu.wait_dma2 semaphore(%run_scoped3A : memref<!tpu.dma_semaphore, #tpu.memory_space<semaphore_mem>>) src(%dma_wait3A_41 : memref<80xi32, #tpu.memory_space<hbm>>) dst(%arg7 : memref<80xi32, #tpu.memory_space<vmem>>)
      tpu.yield
    }) : () -> ()
    %add3A_14 = arith.constant 80 : i32
    %add3A_15 = arith.addi %mul3A_2, %add3A_14 : i32
    "tpu.region"() ({
      %run_scoped3A = tpu.sem_alloc : memref<!tpu.dma_semaphore, #tpu.memory_space<semaphore_mem>>
      %dma_start3A_38 = tpu.memref_slice %arg3[%add3A_15] : memref<320000xi32, #tpu.memory_space<hbm>> -> memref<80xi32, #tpu.memory_space<hbm>>
      %dma_start3A_39 = tpu.memref_slice %arg3[%add3A_15] : memref<320000xi32, #tpu.memory_space<hbm>> -> memref<80xi32, #tpu.memory_space<hbm>>
      tpu.enqueue_dma source(%dma_start3A_39 : memref<80xi32, #tpu.memory_space<hbm>>) target(%arg8 : memref<80xi32, #tpu.memory_space<vmem>>) target_semaphore(%run_scoped3A : memref<!tpu.dma_semaphore, #tpu.memory_space<semaphore_mem>>)
      %dma_wait3A_40 = tpu.memref_slice %arg3[%add3A_15] : memref<320000xi32, #tpu.memory_space<hbm>> -> memref<80xi32, #tpu.memory_space<hbm>>
      %dma_wait3A_41 = tpu.memref_slice %arg3[%add3A_15] : memref<320000xi32, #tpu.memory_space<hbm>> -> memref<80xi32, #tpu.memory_space<hbm>>
      tpu.wait_dma2 semaphore(%run_scoped3A : memref<!tpu.dma_semaphore, #tpu.memory_space<semaphore_mem>>) src(%dma_wait3A_41 : memref<80xi32, #tpu.memory_space<hbm>>) dst(%arg8 : memref<80xi32, #tpu.memory_space<vmem>>)
      tpu.yield
    }) : () -> ()
    %add3A_16 = arith.constant 80 : i32
    %add3A_17 = arith.addi %mul3A_2, %add3A_16 : i32
    "tpu.region"() ({
      %run_scoped3A = tpu.sem_alloc : memref<!tpu.dma_semaphore, #tpu.memory_space<semaphore_mem>>
      %dma_start3A_38 = tpu.memref_slice %arg4[%add3A_17] : memref<320000xi32, #tpu.memory_space<hbm>> -> memref<80xi32, #tpu.memory_space<hbm>>
      %dma_start3A_39 = tpu.memref_slice %arg4[%add3A_17] : memref<320000xi32, #tpu.memory_space<hbm>> -> memref<80xi32, #tpu.memory_space<hbm>>
      tpu.enqueue_dma source(%dma_start3A_39 : memref<80xi32, #tpu.memory_space<hbm>>) target(%arg9 : memref<80xi32, #tpu.memory_space<vmem>>) target_semaphore(%run_scoped3A : memref<!tpu.dma_semaphore, #tpu.memory_space<semaphore_mem>>)
      %dma_wait3A_40 = tpu.memref_slice %arg4[%add3A_17] : memref<320000xi32, #tpu.memory_space<hbm>> -> memref<80xi32, #tpu.memory_space<hbm>>
      %dma_wait3A_41 = tpu.memref_slice %arg4[%add3A_17] : memref<320000xi32, #tpu.memory_space<hbm>> -> memref<80xi32, #tpu.memory_space<hbm>>
      tpu.wait_dma2 semaphore(%run_scoped3A : memref<!tpu.dma_semaphore, #tpu.memory_space<semaphore_mem>>) src(%dma_wait3A_41 : memref<80xi32, #tpu.memory_space<hbm>>) dst(%arg9 : memref<80xi32, #tpu.memory_space<vmem>>)
      tpu.yield
    }) : () -> ()
    %dma_start3A = arith.constant 0 : i32
    %dma_start3A_18 = arith.constant 0 : i32
    %dma_start3A_19 = tpu.memref_slice %arg2[%dma_start3A, %dma_start3A_18] : memref<10000x128xf32, #tpu.memory_space<hbm>> -> memref<10000x128xf32, #tpu.memory_space<hbm>>
    tpu.enqueue_indirect_dma source(%dma_start3A_19 : memref<10000x128xf32, #tpu.memory_space<hbm>>) target(%arg10 : memref<80x128xf32, #tpu.memory_space<vmem>>) offsets(%arg6 : memref<80xi32, #tpu.memory_space<vmem>>) semaphore(%arg13 : memref<!tpu.dma_semaphore, #tpu.memory_space<semaphore_mem>>)
    %dma_start3A_20 = arith.constant 0 : i32
    %dma_start3A_21 = arith.constant 0 : i32
    %dma_start3A_22 = tpu.memref_slice %arg2[%dma_start3A_20, %dma_start3A_21] : memref<10000x128xf32, #tpu.memory_space<hbm>> -> memref<10000x128xf32, #tpu.memory_space<hbm>>
    tpu.enqueue_indirect_dma source(%dma_start3A_22 : memref<10000x128xf32, #tpu.memory_space<hbm>>) target(%arg11 : memref<80x128xf32, #tpu.memory_space<vmem>>) offsets(%arg8 : memref<80xi32, #tpu.memory_space<vmem>>) semaphore(%arg14 : memref<!tpu.dma_semaphore, #tpu.memory_space<semaphore_mem>>)
    %scan3A_23 = arith.constant 0 : i32
    %scan3A_24 = arith.constant 0 : i32
    %scan3A_25 = arith.constant 62 : i32
    %scan3A_26 = arith.addi %scan3A_24, %scan3A_25 : i32
    %scan3A_27 = arith.constant 1 : i32
    scf.for %scan3A_38 = %scan3A_24 to %scan3A_26 step %scan3A_27  : i32 {
      %mul3A_39 = arith.constant 2 : i32
      %mul3A_40 = arith.muli %mul3A_39, %scan3A_38 : i32
      %dma_wait3A_41 = arith.constant 0 : i32
      %dma_wait3A_42 = arith.constant 0 : i32
      %dma_wait3A_43 = tpu.memref_slice %arg2[%dma_wait3A_41, %dma_wait3A_42] : memref<10000x128xf32, #tpu.memory_space<hbm>> -> memref<10000x128xf32, #tpu.memory_space<hbm>>
      tpu.wait_indirect_dma semaphore(%arg13 : memref<!tpu.dma_semaphore, #tpu.memory_space<semaphore_mem>>) src(%dma_wait3A_43 : memref<10000x128xf32, #tpu.memory_space<hbm>>) dst(%arg10 : memref<80x128xf32, #tpu.memory_space<vmem>>)
      "tpu.region"() ({
        %run_scoped3A = tpu.sem_alloc : memref<!tpu.dma_semaphore, #tpu.memory_space<semaphore_mem>>
        %dma_start3A_63 = arith.constant 0 : i32
        %dma_start3A_64 = arith.constant 0 : i32
        %dma_start3A_65 = tpu.memref_slice %arg12[%dma_start3A_63, %dma_start3A_64] : memref<10240x128xf32, #tpu.memory_space<vmem_shared>> -> memref<10240x128xf32, #tpu.memory_space<vmem_shared>>
        tpu.enqueue_indirect_dma source(%arg10 : memref<80x128xf32, #tpu.memory_space<vmem>>) target(%dma_start3A_65 : memref<10240x128xf32, #tpu.memory_space<vmem_shared>>) offsets(%arg7 : memref<80xi32, #tpu.memory_space<vmem>>) semaphore(%run_scoped3A : memref<!tpu.dma_semaphore, #tpu.memory_space<semaphore_mem>>) {add = true}
        %dma_wait3A_66 = arith.constant 0 : i32
        %dma_wait3A_67 = arith.constant 0 : i32
        %dma_wait3A_68 = tpu.memref_slice %arg12[%dma_wait3A_66, %dma_wait3A_67] : memref<10240x128xf32, #tpu.memory_space<vmem_shared>> -> memref<10240x128xf32, #tpu.memory_space<vmem_shared>>
        tpu.wait_indirect_dma semaphore(%run_scoped3A : memref<!tpu.dma_semaphore, #tpu.memory_space<semaphore_mem>>) src(%arg10 : memref<80x128xf32, #tpu.memory_space<vmem>>) dst(%dma_wait3A_68 : memref<10240x128xf32, #tpu.memory_space<vmem_shared>>)
        tpu.yield
      }) : () -> ()
      %add3A_44 = arith.constant 2 : i32
      %add3A_45 = arith.addi %mul3A_40, %add3A_44 : i32
      %lt3A_46 = arith.constant 125 : i32
      %lt3A_47 = arith.cmpi slt, %add3A_45, %lt3A_46 : i32
      %convert_element_type3A_48 = arith.extui %lt3A_47 : i1 to i32
      %cond3A_49 = arith.constant 0 : i32
      %cond3A_50 = arith.cmpi ne, %convert_element_type3A_48, %cond3A_49 : i32
      scf.if %cond3A_50 {
        %add3A_63 = arith.constant 2 : i32
        %add3A_64 = arith.addi %mul3A_40, %add3A_63 : i32
        %mul3A_65 = arith.constant 80 : i32
        %mul3A_66 = arith.muli %add3A_64, %mul3A_65 : i32
        %add3A_67 = arith.addi %mul3A_2, %mul3A_66 : i32
        %dma_start3A_68 = tpu.memref_slice %arg3[%add3A_67] : memref<320000xi32, #tpu.memory_space<hbm>> -> memref<80xi32, #tpu.memory_space<hbm>>
        %dma_start3A_69 = tpu.memref_slice %arg3[%add3A_67] : memref<320000xi32, #tpu.memory_space<hbm>> -> memref<80xi32, #tpu.memory_space<hbm>>
        tpu.enqueue_dma source(%dma_start3A_69 : memref<80xi32, #tpu.memory_space<hbm>>) target(%arg6 : memref<80xi32, #tpu.memory_space<vmem>>) target_semaphore(%arg15 : memref<!tpu.dma_semaphore, #tpu.memory_space<semaphore_mem>>)
        %dma_start3A_70 = tpu.memref_slice %arg4[%add3A_67] : memref<320000xi32, #tpu.memory_space<hbm>> -> memref<80xi32, #tpu.memory_space<hbm>>
        %dma_start3A_71 = tpu.memref_slice %arg4[%add3A_67] : memref<320000xi32, #tpu.memory_space<hbm>> -> memref<80xi32, #tpu.memory_space<hbm>>
        tpu.enqueue_dma source(%dma_start3A_71 : memref<80xi32, #tpu.memory_space<hbm>>) target(%arg7 : memref<80xi32, #tpu.memory_space<vmem>>) target_semaphore(%arg15 : memref<!tpu.dma_semaphore, #tpu.memory_space<semaphore_mem>>)
        %dma_wait3A_72 = tpu.memref_slice %arg3[%add3A_67] : memref<320000xi32, #tpu.memory_space<hbm>> -> memref<80xi32, #tpu.memory_space<hbm>>
        %dma_wait3A_73 = tpu.memref_slice %arg3[%add3A_67] : memref<320000xi32, #tpu.memory_space<hbm>> -> memref<80xi32, #tpu.memory_space<hbm>>
        tpu.wait_dma2 semaphore(%arg15 : memref<!tpu.dma_semaphore, #tpu.memory_space<semaphore_mem>>) src(%dma_wait3A_73 : memref<80xi32, #tpu.memory_space<hbm>>) dst(%arg6 : memref<80xi32, #tpu.memory_space<vmem>>)
        %dma_wait3A_74 = tpu.memref_slice %arg4[%add3A_67] : memref<320000xi32, #tpu.memory_space<hbm>> -> memref<80xi32, #tpu.memory_space<hbm>>
        %dma_wait3A_75 = tpu.memref_slice %arg4[%add3A_67] : memref<320000xi32, #tpu.memory_space<hbm>> -> memref<80xi32, #tpu.memory_space<hbm>>
        tpu.wait_dma2 semaphore(%arg15 : memref<!tpu.dma_semaphore, #tpu.memory_space<semaphore_mem>>) src(%dma_wait3A_75 : memref<80xi32, #tpu.memory_space<hbm>>) dst(%arg7 : memref<80xi32, #tpu.memory_space<vmem>>)
        %dma_start3A_76 = arith.constant 0 : i32
        %dma_start3A_77 = arith.constant 0 : i32
        %dma_start3A_78 = tpu.memref_slice %arg2[%dma_start3A_76, %dma_start3A_77] : memref<10000x128xf32, #tpu.memory_space<hbm>> -> memref<10000x128xf32, #tpu.memory_space<hbm>>
        tpu.enqueue_indirect_dma source(%dma_start3A_78 : memref<10000x128xf32, #tpu.memory_space<hbm>>) target(%arg10 : memref<80x128xf32, #tpu.memory_space<vmem>>) offsets(%arg6 : memref<80xi32, #tpu.memory_space<vmem>>) semaphore(%arg13 : memref<!tpu.dma_semaphore, #tpu.memory_space<semaphore_mem>>)
      } else {
      }
      %add3A_51 = arith.constant 1 : i32
      %add3A_52 = arith.addi %mul3A_40, %add3A_51 : i32
      %dma_wait3A_53 = arith.constant 0 : i32
      %dma_wait3A_54 = arith.constant 0 : i32
      %dma_wait3A_55 = tpu.memref_slice %arg2[%dma_wait3A_53, %dma_wait3A_54] : memref<10000x128xf32, #tpu.memory_space<hbm>> -> memref<10000x128xf32, #tpu.memory_space<hbm>>
      tpu.wait_indirect_dma semaphore(%arg14 : memref<!tpu.dma_semaphore, #tpu.memory_space<semaphore_mem>>) src(%dma_wait3A_55 : memref<10000x128xf32, #tpu.memory_space<hbm>>) dst(%arg11 : memref<80x128xf32, #tpu.memory_space<vmem>>)
      "tpu.region"() ({
        %run_scoped3A = tpu.sem_alloc : memref<!tpu.dma_semaphore, #tpu.memory_space<semaphore_mem>>
        %dma_start3A_63 = arith.constant 0 : i32
        %dma_start3A_64 = arith.constant 0 : i32
        %dma_start3A_65 = tpu.memref_slice %arg12[%dma_start3A_63, %dma_start3A_64] : memref<10240x128xf32, #tpu.memory_space<vmem_shared>> -> memref<10240x128xf32, #tpu.memory_space<vmem_shared>>
        tpu.enqueue_indirect_dma source(%arg11 : memref<80x128xf32, #tpu.memory_space<vmem>>) target(%dma_start3A_65 : memref<10240x128xf32, #tpu.memory_space<vmem_shared>>) offsets(%arg9 : memref<80xi32, #tpu.memory_space<vmem>>) semaphore(%run_scoped3A : memref<!tpu.dma_semaphore, #tpu.memory_space<semaphore_mem>>) {add = true}
        %dma_wait3A_66 = arith.constant 0 : i32
        %dma_wait3A_67 = arith.constant 0 : i32
        %dma_wait3A_68 = tpu.memref_slice %arg12[%dma_wait3A_66, %dma_wait3A_67] : memref<10240x128xf32, #tpu.memory_space<vmem_shared>> -> memref<10240x128xf32, #tpu.memory_space<vmem_shared>>
        tpu.wait_indirect_dma semaphore(%run_scoped3A : memref<!tpu.dma_semaphore, #tpu.memory_space<semaphore_mem>>) src(%arg11 : memref<80x128xf32, #tpu.memory_space<vmem>>) dst(%dma_wait3A_68 : memref<10240x128xf32, #tpu.memory_space<vmem_shared>>)
        tpu.yield
      }) : () -> ()
      %add3A_56 = arith.constant 2 : i32
      %add3A_57 = arith.addi %add3A_52, %add3A_56 : i32
      %lt3A_58 = arith.constant 125 : i32
      %lt3A_59 = arith.cmpi slt, %add3A_57, %lt3A_58 : i32
      %convert_element_type3A_60 = arith.extui %lt3A_59 : i1 to i32
      %cond3A_61 = arith.constant 0 : i32
      %cond3A_62 = arith.cmpi ne, %convert_element_type3A_60, %cond3A_61 : i32
      scf.if %cond3A_62 {
        %add3A_63 = arith.constant 2 : i32
        %add3A_64 = arith.addi %add3A_52, %add3A_63 : i32
        %mul3A_65 = arith.constant 80 : i32
        %mul3A_66 = arith.muli %add3A_64, %mul3A_65 : i32
        %add3A_67 = arith.addi %mul3A_2, %mul3A_66 : i32
        %dma_start3A_68 = tpu.memref_slice %arg3[%add3A_67] : memref<320000xi32, #tpu.memory_space<hbm>> -> memref<80xi32, #tpu.memory_space<hbm>>
        %dma_start3A_69 = tpu.memref_slice %arg3[%add3A_67] : memref<320000xi32, #tpu.memory_space<hbm>> -> memref<80xi32, #tpu.memory_space<hbm>>
        tpu.enqueue_dma source(%dma_start3A_69 : memref<80xi32, #tpu.memory_space<hbm>>) target(%arg8 : memref<80xi32, #tpu.memory_space<vmem>>) target_semaphore(%arg16 : memref<!tpu.dma_semaphore, #tpu.memory_space<semaphore_mem>>)
        %dma_start3A_70 = tpu.memref_slice %arg4[%add3A_67] : memref<320000xi32, #tpu.memory_space<hbm>> -> memref<80xi32, #tpu.memory_space<hbm>>
        %dma_start3A_71 = tpu.memref_slice %arg4[%add3A_67] : memref<320000xi32, #tpu.memory_space<hbm>> -> memref<80xi32, #tpu.memory_space<hbm>>
        tpu.enqueue_dma source(%dma_start3A_71 : memref<80xi32, #tpu.memory_space<hbm>>) target(%arg9 : memref<80xi32, #tpu.memory_space<vmem>>) target_semaphore(%arg16 : memref<!tpu.dma_semaphore, #tpu.memory_space<semaphore_mem>>)
        %dma_wait3A_72 = tpu.memref_slice %arg3[%add3A_67] : memref<320000xi32, #tpu.memory_space<hbm>> -> memref<80xi32, #tpu.memory_space<hbm>>
        %dma_wait3A_73 = tpu.memref_slice %arg3[%add3A_67] : memref<320000xi32, #tpu.memory_space<hbm>> -> memref<80xi32, #tpu.memory_space<hbm>>
        tpu.wait_dma2 semaphore(%arg16 : memref<!tpu.dma_semaphore, #tpu.memory_space<semaphore_mem>>) src(%dma_wait3A_73 : memref<80xi32, #tpu.memory_space<hbm>>) dst(%arg8 : memref<80xi32, #tpu.memory_space<vmem>>)
        %dma_wait3A_74 = tpu.memref_slice %arg4[%add3A_67] : memref<320000xi32, #tpu.memory_space<hbm>> -> memref<80xi32, #tpu.memory_space<hbm>>
        %dma_wait3A_75 = tpu.memref_slice %arg4[%add3A_67] : memref<320000xi32, #tpu.memory_space<hbm>> -> memref<80xi32, #tpu.memory_space<hbm>>
        tpu.wait_dma2 semaphore(%arg16 : memref<!tpu.dma_semaphore, #tpu.memory_space<semaphore_mem>>) src(%dma_wait3A_75 : memref<80xi32, #tpu.memory_space<hbm>>) dst(%arg9 : memref<80xi32, #tpu.memory_space<vmem>>)
        %dma_start3A_76 = arith.constant 0 : i32
        %dma_start3A_77 = arith.constant 0 : i32
        %dma_start3A_78 = tpu.memref_slice %arg2[%dma_start3A_76, %dma_start3A_77] : memref<10000x128xf32, #tpu.memory_space<hbm>> -> memref<10000x128xf32, #tpu.memory_space<hbm>>
        tpu.enqueue_indirect_dma source(%dma_start3A_78 : memref<10000x128xf32, #tpu.memory_space<hbm>>) target(%arg11 : memref<80x128xf32, #tpu.memory_space<vmem>>) offsets(%arg8 : memref<80xi32, #tpu.memory_space<vmem>>) semaphore(%arg14 : memref<!tpu.dma_semaphore, #tpu.memory_space<semaphore_mem>>)
      } else {
      }
    }
    %scan3A_28 = arith.constant 62 : i32
    %dma_wait3A = arith.constant 0 : i32
    %dma_wait3A_29 = arith.constant 0 : i32
    %dma_wait3A_30 = tpu.memref_slice %arg2[%dma_wait3A, %dma_wait3A_29] : memref<10000x128xf32, #tpu.memory_space<hbm>> -> memref<10000x128xf32, #tpu.memory_space<hbm>>
    tpu.wait_indirect_dma semaphore(%arg13 : memref<!tpu.dma_semaphore, #tpu.memory_space<semaphore_mem>>) src(%dma_wait3A_30 : memref<10000x128xf32, #tpu.memory_space<hbm>>) dst(%arg10 : memref<80x128xf32, #tpu.memory_space<vmem>>)
    "tpu.region"() ({
      %run_scoped3A = tpu.sem_alloc : memref<!tpu.dma_semaphore, #tpu.memory_space<semaphore_mem>>
      %dma_start3A_38 = arith.constant 0 : i32
      %dma_start3A_39 = arith.constant 0 : i32
      %dma_start3A_40 = tpu.memref_slice %arg12[%dma_start3A_38, %dma_start3A_39] : memref<10240x128xf32, #tpu.memory_space<vmem_shared>> -> memref<10240x128xf32, #tpu.memory_space<vmem_shared>>
      tpu.enqueue_indirect_dma source(%arg10 : memref<80x128xf32, #tpu.memory_space<vmem>>) target(%dma_start3A_40 : memref<10240x128xf32, #tpu.memory_space<vmem_shared>>) offsets(%arg7 : memref<80xi32, #tpu.memory_space<vmem>>) semaphore(%run_scoped3A : memref<!tpu.dma_semaphore, #tpu.memory_space<semaphore_mem>>) {add = true}
      %dma_wait3A_41 = arith.constant 0 : i32
      %dma_wait3A_42 = arith.constant 0 : i32
      %dma_wait3A_43 = tpu.memref_slice %arg12[%dma_wait3A_41, %dma_wait3A_42] : memref<10240x128xf32, #tpu.memory_space<vmem_shared>> -> memref<10240x128xf32, #tpu.memory_space<vmem_shared>>
      tpu.wait_indirect_dma semaphore(%run_scoped3A : memref<!tpu.dma_semaphore, #tpu.memory_space<semaphore_mem>>) src(%arg10 : memref<80x128xf32, #tpu.memory_space<vmem>>) dst(%dma_wait3A_43 : memref<10240x128xf32, #tpu.memory_space<vmem_shared>>)
      tpu.yield
    }) : () -> ()
    %barrier3A_31 = arith.constant 0 : index
    tpu.barrier barrier_id(%barrier3A_31)
    %lt3A = arith.constant 15 : i32
    %lt3A_32 = arith.cmpi slt, %arg1, %lt3A : i32
    %convert_element_type3A = arith.extui %lt3A_32 : i1 to i32
    %cond3A = arith.constant 0 : i32
    %cond3A_33 = arith.cmpi ne, %convert_element_type3A, %cond3A : i32
    scf.if %cond3A_33 {
      %mul3A_38 = arith.constant 640 : i32
      %mul3A_39 = arith.muli %arg1, %mul3A_38 : i32
      %mul3A_40 = arith.constant 640 : i32
      %mul3A_41 = arith.muli %arg1, %mul3A_40 : i32
      "tpu.region"() ({
        %run_scoped3A = tpu.sem_alloc : memref<!tpu.dma_semaphore, #tpu.memory_space<semaphore_mem>>
        %dma_start3A_42 = arith.constant 0 : i32
        %dma_start3A_43 = tpu.memref_slice %arg5[%arg0, %mul3A_41, %dma_start3A_42] : memref<2x10000x128xf32, #tpu.memory_space<hbm>> -> memref<1x640x128xf32, #tpu.memory_space<hbm>>
        %dma_start3A_44 = tpu.memref_squeeze %dma_start3A_43 : memref<1x640x128xf32, #tpu.memory_space<hbm>> -> memref<640x128xf32, #tpu.memory_space<hbm>>
        %dma_start3A_45 = arith.constant 0 : i32
        %dma_start3A_46 = tpu.memref_slice %arg12[%mul3A_39, %dma_start3A_45] : memref<10240x128xf32, #tpu.memory_space<vmem_shared>> -> memref<640x128xf32, #tpu.memory_space<vmem_shared>>
        tpu.enqueue_dma source(%dma_start3A_46 : memref<640x128xf32, #tpu.memory_space<vmem_shared>>) target(%dma_start3A_44 : memref<640x128xf32, #tpu.memory_space<hbm>>) target_semaphore(%run_scoped3A : memref<!tpu.dma_semaphore, #tpu.memory_space<semaphore_mem>>)
        %dma_wait3A_47 = arith.constant 0 : i32
        %dma_wait3A_48 = tpu.memref_slice %arg5[%arg0, %mul3A_41, %dma_wait3A_47] : memref<2x10000x128xf32, #tpu.memory_space<hbm>> -> memref<1x640x128xf32, #tpu.memory_space<hbm>>
        %dma_wait3A_49 = tpu.memref_squeeze %dma_wait3A_48 : memref<1x640x128xf32, #tpu.memory_space<hbm>> -> memref<640x128xf32, #tpu.memory_space<hbm>>
        %dma_wait3A_50 = arith.constant 0 : i32
        %dma_wait3A_51 = tpu.memref_slice %arg12[%mul3A_39, %dma_wait3A_50] : memref<10240x128xf32, #tpu.memory_space<vmem_shared>> -> memref<640x128xf32, #tpu.memory_space<vmem_shared>>
        tpu.wait_dma2 semaphore(%run_scoped3A : memref<!tpu.dma_semaphore, #tpu.memory_space<semaphore_mem>>) src(%dma_wait3A_51 : memref<640x128xf32, #tpu.memory_space<vmem_shared>>) dst(%dma_wait3A_49 : memref<640x128xf32, #tpu.memory_space<hbm>>)
        tpu.yield
      }) : () -> ()
    } else {
    }
    %eq3A = arith.constant 15 : i32
    %eq3A_34 = arith.cmpi eq, %arg1, %eq3A : i32
    %convert_element_type3A_35 = arith.extui %eq3A_34 : i1 to i32
    %cond3A_36 = arith.constant 0 : i32
    %cond3A_37 = arith.cmpi ne, %convert_element_type3A_35, %cond3A_36 : i32
    scf.if %cond3A_37 {
      %mul3A_38 = arith.constant 640 : i32
      %mul3A_39 = arith.muli %arg1, %mul3A_38 : i32
      %mul3A_40 = arith.constant 640 : i32
      %mul3A_41 = arith.muli %arg1, %mul3A_40 : i32
      "tpu.region"() ({
        %run_scoped3A = tpu.sem_alloc : memref<!tpu.dma_semaphore, #tpu.memory_space<semaphore_mem>>
        %dma_start3A_42 = arith.constant 0 : i32
        %dma_start3A_43 = tpu.memref_slice %arg5[%arg0, %mul3A_41, %dma_start3A_42] : memref<2x10000x128xf32, #tpu.memory_space<hbm>> -> memref<1x400x128xf32, #tpu.memory_space<hbm>>
        %dma_start3A_44 = tpu.memref_squeeze %dma_start3A_43 : memref<1x400x128xf32, #tpu.memory_space<hbm>> -> memref<400x128xf32, #tpu.memory_space<hbm>>
        %dma_start3A_45 = arith.constant 0 : i32
        %dma_start3A_46 = tpu.memref_slice %arg12[%mul3A_39, %dma_start3A_45] : memref<10240x128xf32, #tpu.memory_space<vmem_shared>> -> memref<400x128xf32, #tpu.memory_space<vmem_shared>>
        tpu.enqueue_dma source(%dma_start3A_46 : memref<400x128xf32, #tpu.memory_space<vmem_shared>>) target(%dma_start3A_44 : memref<400x128xf32, #tpu.memory_space<hbm>>) target_semaphore(%run_scoped3A : memref<!tpu.dma_semaphore, #tpu.memory_space<semaphore_mem>>)
        %dma_wait3A_47 = arith.constant 0 : i32
        %dma_wait3A_48 = tpu.memref_slice %arg5[%arg0, %mul3A_41, %dma_wait3A_47] : memref<2x10000x128xf32, #tpu.memory_space<hbm>> -> memref<1x400x128xf32, #tpu.memory_space<hbm>>
        %dma_wait3A_49 = tpu.memref_squeeze %dma_wait3A_48 : memref<1x400x128xf32, #tpu.memory_space<hbm>> -> memref<400x128xf32, #tpu.memory_space<hbm>>
        %dma_wait3A_50 = arith.constant 0 : i32
        %dma_wait3A_51 = tpu.memref_slice %arg12[%mul3A_39, %dma_wait3A_50] : memref<10240x128xf32, #tpu.memory_space<vmem_shared>> -> memref<400x128xf32, #tpu.memory_space<vmem_shared>>
        tpu.wait_dma2 semaphore(%run_scoped3A : memref<!tpu.dma_semaphore, #tpu.memory_space<semaphore_mem>>) src(%dma_wait3A_51 : memref<400x128xf32, #tpu.memory_space<vmem_shared>>) dst(%dma_wait3A_49 : memref<400x128xf32, #tpu.memory_space<hbm>>)
        tpu.yield
      }) : () -> ()
    } else {
    }
    return
  }
}

module attributes {stable_mosaic.version = 14 : i64} {
  func.func @body(%arg0: i32, %arg1: memref<2000x128xf32, #tpu.memory_space<vmem>>, %arg2: memref<128x128xf32, #tpu.memory_space<vmem>>, %arg3: memref<2000x2xf32, #tpu.memory_space<vmem>>, %arg4: memref<2000x128xf32, #tpu.memory_space<vmem>>) attributes {dimension_semantics = [#tpu.dimension_semantics<arbitrary>], iteration_bounds = array<i64: 5>, scalar_prefetch = 0 : i64, scratch_operands = 0 : i64, tpu.core_type = #tpu.core_type<tc>, window_params = [{transform_indices = @transform_0, window_bounds = array<i64: 2000, 128>}, {pipeline_mode = #tpu.pipeline_mode<synchronous>, transform_indices = @transform_1, window_bounds = array<i64: 128, 128>}, {transform_indices = @transform_2, window_bounds = array<i64: 2000, 2>}, {transform_indices = @transform_3, window_bounds = array<i64: 2000, 128>}]} {
    %get3A = arith.constant 0 : index
    %get3A_0 = arith.constant 0 : index
    %get3A_1 = vector.load %arg3[%get3A, %get3A_0] : memref<2000x2xf32, #tpu.memory_space<vmem>>, vector<2000x1xf32>
    %get3A_2 = arith.constant 0 : index
    %get3A_3 = arith.constant 1 : index
    %get3A_4 = vector.load %arg3[%get3A_2, %get3A_3] : memref<2000x2xf32, #tpu.memory_space<vmem>>, vector<2000x1xf32>
    %add3A = arith.addf %get3A_1, %get3A_4 : vector<2000x1xf32>
    %add3A_5 = arith.constant 1.000000e+00 : f32
    %add3A_6 = vector.broadcast %add3A_5 : f32 to vector<2000x1xf32>
    %add3A_7 = arith.addf %add3A, %add3A_6 : vector<2000x1xf32>
    %rsqrt3A = math.rsqrt %add3A_7 : vector<2000x1xf32>
    %get3A_8 = arith.constant 0 : index
    %get3A_9 = arith.constant 0 : index
    %get3A_10 = vector.load %arg1[%get3A_8, %get3A_9] : memref<2000x128xf32, #tpu.memory_space<vmem>>, vector<2000x128xf32>
    %get3A_11 = arith.constant 0 : index
    %get3A_12 = arith.constant 0 : index
    %get3A_13 = vector.load %arg2[%get3A_11, %get3A_12] : memref<128x128xf32, #tpu.memory_space<vmem>>, vector<128x128xf32>
    %dot_general3A = arith.constant dense<0.000000e+00> : vector<2000x128xf32>
    %dot_general3A_14 = tpu.matmul %get3A_10, %get3A_13, %dot_general3A {dimension_numbers = #tpu.dot_dimension_numbers<[1], [0], [0], [1], [0, 0, 1, 1], [], []>, transpose_lhs_hint = false} : vector<2000x128xf32>, vector<128x128xf32>, vector<2000x128xf32> -> vector<2000x128xf32>
    %mul3A = vector.broadcast %rsqrt3A : vector<2000x1xf32> to vector<2000x128xf32>
    %mul3A_15 = arith.mulf %dot_general3A_14, %mul3A : vector<2000x128xf32>
    %swap3A = arith.constant 0 : index
    %swap3A_16 = arith.constant 0 : index
    %swap3A_17 = vector.load %arg4[%swap3A, %swap3A_16] : memref<2000x128xf32, #tpu.memory_space<vmem>>, vector<2000x128xf32>
    tpu.vector_store %arg4[%swap3A, %swap3A_16], %mul3A_15 {strides = array<i32>} : memref<2000x128xf32, #tpu.memory_space<vmem>>, vector<2000x128xf32>,
    return
  }
  func.func @transform_0(%arg0: i32) -> (i32, i32) {
    %c0_i32 = arith.constant 0 : i32
    %c0_i32_0 = arith.constant 0 : i32
    return %arg0, %c0_i32 : i32, i32
  }
  func.func @transform_1(%arg0: i32) -> (i32, i32) {
    %c0_i32 = arith.constant 0 : i32
    %c0_i32_0 = arith.constant 0 : i32
    %c0_i32_1 = arith.constant 0 : i32
    return %c0_i32, %c0_i32_0 : i32, i32
  }
  func.func @transform_2(%arg0: i32) -> (i32, i32) {
    %c0_i32 = arith.constant 0 : i32
    %c0_i32_0 = arith.constant 0 : i32
    return %arg0, %c0_i32 : i32, i32
  }
  func.func @transform_3(%arg0: i32) -> (i32, i32) {
    %c0_i32 = arith.constant 0 : i32
    %c0_i32_0 = arith.constant 0 : i32
    return %arg0, %c0_i32 : i32, i32
  }
}

module attributes {stable_mosaic.version = 14 : i64} {
  func.func @body(%arg0: i32, %arg1: memref<2000x128xf32, #tpu.memory_space<vmem>>, %arg2: memref<2000x2xf32, #tpu.memory_space<vmem>>, %arg3: memref<2x2000x128xf32, #tpu.memory_space<vmem>>, %arg4: memref<128x128xf32, #tpu.memory_space<vmem>>, %arg5: memref<1x128xf32, #tpu.memory_space<vmem>>, %arg6: memref<2000x128xf32, #tpu.memory_space<vmem>>) attributes {dimension_semantics = [#tpu.dimension_semantics<arbitrary>], iteration_bounds = array<i64: 5>, scalar_prefetch = 0 : i64, scratch_operands = 0 : i64, tpu.core_type = #tpu.core_type<tc>, window_params = [{transform_indices = @transform_0, window_bounds = array<i64: 2000, 128>}, {transform_indices = @transform_1, window_bounds = array<i64: 2000, 2>}, {transform_indices = @transform_2, window_bounds = array<i64: 2, 2000, 128>}, {pipeline_mode = #tpu.pipeline_mode<synchronous>, transform_indices = @transform_3, window_bounds = array<i64: 128, 128>}, {pipeline_mode = #tpu.pipeline_mode<synchronous>, transform_indices = @transform_4, window_bounds = array<i64: 1, 128>}, {transform_indices = @transform_5, window_bounds = array<i64: 2000, 128>}]} {
    %get3A = arith.constant 0 : index
    %get3A_0 = arith.constant 0 : index
    %get3A_1 = vector.load %arg2[%get3A, %get3A_0] : memref<2000x2xf32, #tpu.memory_space<vmem>>, vector<2000x1xf32>
    %get3A_2 = arith.constant 0 : index
    %get3A_3 = arith.constant 1 : index
    %get3A_4 = vector.load %arg2[%get3A_2, %get3A_3] : memref<2000x2xf32, #tpu.memory_space<vmem>>, vector<2000x1xf32>
    %add3A = arith.addf %get3A_1, %get3A_4 : vector<2000x1xf32>
    %add3A_5 = arith.constant 1.000000e+00 : f32
    %add3A_6 = vector.broadcast %add3A_5 : f32 to vector<2000x1xf32>
    %add3A_7 = arith.addf %add3A, %add3A_6 : vector<2000x1xf32>
    %rsqrt3A = math.rsqrt %add3A_7 : vector<2000x1xf32>
    %get3A_8 = arith.constant 0 : index
    %get3A_9 = arith.constant 0 : index
    %get3A_10 = arith.constant 0 : index
    %get3A_11 = vector.load %arg3[%get3A_8, %get3A_9, %get3A_10] : memref<2x2000x128xf32, #tpu.memory_space<vmem>>, vector<1x2000x128xf32>
    %get3A_12 = vector.shape_cast %get3A_11 : vector<1x2000x128xf32> to vector<2000x128xf32>
    %get3A_13 = arith.constant 1 : index
    %get3A_14 = arith.constant 0 : index
    %get3A_15 = arith.constant 0 : index
    %get3A_16 = vector.load %arg3[%get3A_13, %get3A_14, %get3A_15] : memref<2x2000x128xf32, #tpu.memory_space<vmem>>, vector<1x2000x128xf32>
    %get3A_17 = vector.shape_cast %get3A_16 : vector<1x2000x128xf32> to vector<2000x128xf32>
    %add3A_18 = arith.addf %get3A_12, %get3A_17 : vector<2000x128xf32>
    %get3A_19 = arith.constant 0 : index
    %get3A_20 = arith.constant 0 : index
    %get3A_21 = vector.load %arg1[%get3A_19, %get3A_20] : memref<2000x128xf32, #tpu.memory_space<vmem>>, vector<2000x128xf32>
    %add3A_22 = arith.addf %add3A_18, %get3A_21 : vector<2000x128xf32>
    %mul3A = vector.broadcast %rsqrt3A : vector<2000x1xf32> to vector<2000x128xf32>
    %mul3A_23 = arith.mulf %add3A_22, %mul3A : vector<2000x128xf32>
    %get3A_24 = arith.constant 0 : index
    %get3A_25 = arith.constant 0 : index
    %get3A_26 = vector.load %arg5[%get3A_24, %get3A_25] : memref<1x128xf32, #tpu.memory_space<vmem>>, vector<1x128xf32>
    %add3A_27 = vector.broadcast %get3A_26 : vector<1x128xf32> to vector<2000x128xf32>
    %add3A_28 = arith.addf %mul3A_23, %add3A_27 : vector<2000x128xf32>
    %max3A = arith.constant 0.000000e+00 : f32
    %max3A_29 = vector.broadcast %max3A : f32 to vector<2000x128xf32>
    %max3A_30 = arith.maximumf %add3A_28, %max3A_29 : vector<2000x128xf32>
    %get3A_31 = arith.constant 0 : index
    %get3A_32 = arith.constant 0 : index
    %get3A_33 = vector.load %arg4[%get3A_31, %get3A_32] : memref<128x128xf32, #tpu.memory_space<vmem>>, vector<128x128xf32>
    %dot_general3A = arith.constant dense<0.000000e+00> : vector<2000x128xf32>
    %dot_general3A_34 = tpu.matmul %max3A_30, %get3A_33, %dot_general3A {dimension_numbers = #tpu.dot_dimension_numbers<[1], [0], [0], [1], [0, 0, 1, 1], [], []>, transpose_lhs_hint = false} : vector<2000x128xf32>, vector<128x128xf32>, vector<2000x128xf32> -> vector<2000x128xf32>
    %mul3A_35 = vector.broadcast %rsqrt3A : vector<2000x1xf32> to vector<2000x128xf32>
    %mul3A_36 = arith.mulf %dot_general3A_34, %mul3A_35 : vector<2000x128xf32>
    %swap3A = arith.constant 0 : index
    %swap3A_37 = arith.constant 0 : index
    %swap3A_38 = vector.load %arg6[%swap3A, %swap3A_37] : memref<2000x128xf32, #tpu.memory_space<vmem>>, vector<2000x128xf32>
    tpu.vector_store %arg6[%swap3A, %swap3A_37], %mul3A_36 {strides = array<i32>} : memref<2000x128xf32, #tpu.memory_space<vmem>>, vector<2000x128xf32>,
    return
  }
  func.func @transform_0(%arg0: i32) -> (i32, i32) {
    %c0_i32 = arith.constant 0 : i32
    %c0_i32_0 = arith.constant 0 : i32
    return %arg0, %c0_i32 : i32, i32
  }
  func.func @transform_1(%arg0: i32) -> (i32, i32) {
    %c0_i32 = arith.constant 0 : i32
    %c0_i32_0 = arith.constant 0 : i32
    return %arg0, %c0_i32 : i32, i32
  }
  func.func @transform_2(%arg0: i32) -> (i32, i32, i32) {
    %c0_i32 = arith.constant 0 : i32
    %c0_i32_0 = arith.constant 0 : i32
    %c0_i32_1 = arith.constant 0 : i32
    return %c0_i32, %arg0, %c0_i32_0 : i32, i32, i32
  }
  func.func @transform_3(%arg0: i32) -> (i32, i32) {
    %c0_i32 = arith.constant 0 : i32
    %c0_i32_0 = arith.constant 0 : i32
    %c0_i32_1 = arith.constant 0 : i32
    return %c0_i32, %c0_i32_0 : i32, i32
  }
  func.func @transform_4(%arg0: i32) -> (i32, i32) {
    %c0_i32 = arith.constant 0 : i32
    %c0_i32_0 = arith.constant 0 : i32
    %c0_i32_1 = arith.constant 0 : i32
    return %c0_i32, %c0_i32_0 : i32, i32
  }
  func.func @transform_5(%arg0: i32) -> (i32, i32) {
    %c0_i32 = arith.constant 0 : i32
    %c0_i32_0 = arith.constant 0 : i32
    return %arg0, %c0_i32 : i32, i32
  }
}

module attributes {stable_mosaic.version = 14 : i64} {
  func.func @body(%arg0: i32, %arg1: memref<2000x128xf32, #tpu.memory_space<vmem>>, %arg2: memref<2000x2xf32, #tpu.memory_space<vmem>>, %arg3: memref<2x2000x128xf32, #tpu.memory_space<vmem>>, %arg4: memref<1x128xf32, #tpu.memory_space<vmem>>, %arg5: memref<2000x128xf32, #tpu.memory_space<vmem>>) attributes {dimension_semantics = [#tpu.dimension_semantics<arbitrary>], iteration_bounds = array<i64: 5>, scalar_prefetch = 0 : i64, scratch_operands = 0 : i64, tpu.core_type = #tpu.core_type<tc>, window_params = [{transform_indices = @transform_0, window_bounds = array<i64: 2000, 128>}, {transform_indices = @transform_1, window_bounds = array<i64: 2000, 2>}, {transform_indices = @transform_2, window_bounds = array<i64: 2, 2000, 128>}, {pipeline_mode = #tpu.pipeline_mode<synchronous>, transform_indices = @transform_3, window_bounds = array<i64: 1, 128>}, {transform_indices = @transform_4, window_bounds = array<i64: 2000, 128>}]} {
    %get3A = arith.constant 0 : index
    %get3A_0 = arith.constant 0 : index
    %get3A_1 = vector.load %arg2[%get3A, %get3A_0] : memref<2000x2xf32, #tpu.memory_space<vmem>>, vector<2000x1xf32>
    %get3A_2 = arith.constant 0 : index
    %get3A_3 = arith.constant 1 : index
    %get3A_4 = vector.load %arg2[%get3A_2, %get3A_3] : memref<2000x2xf32, #tpu.memory_space<vmem>>, vector<2000x1xf32>
    %add3A = arith.addf %get3A_1, %get3A_4 : vector<2000x1xf32>
    %add3A_5 = arith.constant 1.000000e+00 : f32
    %add3A_6 = vector.broadcast %add3A_5 : f32 to vector<2000x1xf32>
    %add3A_7 = arith.addf %add3A, %add3A_6 : vector<2000x1xf32>
    %rsqrt3A = math.rsqrt %add3A_7 : vector<2000x1xf32>
    %get3A_8 = arith.constant 0 : index
    %get3A_9 = arith.constant 0 : index
    %get3A_10 = arith.constant 0 : index
    %get3A_11 = vector.load %arg3[%get3A_8, %get3A_9, %get3A_10] : memref<2x2000x128xf32, #tpu.memory_space<vmem>>, vector<1x2000x128xf32>
    %get3A_12 = vector.shape_cast %get3A_11 : vector<1x2000x128xf32> to vector<2000x128xf32>
    %get3A_13 = arith.constant 1 : index
    %get3A_14 = arith.constant 0 : index
    %get3A_15 = arith.constant 0 : index
    %get3A_16 = vector.load %arg3[%get3A_13, %get3A_14, %get3A_15] : memref<2x2000x128xf32, #tpu.memory_space<vmem>>, vector<1x2000x128xf32>
    %get3A_17 = vector.shape_cast %get3A_16 : vector<1x2000x128xf32> to vector<2000x128xf32>
    %add3A_18 = arith.addf %get3A_12, %get3A_17 : vector<2000x128xf32>
    %get3A_19 = arith.constant 0 : index
    %get3A_20 = arith.constant 0 : index
    %get3A_21 = vector.load %arg1[%get3A_19, %get3A_20] : memref<2000x128xf32, #tpu.memory_space<vmem>>, vector<2000x128xf32>
    %add3A_22 = arith.addf %add3A_18, %get3A_21 : vector<2000x128xf32>
    %mul3A = vector.broadcast %rsqrt3A : vector<2000x1xf32> to vector<2000x128xf32>
    %mul3A_23 = arith.mulf %add3A_22, %mul3A : vector<2000x128xf32>
    %get3A_24 = arith.constant 0 : index
    %get3A_25 = arith.constant 0 : index
    %get3A_26 = vector.load %arg4[%get3A_24, %get3A_25] : memref<1x128xf32, #tpu.memory_space<vmem>>, vector<1x128xf32>
    %add3A_27 = vector.broadcast %get3A_26 : vector<1x128xf32> to vector<2000x128xf32>
    %add3A_28 = arith.addf %mul3A_23, %add3A_27 : vector<2000x128xf32>
    %swap3A = arith.constant 0 : index
    %swap3A_29 = arith.constant 0 : index
    %swap3A_30 = vector.load %arg5[%swap3A, %swap3A_29] : memref<2000x128xf32, #tpu.memory_space<vmem>>, vector<2000x128xf32>
    tpu.vector_store %arg5[%swap3A, %swap3A_29], %add3A_28 {strides = array<i32>} : memref<2000x128xf32, #tpu.memory_space<vmem>>, vector<2000x128xf32>,
    return
  }
  func.func @transform_0(%arg0: i32) -> (i32, i32) {
    %c0_i32 = arith.constant 0 : i32
    %c0_i32_0 = arith.constant 0 : i32
    return %arg0, %c0_i32 : i32, i32
  }
  func.func @transform_1(%arg0: i32) -> (i32, i32) {
    %c0_i32 = arith.constant 0 : i32
    %c0_i32_0 = arith.constant 0 : i32
    return %arg0, %c0_i32 : i32, i32
  }
  func.func @transform_2(%arg0: i32) -> (i32, i32, i32) {
    %c0_i32 = arith.constant 0 : i32
    %c0_i32_0 = arith.constant 0 : i32
    %c0_i32_1 = arith.constant 0 : i32
    return %c0_i32, %arg0, %c0_i32_0 : i32, i32, i32
  }
  func.func @transform_3(%arg0: i32) -> (i32, i32) {
    %c0_i32 = arith.constant 0 : i32
    %c0_i32_0 = arith.constant 0 : i32
    %c0_i32_1 = arith.constant 0 : i32
    return %c0_i32, %c0_i32_0 : i32, i32
  }
  func.func @transform_4(%arg0: i32) -> (i32, i32) {
    %c0_i32 = arith.constant 0 : i32
    %c0_i32_0 = arith.constant 0 : i32
    return %arg0, %c0_i32 : i32, i32
  }
}

</mosaic_0001>

<sc_bundles>
// kernel: kernel.10.cloned.1.call-start
scs
__scs_entry_jumppad:
0x0: {  	(pc) =	sbr.rel $0x88, $3  }
0x1: {  	(tag) =	ssettag $0x0;
	lr =	simm.s32 $0x1  }
0x2: {  	[smem:$0x3F99] =	sst lr;
	_ =	strace $0xD0000000  }
0x3: {  	_ = 	snop  }
0x4: {  	_ = 	snop  }
0x5: {  	_ = 	snop  }
0x6: {  	_ = 	snop  }
0x7: {  	_ = 	snop  }
__scs_overlays_trampoline_lowered:
0x8: {  	[smem:$0x3FA8] =	sst s0  }
0x9: {  	[smem:$0x3FA9] =	sst s1  }
0xa: {  	[smem:$0x3FAA] =	sst s2  }
0xb: {  	[smem:$0x3FAB] =	sst s3  }
0xc: {  	[smem:$0x3FAC] =	sst s4  }
0xd: {  	[smem:$0x3FAD] =	sst s5  }
0xe: {  	[smem:$0x3FAE] =	sst s6  }
0xf: {  	[smem:$0x3FAF] =	sst s7  }
0x10: {  	[smem:$0x3FB0] =	sst s8  }
0x11: {  	[smem:$0x3FB1] =	sst s9;
	s0 =	simm.s32 @!p0 $0x0  }
0x12: {  	s1 =	sld [smem:$0x3F97];
	s0 =	simm.s32 @p0 $0x1  }
0x13: {  	[smem:$0x3FB2] =	sst s0;
	s0 =	simm.s32 @!p1 $0x0  }
0x14: {  	s2 =	sld [smem:$0x3F96];
	s0 =	simm.s32 @p1 $0x1  }
0x15: {  	[smem:$0x3FB3] =	sst s0;
	s0 =	simm.s32 @!p2 $0x0  }
0x16: {  	s3 =	sld [smem:$0x3FDB];
	s0 =	simm.s32 @p2 $0x1  }
0x17: {  	s4 =	simm.s32 $0x1BF5;
	[smem:$0x3FB5] =	sst s0  }
0x18: {  	s0 =	sld [smem:$0x3F98];
	_ =	swait.ge [sflag:s4], $0x0  }
0x19: {  	s7 =	sld [smem:$0x3F99]  }
0x1a: {  	s8 =	sadd.s32 $0xFFFFE003, lr  }
0x1b: {  	s9 =	sadd.s32 $0xFFFFFEF7, lr;
	s5 =	simm.s32 $0xFFFFFFFF;
	p2 =	slt.u32 s8, $0xFFFFF086  }
0x1c: {  	p1 =	slt.u32 s9, $0xF7A;
	s5 =	simm.s32 @!p2 $0x0  }
0x1d: {  	s5 =	simm.s32 @p1 $0x1;
	p0 =	seq.s32 s7, s2  }
0x1e: {  	s7 =	smul.u32 @!p0 $0xF7A, s2;
	p2 =	seq.s32 @!p0 s5, $0x0  }
0x1f: {  	s9 =	smul.u32 $0xF7A, s1;
	s8 =	simm.s32 @!p0 $0x1BF5;
	p2 =	por !p2, p0  }
0x20: {  	[sflag:s8] =	ssyncset.s32 @!p0 $0xFFFFF086;
	s6 =	sadd.s32 @!p0 s3, s7;
	s7 =	simm.s32 @!p0 $0x108  }
0x21: {  	s3 =	sadd.s32 s3, s9;
	s6 =	sadd.s32 @!p0 $0x88, s6;
	s7 =	simm.s32 @p2 $0x1082  }
0x22: {  	[simem:s7], [sflag:s8] =	dma.local @!p0 [hbm:s6], $0xF7A  }
0x23: {  	s9 =	sor.u32 $0xD0000000, s2;
	s6 =	simm.s32 $0x108;
	_ =	swait.ge @!p0 [sflag:s8], $0x0  }
0x24: {  	s3 =	sadd.s32 $0x88, s3;
	s6 =	simm.s32 @!p1 $0x1082;
	[sflag:s4] =	ssyncset.s32 $0xFFFFF086  }
0x25: {  	[simem:s6], [sflag:s4] =	dma.local [hbm:s3], $0xF7A  }
0x26: {  	[smem:$0x3F99] =	sst s1;
	(tag) =	ssettag s2;
	_ =	strace s9  }
0x27: {  	s1 =	sld [smem:$0x3FA9]  }
0x28: {  	s2 =	sld [smem:$0x3FAA]  }
0x29: {  	s4 =	sld [smem:$0x3FAC]  }
0x2a: {  	p0 =	seq.s32 s5, $0x0;
	s5 =	sld [smem:$0x3FAD]  }
0x2b: {  	s6 =	sld [smem:$0x3FAE]  }
0x2c: {  	s7 =	sld [smem:$0x3FAF]  }
0x2d: {  	s3 =	simm.s32 $0x108;
	s8 =	sld [smem:$0x3FB0]  }
0x2e: {  	s3 =	simm.s32 @!p0 $0x1082;
	s9 =	sld [smem:$0x3FB1]  }
0x2f: {  	lr =	sadd.s32 s0, s3;
	s0 =	sld [smem:$0x3FA8]  }
0x30: {  	s3 =	sld [smem:$0x3FAB]  }
0x31: {  	[smem:$0x3FB4] =	sst s10  }
0x32: {  	s10 =	sld [smem:$0x3FB2];
	_ =	sdelay $0x3  }
0x33: {  	p0 =	seq.s32 s10, $0x1;
	s10 =	sld [smem:$0x3FB4];
	_ =	sdelay $0x3  }
0x34: {  	[smem:$0x3FB4] =	sst s10  }
0x35: {  	s10 =	sld [smem:$0x3FB3];
	_ =	sdelay $0x3  }
0x36: {  	p1 =	seq.s32 s10, $0x1;
	s10 =	sld [smem:$0x3FB4];
	_ =	sdelay $0x3  }
0x37: {  	[smem:$0x3FB4] =	sst s10  }
0x38: {  	s10 =	sld [smem:$0x3FB5]  }
0x39: {  	_ = 	snop;
	(pc) =	sbr.ind lr, $3  }
0x3a: {  	_ = 	snop  }
0x3b: {  	_ = 	snop  }
0x3c: {  	p2 =	seq.s32 s10, $0x1;
	s10 =	sld [smem:$0x3FB4]  }
0x3d: {  	_ =	shalt  }
0x3e: {  	_ =	shalt  }
0x3f: {  	_ =	shalt  }
0x40: {  	_ =	shalt  }
0x41: {  	_ =	shalt  }
0x42: {  	_ =	shalt  }
0x43: {  	_ =	shalt  }
0x44: {  	_ =	shalt  }
0x45: {  	_ =	shalt  }
0x46: {  	_ =	shalt  }
0x47: {  	_ =	shalt  }
0x48: {  	_ =	shalt  }
0x49: {  	_ =	shalt  }
0x4a: {  	_ =	shalt  }
0x4b: {  	_ =	shalt  }
0x4c: {  	_ =	shalt  }
0x4d: {  	_ =	shalt  }
0x4e: {  	_ =	shalt  }
0x4f: {  	_ =	shalt  }
0x50: {  	_ =	shalt  }
0x51: {  	_ =	shalt  }
0x52: {  	_ =	shalt  }
0x53: {  	_ =	shalt  }
0x54: {  	_ =	shalt  }
0x55: {  	_ =	shalt  }
0x56: {  	_ =	shalt  }
0x57: {  	_ =	shalt  }
0x58: {  	_ =	shalt  }
0x59: {  	_ =	shalt  }
0x5a: {  	_ =	shalt  }
0x5b: {  	_ =	shalt  }
0x5c: {  	_ =	shalt  }
0x5d: {  	_ =	shalt  }
0x5e: {  	_ =	shalt  }
0x5f: {  	_ =	shalt  }
0x60: {  	_ =	shalt  }
0x61: {  	_ =	shalt  }
0x62: {  	_ =	shalt  }
0x63: {  	_ =	shalt  }
0x64: {  	_ =	shalt  }
0x65: {  	_ =	shalt  }
0x66: {  	_ =	shalt  }
0x67: {  	_ =	shalt  }
0x68: {  	_ =	shalt  }
0x69: {  	_ =	shalt  }
0x6a: {  	_ =	shalt  }
0x6b: {  	_ =	shalt  }
0x6c: {  	_ =	shalt  }
0x6d: {  	_ =	shalt  }
0x6e: {  	_ =	shalt  }
0x6f: {  	_ =	shalt  }
0x70: {  	_ =	shalt  }
0x71: {  	_ =	shalt  }
0x72: {  	_ =	shalt  }
0x73: {  	_ =	shalt  }
0x74: {  	_ =	shalt  }
0x75: {  	_ =	shalt  }
0x76: {  	_ =	shalt  }
0x77: {  	_ =	shalt  }
0x78: {  	_ =	shalt  }
0x79: {  	_ =	shalt  }
0x7a: {  	_ =	shalt  }
0x7b: {  	_ =	shalt  }
0x7c: {  	_ =	shalt  }
0x7d: {  	_ =	shalt  }
0x7e: {  	_ =	shalt  }
0x7f: {  	_ =	shalt  }
0x80: {  	_ =	shalt  }
0x81: {  	_ =	shalt  }
0x82: {  	_ =	shalt  }
0x83: {  	_ =	shalt  }
0x84: {  	_ =	shalt  }
0x85: {  	_ =	shalt  }
0x86: {  	_ =	shalt  }
0x87: {  	_ =	shalt  }
.Lfunc_end0:
.L_simem_size_0:
called_computation_lowered:
.L_overlay_start_0:
0x88: {  	s2 =	sld [smem:$0x3FD9]  }
0x89: {  	s3 =	sld [smem:$0x3FFE];
	_ =	sdelay $0x1  }
0x8a: {  	s1 =	srdreg.scid  }
0x8b: {  	s0 =	sand.u32 $0x1, s1  }
0x8c: {  	s17 =	sshll.u32 s0, $0xA;
	s2 =	sadd.s32 s3, s2  }
0x8d: {  	s2 =	sadd.s32 s2, s17  }
0x8e: {  	[smem:$0x3FC0] =	sst s2  }
0x8f: {  	_ = 	snop  }
0x90: {  	s2 =	sld [smem:$0x3FD0];
	(tm) =	ssettm $0x1  }
0x91: {  	s18 =	sld [smem:$0x3FFB];
	_ =	sdelay $0x3  }
0x92: {  	_ =	strace s18  }
0x93: {  	s3 =	sld [smem:$0x3FFC];
	_ =	sdelay $0x3  }
0x94: {  	_ =	strace s3  }
0x95: {  	s3 =	sld [smem:$0x3FFD];
	_ =	sdelay $0x3  }
0x96: {  	_ =	strace s3  }
0x97: {  	_ =	strace $0x8FFFFFFF  }
0x98: {  	s19 =	sld [smem:$0x3FDB];
	_ =	sdelay $0x1  }
0x99: {  	s4 =	simm.s32 $_scs_section_size  }
0x9a: {  	s5 =	simm.s32 $_size__tile_overlayer_lowered;
	s6 =	simm.s32 $_tile_overlayer_lowered  }
0x9b: {  	s22 =	simm.s32 $0x1BFF;
	s21 =	sshll.u32 s6, $0x1;
	s3 =	sadd.s32 s4, s19  }
0x9c: {  	s7 =	simm.s32 $0x0;
	s20 =	sshll.u32 s5, $0x1;
	s5 =	sadd.s32 s21, s3  }
0x9d: {  	[timem:s7], [sflag:s22] =	dma.local [hbm:s5], s20  }
0x9e: {  	_ =	swait.ge [sflag:s22], s20  }
0x9f: {  	s4 =	ssub.s32 $0x0, s20;
	[sflag:s22] =	ssyncset.done $0x0  }
0xa0: {  	[sflag:s22] =	ssyncadd.s32 s4;
	_ =	sdelay $0x1  }
0xa1: {  	s23 =	simm.s32 $0x1B8B  }
0xa2: {  	_ =	swait.ge [sflag:s23], $0x1  }
0xa3: {  	[sflag:s23] =	ssyncset.done $0x0  }
0xa4: {  	s25 =	simm.s32 $0x1B8E;
	s24 =	sld [smem:$0x3FFE];
	[sflag:s23] =	ssyncadd.s32 $0xFFFFFFFF  }
0xa5: {  	s26 =	simm.s32 $execute0_lowered;
	[smem:$0x3FD2] =	sst s25  }
0xa6: {  	s5 =	sshll.u32 s26, $0x1;
	_ =	strace $0x80000046;
	[dreg:$0x1] =	wrdreg $0xFFFFFFFF  }
0xa7: {  	s28 =	simm.s32 $_size_execute0_lowered;
	s3 =	sadd.s32 s3, s5;
	[dreg:$0x0] =	wrdreg $0x0  }
0xa8: {  	s5 =	sshll.u32 s28, $0x1;
	[dreg:$0x2] =	wrdreg s3  }
0xa9: {  	[dreg:$0x3] =	wrdreg s5  }
0xaa: {  	[dreg:$0x4] =	wrdreg $0xC0  }
0xab: {  	_ =	task [dreg:s7], $0x5FFFF  }
0xac: {  	[dreg:$0x1] =	wrdreg $0xFFFFFFFF  }
0xad: {  	[dreg:$0x0] =	wrdreg $0x60  }
0xae: {  	[dreg:$0x2] =	wrdreg s2  }
0xaf: {  	[dreg:$0x3] =	wrdreg s24  }
0xb0: {  	[dreg:$0x4] =	wrdreg $0x43000  }
0xb1: {  	[dreg:$0x5] =	wrdreg $0x9  }
0xb2: {  	_ =	task.clear_ibuf [dreg:s7], $0x6FFFF;
	_ =	strace $0x90000046  }
0xb3: {  	s29 =	simm.s32 $0x9;
	_ =	strace $0x80000048  }
0xb4: {  	_ =	swait.ge [sflag:s29], $0x1  }
0xb5: {  	[sflag:s29] =	ssyncadd.s32 $0xFFFFFFFF  }
0xb6: {  	_ =	strace $0x90000048  }
0xb7: {  	_ =	sfence  }
0xb8: {  	s30 =	sld [smem:$0x0];
	_ =	sdelay $0x2  }
0xb9: {  	s31 =	sshll.u32 s1, $0xD;
	s1 =	sshrl.u32 s1, $0x2  }
0xba: {  	s3 =	sand.u32 $0x4000, s31;
	s1 =	sadd.s32 s1, s30  }
0xbb: {  	s0 =	sor.u32 s3, s0;
	s1 =	sshll.u32 s1, $0x11  }
0xbc: {  	s0 =	sor.u32 s1, s0  }
0xbd: {  	s0 =	sadd.s32 $0x8F2B, s0  }
0xbe: {  	[sflag:s0] =	ssyncadd.remote.s32 $0x1  }
0xbf: {  	_ =	sfence.sel $0xFFFF  }
0xc0: {  	[dreg:$0x0] =	wrdreg $0xFFFFFFFF;
	(pc) =	sbr.abs _section_cstart, $3  }
0xc1: {  	[dreg:$0x1] =	wrdreg $0xFFFFFFFF  }
0xc2: {  	_ =	task.clear_ibuf [dreg:s7], $0x2FFFF;
	_ =	strace $0x9FFFFFFF  }
0xc3: {  	(tm) =	ssettm $0x7FFFFFFF  }
tec
execute0_lowered:
.L_overlay_start_1:
0x0: {  	(tag) =	ssettag $0x1  }
0x1: {  	s4 =	rddreg [dreg:$0x0]  }
0x2: {  	s1 =	srdreg.scid;
	s5 =	rddreg [dreg:$0x1]  }
0x3: {  	s0 =	stileid.u32;
	s2 =	rddreg [dreg:$0x2];
	s3 =	simm.s32 $0x0  }
0x4: {  	s11 =	simm.s32 $0x4000;
	s6 =	sand.u32 $0x1, s1;
	s1 =	rddreg [dreg:$0x3]  }
0x5: {  	s14 =	simm.s32 $0x0;
	s7 =	smul.u32 $0x280, s0;
	[smem:$0x7FF] =	sst s3  }
0x6: {  	s10 =	sshll.u32 s0, $0xB;
	s12 =	sshll.u32 s0, $0x6;
	s8 =	smul.u32 $0x2800, s6  }
0x7: {  	_ =	strace $0x80000047;
	s9 =	ssub.s32 $0x2, s6;
	s30 =	sshll.u32 s6, $0xF  }
0x8: {  	s31 =	sadd.s32 s4, s10;
	s10 =	simm.s32 $0x50;
	s12 =	sor.u32 $0x1C01, s12  }
0x9: {  	s29 =	sshrl.u32 s9, $0x1;
	s4 =	sadd.s32 s7, s2;
	s8 =	sadd.s32 s7, s8  }
0xa: {  	s9 =	ssub.s32 s9, s29;
	s13 =	sshrl.u32 s4, $0x3;
	s8 =	sshrl.u32 s8, $0x3  }
0xb: {  	s7 =	smax.u32 s9, $0x1;
	s9 =	simm.s32 $0x1;
	s8 =	sadd.s32 s8, s5  }
0xc: {  	v0 =	vimm.f32 $1.000000000e+00;
	v1 =	vimm.f32 $0.0e+00;
	s5 =	sadd.s32 s30, s31;
	s6 =	sadd.s32 $0x16A00, s8;
	s8 =	simm.s32 $0x4080  }
.LBB2_1:
0xd: {  	[tilespmem:$0x4000] =	vst v0  }
0xe: {  	[tilespmem:$0x4010] =	vst v0  }
0xf: {  	[tilespmem:$0x4020] =	vst v0  }
0x10: {  	[tilespmem:$0x4030] =	vst v0  }
0x11: {  	[tilespmem:$0x4040] =	vst v0  }
0x12: {  	[tilespmem:$0x4080] =	vst v1  }
0x13: {  	[tilespmem:$0x4090] =	vst v1  }
0x14: {  	[tilespmem:$0x40A0] =	vst v1  }
0x15: {  	[tilespmem:$0x40B0] =	vst v1  }
0x16: {  	[tilespmem:$0x40C0] =	vst v1  }
0x17: {  	[tilespmem:$0x40D0] =	vst v1  }
0x18: {  	[tilespmem:$0x40E0] =	vst v1  }
0x19: {  	[tilespmem:$0x40F0] =	vst v1  }
0x1a: {  	[tilespmem:$0x4100] =	vst v1  }
0x1b: {  	[tilespmem:$0x4110] =	vst v1  }
0x1c: {  	[tilespmem:$0x4120] =	vst v1  }
0x1d: {  	[tilespmem:$0x4130] =	vst v1  }
0x1e: {  	[tilespmem:$0x4140] =	vst v1  }
0x1f: {  	[tilespmem:$0x4150] =	vst v1  }
0x20: {  	[tilespmem:$0x4160] =	vst v1  }
0x21: {  	[tilespmem:$0x4170] =	vst v1  }
0x22: {  	[tilespmem:$0x4180] =	vst v1  }
0x23: {  	[tilespmem:$0x4190] =	vst v1  }
0x24: {  	[tilespmem:$0x41A0] =	vst v1  }
0x25: {  	[tilespmem:$0x41B0] =	vst v1  }
0x26: {  	[tilespmem:$0x41C0] =	vst v1  }
0x27: {  	[tilespmem:$0x41D0] =	vst v1  }
0x28: {  	[tilespmem:$0x41E0] =	vst v1  }
0x29: {  	[tilespmem:$0x41F0] =	vst v1  }
0x2a: {  	[tilespmem:$0x4200] =	vst v1  }
0x2b: {  	[tilespmem:$0x4210] =	vst v1  }
0x2c: {  	[tilespmem:$0x4220] =	vst v1  }
0x2d: {  	[tilespmem:$0x4230] =	vst v1  }
0x2e: {  	[tilespmem:$0x4240] =	vst v1  }
0x2f: {  	[tilespmem:$0x4250] =	vst v1  }
0x30: {  	[tilespmem:$0x4260] =	vst v1  }
0x31: {  	[tilespmem:$0x4270] =	vst v1  }
0x32: {  	[tilespmem:$0x4280] =	vst v1  }
0x33: {  	[tilespmem:$0x4290] =	vst v1  }
0x34: {  	[tilespmem:$0x42A0] =	vst v1  }
0x35: {  	[tilespmem:$0x42B0] =	vst v1  }
0x36: {  	[tilespmem:$0x42C0] =	vst v1  }
0x37: {  	[tilespmem:$0x42D0] =	vst v1  }
0x38: {  	[tilespmem:$0x42E0] =	vst v1  }
0x39: {  	[tilespmem:$0x42F0] =	vst v1  }
0x3a: {  	[spmem:s4] =	stream.linear.scatter [tilespmem:s8], [sflag:$0x1], $0x280, $0x38;
	[tilespmem:$0x4580] =	vst v63  }
0x3b: {  	_ =	swait.ge [sflag:s9], $0x280  }
0x3c: {  	[sflag:s9] =	ssyncset.done $0x0  }
0x3d: {  	[sflag:s9] =	ssyncadd.s32 $0xFFFFFD80  }
0x3e: {  	[tilespmem:s3], [sflag:$0x1] =	stream.linear.gather [hbm4b:s5+s3], $0x3E80, $0x38;
	[tilespmem:$0x4580] =	vst v63  }
0x3f: {  	_ =	swait.ge [sflag:s9], $0x3E80  }
0x40: {  	[sflag:s9] =	ssyncset.done $0x0  }
0x41: {  	[sflag:s9] =	ssyncadd.s32 $0xFFFFC180  }
0x42: {  	s15 =	simm.s32 $0x0;
	[bflag:$0x0] =	sbarrier.arrive $0xFFFF  }
0x43: {  	[spmem:s2] =	stream.indirect.scatter.add.f32 [tilespmem:s11], [sflag:$0x1], $0x1, s15, s10, $0xb8;
	[tilespmem:$0x4580] =	vst v63  }
0x44: {  	_ =	swait.ge [sflag:s9], $0x50  }
0x45: {  	s15 =	simm.s32 $0x200;
	[sflag:s9] =	ssyncset.done $0x0  }
.LBB2_2:
0x46: {  	s16 =	sshra.s32 s15, $0x2;
	[sflag:s9] =	ssyncadd.s32 $0xFFFFFFB0;
	p0 =	sne.s32 s15, $0xF800  }
0x47: {  	[spmem:s2] =	stream.indirect.scatter.add.f32 [tilespmem:s11], [sflag:$0x1], $0x1, s16, s10, $0xb8;
	[tilespmem:$0x4580] =	vst v63  }
.Ltmp0:
0x48: {  	_ = 	snop;
	(pc) =	sbr.rel @p0 .LBB2_2-.Ltmp0, $4  }
0x49: {  	_ = 	snop  }
0x4a: {  	s15 =	sadd.s32 $0x200, s15  }
0x4b: {  	_ =	swait.ge [sflag:s9], $0x50  }
0x4c: {  	[sflag:s9] =	ssyncset.done $0x0  }
0x4d: {  	s14 =	sadd.s32 $0x1, s14  }
0x4e: {  	[sflag:s9] =	ssyncadd.s32 $0xFFFFFFB0;
	p0 =	sne.s32 s14, s7  }
.Ltmp1:
0x4f: {  	[bflag:$0x0] =	sbarrier.arrive $0xFFFF;
	(pc) =	sbr.rel @p0 .LBB2_1-.Ltmp1, $4  }
0x50: {  	[hbm:s6], [sflag:s12] =	dma.local [spmem:s13], $0x50  }
0x51: {  	_ =	swait.ge [sflag:s9], $0x50  }
0x52: {  	[sflag:s9] =	ssyncset.done $0x0  }
0x53: {  	[sflag:s9] =	ssyncadd.s32 $0xFFFFFFB0  }
0x54: {  	_ =	sfence.sel $0x180000  }
0x55: {  	[bflag:$0x0] =	sbarrier.arrive $0xFFFF  }
0x56: {  	p0 =	sne.s32 s0, $0x0;
	_ =	strace $0x90000047  }
0x57: {  	s0 =	sadd.s32 @!p0 $0x100000, s1;
	[bflag:$0x2] =	sbarrier.arrive $0xFFFF  }
0x58: {  	[sflag:s0] =	ssyncadd.tile.s32 @!p0 $0x1;
	_ =	shalt  }
.Lfunc_end2:
_tile_overlayer_lowered:
.L_overlay_start_2:
0x59: {  	(tag) =	ssettag $0x2  }
0x5a: {  	s0 =	rddreg [dreg:$0x0];
	s2 =	stileid.u32  }
0x5b: {  	s1 =	rddreg [dreg:$0x1];
	p0 =	sne.s32 s2, $0x0  }
0x5c: {  	s3 =	rddreg [dreg:$0x2];
	[bflag:$0x3] =	sbarrier.arrive $0xFFFF;
	s2 =	simm.s32 @!p0 $0x1C01  }
0x5d: {  	[timem:s3], [sflag:s2] =	dma.local @!p0 [hbm:s0], s1  }
0x5e: {  	s0 =	simm.s32 @!p0 $0x1  }
0x5f: {  	_ =	swait.ge @!p0 [sflag:s0], s1  }
0x60: {  	s1 =	ssub.s32 @!p0 $0x0, s1;
	[sflag:s0] =	ssyncset.done @!p0 $0x0  }
0x61: {  	[sflag:s0] =	ssyncadd.s32 @!p0 s1  }
0x62: {  	[bflag:$0x3] =	sbarrier.arrive $0xFFFF  }
0x63: {  	_ =	shalt  }

// kernel: kernel.13.cloned.1.call-start
scs
__scs_entry_jumppad:
0x0: {  	(pc) =	sbr.rel $0x88, $3  }
0x1: {  	(tag) =	ssettag $0x0;
	lr =	simm.s32 $0x1  }
0x2: {  	[smem:$0x3F99] =	sst lr;
	_ =	strace $0xD0000000  }
0x3: {  	_ = 	snop  }
0x4: {  	_ = 	snop  }
0x5: {  	_ = 	snop  }
0x6: {  	_ = 	snop  }
0x7: {  	_ = 	snop  }
__scs_overlays_trampoline_lowered:
0x8: {  	[smem:$0x3FA8] =	sst s0  }
0x9: {  	[smem:$0x3FA9] =	sst s1  }
0xa: {  	[smem:$0x3FAA] =	sst s2  }
0xb: {  	[smem:$0x3FAB] =	sst s3  }
0xc: {  	[smem:$0x3FAC] =	sst s4  }
0xd: {  	[smem:$0x3FAD] =	sst s5  }
0xe: {  	[smem:$0x3FAE] =	sst s6  }
0xf: {  	[smem:$0x3FAF] =	sst s7  }
0x10: {  	[smem:$0x3FB0] =	sst s8  }
0x11: {  	[smem:$0x3FB1] =	sst s9;
	s0 =	simm.s32 @!p0 $0x0  }
0x12: {  	s1 =	sld [smem:$0x3F97];
	s0 =	simm.s32 @p0 $0x1  }
0x13: {  	[smem:$0x3FB2] =	sst s0;
	s0 =	simm.s32 @!p1 $0x0  }
0x14: {  	s2 =	sld [smem:$0x3F96];
	s0 =	simm.s32 @p1 $0x1  }
0x15: {  	[smem:$0x3FB3] =	sst s0;
	s0 =	simm.s32 @!p2 $0x0  }
0x16: {  	s3 =	sld [smem:$0x3FDB];
	s0 =	simm.s32 @p2 $0x1  }
0x17: {  	s4 =	simm.s32 $0x1BF5;
	[smem:$0x3FB5] =	sst s0  }
0x18: {  	s0 =	sld [smem:$0x3F98];
	_ =	swait.ge [sflag:s4], $0x0  }
0x19: {  	s7 =	sld [smem:$0x3F99]  }
0x1a: {  	s8 =	sadd.s32 $0xFFFFE003, lr  }
0x1b: {  	s9 =	sadd.s32 $0xFFFFFEF7, lr;
	s5 =	simm.s32 $0xFFFFFFFF;
	p2 =	slt.u32 s8, $0xFFFFF086  }
0x1c: {  	p1 =	slt.u32 s9, $0xF7A;
	s5 =	simm.s32 @!p2 $0x0  }
0x1d: {  	s5 =	simm.s32 @p1 $0x1;
	p0 =	seq.s32 s7, s2  }
0x1e: {  	s7 =	smul.u32 @!p0 $0xF7A, s2;
	p2 =	seq.s32 @!p0 s5, $0x0  }
0x1f: {  	s9 =	smul.u32 $0xF7A, s1;
	s8 =	simm.s32 @!p0 $0x1BF5;
	p2 =	por !p2, p0  }
0x20: {  	[sflag:s8] =	ssyncset.s32 @!p0 $0xFFFFF086;
	s6 =	sadd.s32 @!p0 s3, s7;
	s7 =	simm.s32 @!p0 $0x108  }
0x21: {  	s3 =	sadd.s32 s3, s9;
	s6 =	sadd.s32 @!p0 $0x88, s6;
	s7 =	simm.s32 @p2 $0x1082  }
0x22: {  	[simem:s7], [sflag:s8] =	dma.local @!p0 [hbm:s6], $0xF7A  }
0x23: {  	s9 =	sor.u32 $0xD0000000, s2;
	s6 =	simm.s32 $0x108;
	_ =	swait.ge @!p0 [sflag:s8], $0x0  }
0x24: {  	s3 =	sadd.s32 $0x88, s3;
	s6 =	simm.s32 @!p1 $0x1082;
	[sflag:s4] =	ssyncset.s32 $0xFFFFF086  }
0x25: {  	[simem:s6], [sflag:s4] =	dma.local [hbm:s3], $0xF7A  }
0x26: {  	[smem:$0x3F99] =	sst s1;
	(tag) =	ssettag s2;
	_ =	strace s9  }
0x27: {  	s1 =	sld [smem:$0x3FA9]  }
0x28: {  	s2 =	sld [smem:$0x3FAA]  }
0x29: {  	s4 =	sld [smem:$0x3FAC]  }
0x2a: {  	p0 =	seq.s32 s5, $0x0;
	s5 =	sld [smem:$0x3FAD]  }
0x2b: {  	s6 =	sld [smem:$0x3FAE]  }
0x2c: {  	s7 =	sld [smem:$0x3FAF]  }
0x2d: {  	s3 =	simm.s32 $0x108;
	s8 =	sld [smem:$0x3FB0]  }
0x2e: {  	s3 =	simm.s32 @!p0 $0x1082;
	s9 =	sld [smem:$0x3FB1]  }
0x2f: {  	lr =	sadd.s32 s0, s3;
	s0 =	sld [smem:$0x3FA8]  }
0x30: {  	s3 =	sld [smem:$0x3FAB]  }
0x31: {  	[smem:$0x3FB4] =	sst s10  }
0x32: {  	s10 =	sld [smem:$0x3FB2];
	_ =	sdelay $0x3  }
0x33: {  	p0 =	seq.s32 s10, $0x1;
	s10 =	sld [smem:$0x3FB4];
	_ =	sdelay $0x3  }
0x34: {  	[smem:$0x3FB4] =	sst s10  }
0x35: {  	s10 =	sld [smem:$0x3FB3];
	_ =	sdelay $0x3  }
0x36: {  	p1 =	seq.s32 s10, $0x1;
	s10 =	sld [smem:$0x3FB4];
	_ =	sdelay $0x3  }
0x37: {  	[smem:$0x3FB4] =	sst s10  }
0x38: {  	s10 =	sld [smem:$0x3FB5]  }
0x39: {  	_ = 	snop;
	(pc) =	sbr.ind lr, $3  }
0x3a: {  	_ = 	snop  }
0x3b: {  	_ = 	snop  }
0x3c: {  	p2 =	seq.s32 s10, $0x1;
	s10 =	sld [smem:$0x3FB4]  }
0x3d: {  	_ =	shalt  }
0x3e: {  	_ =	shalt  }
0x3f: {  	_ =	shalt  }
0x40: {  	_ =	shalt  }
0x41: {  	_ =	shalt  }
0x42: {  	_ =	shalt  }
0x43: {  	_ =	shalt  }
0x44: {  	_ =	shalt  }
0x45: {  	_ =	shalt  }
0x46: {  	_ =	shalt  }
0x47: {  	_ =	shalt  }
0x48: {  	_ =	shalt  }
0x49: {  	_ =	shalt  }
0x4a: {  	_ =	shalt  }
0x4b: {  	_ =	shalt  }
0x4c: {  	_ =	shalt  }
0x4d: {  	_ =	shalt  }
0x4e: {  	_ =	shalt  }
0x4f: {  	_ =	shalt  }
0x50: {  	_ =	shalt  }
0x51: {  	_ =	shalt  }
0x52: {  	_ =	shalt  }
0x53: {  	_ =	shalt  }
0x54: {  	_ =	shalt  }
0x55: {  	_ =	shalt  }
0x56: {  	_ =	shalt  }
0x57: {  	_ =	shalt  }
0x58: {  	_ =	shalt  }
0x59: {  	_ =	shalt  }
0x5a: {  	_ =	shalt  }
0x5b: {  	_ =	shalt  }
0x5c: {  	_ =	shalt  }
0x5d: {  	_ =	shalt  }
0x5e: {  	_ =	shalt  }
0x5f: {  	_ =	shalt  }
0x60: {  	_ =	shalt  }
0x61: {  	_ =	shalt  }
0x62: {  	_ =	shalt  }
0x63: {  	_ =	shalt  }
0x64: {  	_ =	shalt  }
0x65: {  	_ =	shalt  }
0x66: {  	_ =	shalt  }
0x67: {  	_ =	shalt  }
0x68: {  	_ =	shalt  }
0x69: {  	_ =	shalt  }
0x6a: {  	_ =	shalt  }
0x6b: {  	_ =	shalt  }
0x6c: {  	_ =	shalt  }
0x6d: {  	_ =	shalt  }
0x6e: {  	_ =	shalt  }
0x6f: {  	_ =	shalt  }
0x70: {  	_ =	shalt  }
0x71: {  	_ =	shalt  }
0x72: {  	_ =	shalt  }
0x73: {  	_ =	shalt  }
0x74: {  	_ =	shalt  }
0x75: {  	_ =	shalt  }
0x76: {  	_ =	shalt  }
0x77: {  	_ =	shalt  }
0x78: {  	_ =	shalt  }
0x79: {  	_ =	shalt  }
0x7a: {  	_ =	shalt  }
0x7b: {  	_ =	shalt  }
0x7c: {  	_ =	shalt  }
0x7d: {  	_ =	shalt  }
0x7e: {  	_ =	shalt  }
0x7f: {  	_ =	shalt  }
0x80: {  	_ =	shalt  }
0x81: {  	_ =	shalt  }
0x82: {  	_ =	shalt  }
0x83: {  	_ =	shalt  }
0x84: {  	_ =	shalt  }
0x85: {  	_ =	shalt  }
0x86: {  	_ =	shalt  }
0x87: {  	_ =	shalt  }
.Lfunc_end0:
.L_simem_size_0:
called_computation.1_lowered:
.L_overlay_start_0:
0x88: {  	s2 =	sld [smem:$0x3FD9]  }
0x89: {  	s3 =	sld [smem:$0x3FFE];
	_ =	sdelay $0x1  }
0x8a: {  	s1 =	srdreg.scid  }
0x8b: {  	s0 =	sand.u32 $0x1, s1  }
0x8c: {  	s17 =	sshll.u32 s0, $0xA;
	s2 =	sadd.s32 s3, s2  }
0x8d: {  	s2 =	sadd.s32 s2, s17  }
0x8e: {  	[smem:$0x3FC0] =	sst s2  }
0x8f: {  	_ = 	snop  }
0x90: {  	s2 =	sld [smem:$0x3FD0];
	(tm) =	ssettm $0x1  }
0x91: {  	s18 =	sld [smem:$0x3FFB];
	_ =	sdelay $0x3  }
0x92: {  	_ =	strace s18  }
0x93: {  	s3 =	sld [smem:$0x3FFC];
	_ =	sdelay $0x3  }
0x94: {  	_ =	strace s3  }
0x95: {  	s3 =	sld [smem:$0x3FFD];
	_ =	sdelay $0x3  }
0x96: {  	_ =	strace s3  }
0x97: {  	_ =	strace $0x8FFFFFFF  }
0x98: {  	s19 =	sld [smem:$0x3FDB];
	_ =	sdelay $0x1  }
0x99: {  	s4 =	simm.s32 $_scs_section_size  }
0x9a: {  	s5 =	simm.s32 $_size__tile_overlayer_lowered;
	s6 =	simm.s32 $_tile_overlayer_lowered  }
0x9b: {  	s22 =	simm.s32 $0x1BFF;
	s21 =	sshll.u32 s6, $0x1;
	s3 =	sadd.s32 s4, s19  }
0x9c: {  	s7 =	simm.s32 $0x0;
	s20 =	sshll.u32 s5, $0x1;
	s5 =	sadd.s32 s21, s3  }
0x9d: {  	[timem:s7], [sflag:s22] =	dma.local [hbm:s5], s20  }
0x9e: {  	_ =	swait.ge [sflag:s22], s20  }
0x9f: {  	s4 =	ssub.s32 $0x0, s20;
	[sflag:s22] =	ssyncset.done $0x0  }
0xa0: {  	[sflag:s22] =	ssyncadd.s32 s4;
	_ =	sdelay $0x1  }
0xa1: {  	s23 =	simm.s32 $0x1B8B  }
0xa2: {  	_ =	swait.ge [sflag:s23], $0x1  }
0xa3: {  	[sflag:s23] =	ssyncset.done $0x0  }
0xa4: {  	s25 =	simm.s32 $0x1B8E;
	s24 =	sld [smem:$0x3FFE];
	[sflag:s23] =	ssyncadd.s32 $0xFFFFFFFF  }
0xa5: {  	s26 =	simm.s32 $execute0_lowered;
	[smem:$0x3FD2] =	sst s25  }
0xa6: {  	s5 =	sshll.u32 s26, $0x1;
	_ =	strace $0x80000049;
	[dreg:$0x1] =	wrdreg $0xFFFFFFFF  }
0xa7: {  	s28 =	simm.s32 $_size_execute0_lowered;
	s3 =	sadd.s32 s3, s5;
	[dreg:$0x0] =	wrdreg $0x0  }
0xa8: {  	s5 =	sshll.u32 s28, $0x1;
	[dreg:$0x2] =	wrdreg s3  }
0xa9: {  	[dreg:$0x3] =	wrdreg s5  }
0xaa: {  	[dreg:$0x4] =	wrdreg $0xC0  }
0xab: {  	_ =	task [dreg:s7], $0x5FFFF  }
0xac: {  	[dreg:$0x1] =	wrdreg $0xFFFFFFFF  }
0xad: {  	[dreg:$0x0] =	wrdreg $0x60  }
0xae: {  	[dreg:$0x2] =	wrdreg s2  }
0xaf: {  	[dreg:$0x3] =	wrdreg s24  }
0xb0: {  	[dreg:$0x4] =	wrdreg $0x52000  }
0xb1: {  	[dreg:$0x5] =	wrdreg $0x9  }
0xb2: {  	_ =	task.clear_ibuf [dreg:s7], $0x6FFFF;
	_ =	strace $0x90000049  }
0xb3: {  	s29 =	simm.s32 $0x9;
	_ =	strace $0x8000004B  }
0xb4: {  	_ =	swait.ge [sflag:s29], $0x1  }
0xb5: {  	[sflag:s29] =	ssyncadd.s32 $0xFFFFFFFF  }
0xb6: {  	_ =	strace $0x9000004B  }
0xb7: {  	_ =	sfence  }
0xb8: {  	s30 =	sld [smem:$0x0];
	_ =	sdelay $0x2  }
0xb9: {  	s31 =	sshll.u32 s1, $0xD;
	s1 =	sshrl.u32 s1, $0x2  }
0xba: {  	s3 =	sand.u32 $0x4000, s31;
	s1 =	sadd.s32 s1, s30  }
0xbb: {  	s0 =	sor.u32 s3, s0;
	s1 =	sshll.u32 s1, $0x11  }
0xbc: {  	s0 =	sor.u32 s1, s0  }
0xbd: {  	s0 =	sadd.s32 $0x8F2B, s0  }
0xbe: {  	[sflag:s0] =	ssyncadd.remote.s32 $0x1  }
0xbf: {  	_ =	sfence.sel $0xFFFF  }
0xc0: {  	[dreg:$0x0] =	wrdreg $0xFFFFFFFF;
	(pc) =	sbr.abs _section_cstart, $3  }
0xc1: {  	[dreg:$0x1] =	wrdreg $0xFFFFFFFF  }
0xc2: {  	_ =	task.clear_ibuf [dreg:s7], $0x2FFFF;
	_ =	strace $0x9FFFFFFF  }
0xc3: {  	(tm) =	ssettm $0x7FFFFFFF  }
tec
execute0_lowered:
.L_overlay_start_1:
0x0: {  	(tag) =	ssettag $0x1  }
0x1: {  	s1 =	rddreg [dreg:$0x0]  }
0x2: {  	s0 =	rddreg [dreg:$0x1]  }
0x3: {  	s2 =	rddreg [dreg:$0x2]  }
0x4: {  	s3 =	srdreg.scid;
	s4 =	simm.s32 $0x0;
	s13 =	stileid.u32  }
0x5: {  	s29 =	simm.s32 $0x200;
	s30 =	simm.s32 $0x5;
	s11 =	smul.u32 $0x14000, s13  }
0x6: {  	s31 =	simm.s32 $0x80;
	s3 =	sand.u32 $0x1, s3;
	s12 =	smul.u32 $0x50000, s13  }
0x7: {  	[smem:$0x7FF] =	sst s4;
	s6 =	sadd.s32 $0xCC00, s0;
	s20 =	smul.u32 $0x2710, s13  }
0x8: {  	p0 =	seq.s32 s13, $0xF;
	s5 =	sshll.u32 s3, $0x4;
	s9 =	smul.u32 $0x138800, s3  }
0x9: {  	_ =	strace $0x8000004A;
	s8 =	ssub.s32 $0x2, s3;
	s3 =	smul.u32 $0x27100, s3  }
0xa: {  	s5 =	sor.u32 s13, s5;
	s10 =	sshrl.u32 s8, $0x1;
	s19 =	sshrl.u32 s12, $0x2  }
0xb: {  	s13 =	simm.s32 $0x4;
	s7 =	smul.u32 $0x2710, s5;
	s5 =	sadd.s32 $0x2E00, s0  }
0xc: {  	s0 =	sadd.s32 $0x16A00, s0;
	s8 =	ssub.s32 s8, s10;
	s17 =	sadd.s32 s11, s9  }
0xd: {  	s9 =	sshrl.u32 s9, $0x3;
	s12 =	sadd.s32 s19, s2;
	s8 =	smax.u32 s8, $0x1  }
0xe: {  	s3 =	sadd.s32 s20, s3;
	s21 =	sadd.s32 $0x2800, s12;
	[dreg:$0xa] =	wrdreg s8  }
0xf: {  	s10 =	sshrl.u32 s17, $0x3;
	s22 =	sadd.s32 $0x5000, s12;
	[dreg:$0xb] =	wrdreg s21  }
0x10: {  	s23 =	sadd.s32 $0x7800, s12;
	s24 =	sadd.s32 $0xA000, s12;
	[dreg:$0xc] =	wrdreg s22  }
0x11: {  	s25 =	sadd.s32 $0xF0, s3;
	s26 =	sadd.s32 $0xC800, s12;
	[dreg:$0xd] =	wrdreg s23  }
0x12: {  	s28 =	sadd.s32 $0x11800, s12;
	s7 =	sshrl.u32 s7, $0x3;
	[dreg:$0xe] =	wrdreg s24  }
0x13: {  	s10 =	sadd.s32 s0, s10;
	s0 =	sadd.s32 s0, s9;
	[dreg:$0xf] =	wrdreg s26  }
0x14: {  	s8 =	sshrl.u32 s25, $0x3;
	s24 =	sadd.s32 $0xA0, s3;
	s26 =	sadd.s32 $0xF000, s12  }
0x15: {  	s3 =	simm.s32 $0x180;
	s9 =	simm.s32 $0x1;
	s15 =	sadd.s32 s5, s7  }
0x16: {  	s16 =	sadd.s32 s6, s7;
	s18 =	sadd.s32 $0xA, s7;
	[dreg:$0x8] =	wrdreg s10  }
0x17: {  	s0 =	sadd.s32 $0x25800, s0;
	s7 =	sadd.s32 $0x4D8, s7;
	s22 =	sadd.s32 s8, s6  }
0x18: {  	s23 =	sadd.s32 s8, s5;
	s8 =	simm.s32 $0x2A00;
	[dreg:$0x4] =	wrdreg s15  }
0x19: {  	s10 =	simm.s32 $0x3;
	[dreg:$0x5] =	wrdreg s16;
	s14 =	sadd.s32 s5, s18  }
0x1a: {  	s11 =	sadd.s32 s6, s18;
	[dreg:$0x9] =	wrdreg s0;
	s0 =	sadd.s32 $0x12C000, s2  }
0x1b: {  	s20 =	sadd.s32 s5, s7;
	s21 =	sadd.s32 s6, s7;
	[dreg:$0x6] =	wrdreg s14  }
0x1c: {  	s7 =	simm.s32 $0x50;
	[dreg:$0x7] =	wrdreg s11;
	s25 =	sshrl.u32 @p0 s0, $0x3  }
0x1d: {  	v0 =	vimm.f32 $0.0e+00;
	s0 =	simm.s32 $0x100;
	s11 =	simm.s32 $0x2;
	s14 =	simm.s32 $0x0  }
.LBB2_1:
0x1e: {  	s15 =	simm.s32 $0x0;
	s16 =	simm.s32 $0x200  }
.LBB2_2:
0x1f: {  	p1 =	sne.s32 s16, $0x9E00;
	[tilespmem:s15+$0x270] =	vst v0  }
0x20: {  	[tilespmem:s15+$0x200] =	vst v0  }
0x21: {  	[tilespmem:s15+$0x210] =	vst v0  }
.Ltmp0:
0x22: {  	[tilespmem:s15+$0x220] =	vst v0;
	(pc) =	sbr.rel @p1 .LBB2_2-.Ltmp0, $4  }
0x23: {  	[tilespmem:s15+$0x230] =	vst v0  }
0x24: {  	[tilespmem:s15+$0x240] =	vst v0  }
0x25: {  	[tilespmem:s15+$0x250] =	vst v0  }
0x26: {  	[tilespmem:s15+$0x260] =	vst v0;
	s15 =	sshra.s32 s16, $0x2;
	s16 =	sadd.s32 $0x200, s16  }
0x27: {  	[tilespmem:s15+$0x270] =	vst v0  }
0x28: {  	[tilespmem:s15+$0x200] =	vst v0  }
0x29: {  	[tilespmem:s15+$0x210] =	vst v0  }
0x2a: {  	[tilespmem:s15+$0x220] =	vst v0  }
0x2b: {  	[tilespmem:s15+$0x230] =	vst v0  }
0x2c: {  	[tilespmem:s15+$0x240] =	vst v0  }
0x2d: {  	[tilespmem:s15+$0x250] =	vst v0  }
0x2e: {  	[tilespmem:s15+$0x260] =	vst v0  }
0x2f: {  	[spmem:s12] =	stream.linear.scatter [tilespmem:s29], [sflag:$0x5], $0x2800, $0x38;
	[tilespmem:$0x19200] =	vst v63  }
0x30: {  	_ =	swait.ge [sflag:s30], $0x2800  }
0x31: {  	[sflag:s30] =	ssyncset.done $0x0  }
0x32: {  	s18 =	rddreg [dreg:$0xb];
	[sflag:s30] =	ssyncadd.s32 $0xFFFFD800  }
0x33: {  	[spmem:s18] =	stream.linear.scatter [tilespmem:s29], [sflag:$0x5], $0x2800, $0x38;
	[tilespmem:$0x19200] =	vst v63  }
0x34: {  	_ =	swait.ge [sflag:s30], $0x2800  }
0x35: {  	[sflag:s30] =	ssyncset.done $0x0  }
0x36: {  	s19 =	rddreg [dreg:$0xc];
	[sflag:s30] =	ssyncadd.s32 $0xFFFFD800  }
0x37: {  	[spmem:s19] =	stream.linear.scatter [tilespmem:s29], [sflag:$0x5], $0x2800, $0x38;
	[tilespmem:$0x19200] =	vst v63  }
0x38: {  	_ =	swait.ge [sflag:s30], $0x2800  }
0x39: {  	[sflag:s30] =	ssyncset.done $0x0  }
0x3a: {  	s16 =	rddreg [dreg:$0xd];
	[sflag:s30] =	ssyncadd.s32 $0xFFFFD800  }
0x3b: {  	[spmem:s16] =	stream.linear.scatter [tilespmem:s29], [sflag:$0x5], $0x2800, $0x38;
	[tilespmem:$0x19200] =	vst v63  }
0x3c: {  	_ =	swait.ge [sflag:s30], $0x2800  }
0x3d: {  	[sflag:s30] =	ssyncset.done $0x0  }
0x3e: {  	s17 =	rddreg [dreg:$0xe];
	[sflag:s30] =	ssyncadd.s32 $0xFFFFD800  }
0x3f: {  	[spmem:s17] =	stream.linear.scatter [tilespmem:s29], [sflag:$0x5], $0x2800, $0x38;
	[tilespmem:$0x19200] =	vst v63  }
0x40: {  	_ =	swait.ge [sflag:s30], $0x2800  }
0x41: {  	[sflag:s30] =	ssyncset.done $0x0  }
0x42: {  	s18 =	rddreg [dreg:$0xf];
	[sflag:s30] =	ssyncadd.s32 $0xFFFFD800  }
0x43: {  	[spmem:s18] =	stream.linear.scatter [tilespmem:s29], [sflag:$0x5], $0x2800, $0x38;
	[tilespmem:$0x19200] =	vst v63  }
0x44: {  	_ =	swait.ge [sflag:s30], $0x2800  }
0x45: {  	[sflag:s30] =	ssyncset.done $0x0  }
0x46: {  	[sflag:s30] =	ssyncadd.s32 $0xFFFFD800  }
0x47: {  	[spmem:s26] =	stream.linear.scatter [tilespmem:s29], [sflag:$0x5], $0x2800, $0x38;
	[tilespmem:$0x19200] =	vst v63  }
0x48: {  	_ =	swait.ge [sflag:s30], $0x2800  }
0x49: {  	[sflag:s30] =	ssyncset.done $0x0  }
0x4a: {  	[sflag:s30] =	ssyncadd.s32 $0xFFFFD800  }
0x4b: {  	[spmem:s28] =	stream.linear.scatter [tilespmem:s29], [sflag:$0x5], $0x2800, $0x38;
	[tilespmem:$0x19200] =	vst v63  }
0x4c: {  	_ =	swait.ge [sflag:s30], $0x2800  }
0x4d: {  	[sflag:s30] =	ssyncset.done $0x0  }
0x4e: {  	[sflag:s30] =	ssyncadd.s32 $0xFFFFD800  }
0x4f: {  	[bflag:$0x0] =	sbarrier.arrive $0xFFFF  }
0x50: {  	s15 =	simm.s32 $0x0;
	s16 =	rddreg [dreg:$0x4]  }
0x51: {  	[tilespmem:s15], [sflag:$0x5] =	stream.linear.gather [hbm4b:s16+s15], $0x50, $0x38;
	[tilespmem:$0x19200] =	vst v63  }
0x52: {  	_ =	swait.ge [sflag:s30], $0x50  }
0x53: {  	[sflag:s30] =	ssyncset.done $0x0  }
0x54: {  	s19 =	rddreg [dreg:$0x5];
	[sflag:s30] =	ssyncadd.s32 $0xFFFFFFB0  }
0x55: {  	[tilespmem:s31], [sflag:$0x5] =	stream.linear.gather [hbm4b:s19+s15], $0x50, $0x38;
	[tilespmem:$0x19200] =	vst v63  }
0x56: {  	_ =	swait.ge [sflag:s30], $0x50  }
0x57: {  	[sflag:s30] =	ssyncset.done $0x0  }
0x58: {  	s17 =	rddreg [dreg:$0x6];
	[sflag:s30] =	ssyncadd.s32 $0xFFFFFFB0  }
0x59: {  	[tilespmem:s0], [sflag:$0x5] =	stream.linear.gather [hbm4b:s17+s15], $0x50, $0x38;
	[tilespmem:$0x19200] =	vst v63  }
0x5a: {  	_ =	swait.ge [sflag:s30], $0x50  }
0x5b: {  	[sflag:s30] =	ssyncset.done $0x0  }
0x5c: {  	s18 =	rddreg [dreg:$0x7];
	[sflag:s30] =	ssyncadd.s32 $0xFFFFFFB0  }
0x5d: {  	[tilespmem:s3], [sflag:$0x5] =	stream.linear.gather [hbm4b:s18+s15], $0x50, $0x38;
	[tilespmem:$0x19200] =	vst v63  }
0x5e: {  	_ =	swait.ge [sflag:s30], $0x50  }
0x5f: {  	[sflag:s30] =	ssyncset.done $0x0  }
0x60: {  	[sflag:s30] =	ssyncadd.s32 $0xFFFFFFB0  }
0x61: {  	[tilespmem:s29], [sflag:$0x1] =	stream.indirect.gather [hbm4b:s1+s7], $0x80, s15, s7, $0xb8;
	[tilespmem:$0x19200] =	vst v63  }
0x62: {  	_ = 	snop  }
0x63: {  	[tilespmem:s8], [sflag:$0x2] =	stream.indirect.gather [hbm4b:s1+s7], $0x80, s0, s7, $0xb8;
	[tilespmem:$0x19200] =	vst v63  }
0x64: {  	_ =	swait.ge [sflag:s9], $0x2800  }
0x65: {  	[sflag:s9] =	ssyncset.done $0x0  }
0x66: {  	[sflag:s9] =	ssyncadd.s32 $0xFFFFD800  }
0x67: {  	[spmem:s2] =	stream.indirect.scatter.add.f32 [tilespmem:s29], [sflag:$0x5], $0x80, s31, s7, $0xb8;
	[tilespmem:$0x19200] =	vst v63  }
0x68: {  	_ =	swait.ge [sflag:s30], $0x2800  }
0x69: {  	s19 =	sshrl.u32 s24, $0x3;
	[sflag:s30] =	ssyncset.done $0x0  }
0x6a: {  	s17 =	sadd.s32 s5, s19;
	[sflag:s30] =	ssyncadd.s32 $0xFFFFD800  }
0x6b: {  	[tilespmem:s4], [sflag:$0x3] =	stream.linear.gather [hbm4b:s17+s4], $0x50, $0x38;
	[tilespmem:$0x19200] =	vst v63  }
0x6c: {  	s15 =	sadd.s32 s6, s19  }
0x6d: {  	[tilespmem:s31], [sflag:$0x3] =	stream.linear.gather [hbm4b:s15+s4], $0x50, $0x38;
	[tilespmem:$0x19200] =	vst v63  }
0x6e: {  	_ =	swait.ge [sflag:s10], $0x50  }
0x6f: {  	[sflag:s10] =	ssyncset.done $0x0  }
0x70: {  	[sflag:s10] =	ssyncadd.s32 $0xFFFFFFB0  }
0x71: {  	_ =	swait.ge [sflag:s10], $0x50  }
0x72: {  	[sflag:s10] =	ssyncset.done $0x0  }
0x73: {  	[sflag:s10] =	ssyncadd.s32 $0xFFFFFFB0  }
0x74: {  	[tilespmem:s29], [sflag:$0x1] =	stream.indirect.gather [hbm4b:s1+s7], $0x80, s4, s7, $0xb8;
	[tilespmem:$0x19200] =	vst v63  }
0x75: {  	_ =	swait.ge [sflag:s11], $0x2800  }
0x76: {  	[sflag:s11] =	ssyncset.done $0x0  }
0x77: {  	[sflag:s11] =	ssyncadd.s32 $0xFFFFD800  }
0x78: {  	[spmem:s2] =	stream.indirect.scatter.add.f32 [tilespmem:s8], [sflag:$0x5], $0x80, s3, s7, $0xb8;
	[tilespmem:$0x19200] =	vst v63  }
0x79: {  	_ =	swait.ge [sflag:s30], $0x2800  }
0x7a: {  	[sflag:s30] =	ssyncset.done $0x0  }
0x7b: {  	s18 =	sadd.s32 $0x0, s23;
	[sflag:s30] =	ssyncadd.s32 $0xFFFFD800  }
0x7c: {  	[tilespmem:s0], [sflag:$0x4] =	stream.linear.gather [hbm4b:s18+s4], $0x50, $0x38;
	[tilespmem:$0x19200] =	vst v63  }
0x7d: {  	s19 =	sadd.s32 $0x0, s22  }
0x7e: {  	[tilespmem:s3], [sflag:$0x4] =	stream.linear.gather [hbm4b:s19+s4], $0x50, $0x38;
	[tilespmem:$0x19200] =	vst v63  }
0x7f: {  	_ =	swait.ge [sflag:s13], $0x50  }
0x80: {  	[sflag:s13] =	ssyncset.done $0x0  }
0x81: {  	[sflag:s13] =	ssyncadd.s32 $0xFFFFFFB0  }
0x82: {  	_ =	swait.ge [sflag:s13], $0x50  }
0x83: {  	[sflag:s13] =	ssyncset.done $0x0  }
0x84: {  	s16 =	sadd.s32 $0xA0, s24;
	s15 =	simm.s32 $0x14;
	[sflag:s13] =	ssyncadd.s32 $0xFFFFFFB0  }
.LBB2_4:
0x85: {  	[tilespmem:s8], [sflag:$0x2] =	stream.indirect.gather [hbm4b:s1+s7], $0x80, s0, s7, $0xb8;
	[tilespmem:$0x19200] =	vst v63  }
0x86: {  	s17 =	smov.u32 s15  }
0x87: {  	p1 =	sne.s32 s15, $0x4B0;
	s15 =	sadd.s32 $0x14, s15;
	_ =	swait.ge [sflag:s9], $0x2800  }
0x88: {  	[sflag:s9] =	ssyncset.done $0x0  }
0x89: {  	[sflag:s9] =	ssyncadd.s32 $0xFFFFD800  }
0x8a: {  	[spmem:s2] =	stream.indirect.scatter.add.f32 [tilespmem:s29], [sflag:$0x5], $0x80, s31, s7, $0xb8;
	[tilespmem:$0x19200] =	vst v63  }
0x8b: {  	_ =	swait.ge [sflag:s30], $0x2800  }
0x8c: {  	s18 =	sshrl.u32 s16, $0x3;
	[sflag:s30] =	ssyncset.done $0x0  }
0x8d: {  	s19 =	sadd.s32 s5, s18;
	[sflag:s30] =	ssyncadd.s32 $0xFFFFD800  }
0x8e: {  	[tilespmem:s4], [sflag:$0x3] =	stream.linear.gather [hbm4b:s19+s4], $0x50, $0x38;
	[tilespmem:$0x19200] =	vst v63  }
0x8f: {  	s18 =	sadd.s32 s6, s18  }
0x90: {  	[tilespmem:s31], [sflag:$0x3] =	stream.linear.gather [hbm4b:s18+s4], $0x50, $0x38;
	[tilespmem:$0x19200] =	vst v63  }
0x91: {  	_ =	swait.ge [sflag:s10], $0x50  }
0x92: {  	[sflag:s10] =	ssyncset.done $0x0  }
0x93: {  	[sflag:s10] =	ssyncadd.s32 $0xFFFFFFB0  }
0x94: {  	_ =	swait.ge [sflag:s10], $0x50  }
0x95: {  	[sflag:s10] =	ssyncset.done $0x0  }
0x96: {  	[sflag:s10] =	ssyncadd.s32 $0xFFFFFFB0  }
0x97: {  	[tilespmem:s29], [sflag:$0x1] =	stream.indirect.gather [hbm4b:s1+s7], $0x80, s4, s7, $0xb8;
	[tilespmem:$0x19200] =	vst v63  }
0x98: {  	_ =	swait.ge [sflag:s11], $0x2800  }
0x99: {  	[sflag:s11] =	ssyncset.done $0x0  }
0x9a: {  	[sflag:s11] =	ssyncadd.s32 $0xFFFFD800  }
0x9b: {  	[spmem:s2] =	stream.indirect.scatter.add.f32 [tilespmem:s8], [sflag:$0x5], $0x80, s3, s7, $0xb8;
	[tilespmem:$0x19200] =	vst v63  }
0x9c: {  	_ =	swait.ge [sflag:s30], $0x2800  }
0x9d: {  	[sflag:s30] =	ssyncset.done $0x0  }
0x9e: {  	s18 =	sadd.s32 s17, s23;
	[sflag:s30] =	ssyncadd.s32 $0xFFFFD800  }
0x9f: {  	[tilespmem:s0], [sflag:$0x4] =	stream.linear.gather [hbm4b:s18+s4], $0x50, $0x38;
	[tilespmem:$0x19200] =	vst v63  }
0xa0: {  	s17 =	sadd.s32 s17, s22  }
0xa1: {  	[tilespmem:s3], [sflag:$0x4] =	stream.linear.gather [hbm4b:s17+s4], $0x50, $0x38;
	[tilespmem:$0x19200] =	vst v63  }
0xa2: {  	_ =	swait.ge [sflag:s13], $0x50  }
.Ltmp1:
0xa3: {  	[sflag:s13] =	ssyncset.done $0x0;
	(pc) =	sbr.rel @p1 .LBB2_4-.Ltmp1, $4  }
0xa4: {  	[sflag:s13] =	ssyncadd.s32 $0xFFFFFFB0  }
0xa5: {  	_ =	swait.ge [sflag:s13], $0x50  }
0xa6: {  	[sflag:s13] =	ssyncset.done $0x0  }
0xa7: {  	s16 =	sadd.s32 $0xA0, s16;
	[sflag:s13] =	ssyncadd.s32 $0xFFFFFFB0  }
0xa8: {  	[tilespmem:s8], [sflag:$0x2] =	stream.indirect.gather [hbm4b:s1+s7], $0x80, s0, s7, $0xb8;
	[tilespmem:$0x19200] =	vst v63  }
0xa9: {  	_ =	swait.ge [sflag:s9], $0x2800  }
0xaa: {  	[sflag:s9] =	ssyncset.done $0x0  }
0xab: {  	[sflag:s9] =	ssyncadd.s32 $0xFFFFD800  }
0xac: {  	[spmem:s2] =	stream.indirect.scatter.add.f32 [tilespmem:s29], [sflag:$0x5], $0x80, s31, s7, $0xb8;
	[tilespmem:$0x19200] =	vst v63  }
0xad: {  	_ =	swait.ge [sflag:s30], $0x2800  }
0xae: {  	[sflag:s30] =	ssyncset.done $0x0  }
0xaf: {  	[sflag:s30] =	ssyncadd.s32 $0xFFFFD800  }
0xb0: {  	[tilespmem:s4], [sflag:$0x3] =	stream.linear.gather [hbm4b:s20+s4], $0x50, $0x38;
	[tilespmem:$0x19200] =	vst v63  }
0xb1: {  	_ = 	snop  }
0xb2: {  	[tilespmem:s31], [sflag:$0x3] =	stream.linear.gather [hbm4b:s21+s4], $0x50, $0x38;
	[tilespmem:$0x19200] =	vst v63  }
0xb3: {  	_ =	swait.ge [sflag:s10], $0x50  }
0xb4: {  	[sflag:s10] =	ssyncset.done $0x0  }
0xb5: {  	[sflag:s10] =	ssyncadd.s32 $0xFFFFFFB0  }
0xb6: {  	_ =	swait.ge [sflag:s10], $0x50  }
0xb7: {  	[sflag:s10] =	ssyncset.done $0x0  }
0xb8: {  	[sflag:s10] =	ssyncadd.s32 $0xFFFFFFB0  }
0xb9: {  	[tilespmem:s29], [sflag:$0x1] =	stream.indirect.gather [hbm4b:s1+s7], $0x80, s4, s7, $0xb8;
	[tilespmem:$0x19200] =	vst v63  }
0xba: {  	_ =	swait.ge [sflag:s11], $0x2800  }
0xbb: {  	[sflag:s11] =	ssyncset.done $0x0  }
0xbc: {  	[sflag:s11] =	ssyncadd.s32 $0xFFFFD800  }
0xbd: {  	[spmem:s2] =	stream.indirect.scatter.add.f32 [tilespmem:s8], [sflag:$0x5], $0x80, s3, s7, $0xb8;
	[tilespmem:$0x19200] =	vst v63  }
0xbe: {  	_ =	swait.ge [sflag:s30], $0x2800  }
0xbf: {  	[sflag:s30] =	ssyncset.done $0x0  }
0xc0: {  	[sflag:s30] =	ssyncadd.s32 $0xFFFFD800  }
0xc1: {  	_ =	swait.ge [sflag:s9], $0x2800  }
0xc2: {  	[sflag:s9] =	ssyncset.done $0x0  }
0xc3: {  	[sflag:s9] =	ssyncadd.s32 $0xFFFFD800  }
0xc4: {  	[spmem:s2] =	stream.indirect.scatter.add.f32 [tilespmem:s29], [sflag:$0x5], $0x80, s31, s7, $0xb8;
	[tilespmem:$0x19200] =	vst v63  }
0xc5: {  	_ =	swait.ge [sflag:s30], $0x2800  }
0xc6: {  	[sflag:s30] =	ssyncset.done $0x0  }
0xc7: {  	[sflag:s30] =	ssyncadd.s32 $0xFFFFD800  }
0xc8: {  	[bflag:$0x0] =	sbarrier.arrive $0xFFFF  }
0xc9: {  	s15 =	simm.s32 @p0 $0x1FC5;
	s16 =	rddreg [dreg:$0x9]  }
0xca: {  	[hbm:s16], [sflag:s15] =	dma.local @p0 [spmem:s25], $0x1900  }
0xcb: {  	s15 =	simm.s32 @p0 $0x5  }
0xcc: {  	s16 =	stileid.u32;
	_ =	swait.ge @p0 [sflag:s15], $0x1900  }
0xcd: {  	s16 =	sshll.u32 @!p0 s16, $0x6;
	[sflag:s15] =	ssyncset.done @p0 $0x0;
	s17 =	rddreg [dreg:$0x8]  }
0xce: {  	[sflag:s15] =	ssyncadd.s32 @p0 $0xFFFFE700;
	s15 =	sor.u32 @!p0 $0x1C05, s16;
	s16 =	sshrl.u32 @!p0 s12, $0x3  }
0xcf: {  	[hbm:s17], [sflag:s15] =	dma.local @!p0 [spmem:s16], $0x2800  }
0xd0: {  	s15 =	simm.s32 @!p0 $0x5  }
0xd1: {  	_ =	swait.ge @!p0 [sflag:s15], $0x2800  }
0xd2: {  	s14 =	sadd.s32 $0x1, s14;
	s19 =	rddreg [dreg:$0xa]  }
0xd3: {  	p1 =	sne.s32 s14, s19  }
.Ltmp2:
0xd4: {  	_ = 	snop;
	(pc) =	sbr.rel @p1 .LBB2_1-.Ltmp2, $3  }
0xd5: {  	_ =	sdelay $0x1  }
0xd6: {  	[sflag:s15] =	ssyncset.done @!p0 $0x0  }
0xd7: {  	[sflag:s15] =	ssyncadd.s32 @!p0 $0xFFFFD800  }
0xd8: {  	_ =	sfence.sel $0x180000  }
0xd9: {  	[bflag:$0x0] =	sbarrier.arrive $0xFFFF  }
0xda: {  	_ =	strace $0x9000004A  }
0xdb: {  	s0 =	stileid.u32;
	[bflag:$0x2] =	sbarrier.arrive $0xFFFF  }
0xdc: {  	p0 =	sne.s32 s0, $0x0;
	s0 =	rddreg [dreg:$0x3]  }
0xdd: {  	s0 =	sadd.s32 @!p0 $0x100000, s0  }
0xde: {  	[sflag:s0] =	ssyncadd.tile.s32 @!p0 $0x1;
	_ =	shalt  }
.Lfunc_end2:
_tile_overlayer_lowered:
.L_overlay_start_2:
0xdf: {  	(tag) =	ssettag $0x2  }
0xe0: {  	s0 =	rddreg [dreg:$0x0];
	s2 =	stileid.u32  }
0xe1: {  	s1 =	rddreg [dreg:$0x1];
	p0 =	sne.s32 s2, $0x0  }
0xe2: {  	s3 =	rddreg [dreg:$0x2];
	[bflag:$0x3] =	sbarrier.arrive $0xFFFF;
	s2 =	simm.s32 @!p0 $0x1C05  }
0xe3: {  	[timem:s3], [sflag:s2] =	dma.local @!p0 [hbm:s0], s1  }
0xe4: {  	s0 =	simm.s32 @!p0 $0x5  }
0xe5: {  	_ =	swait.ge @!p0 [sflag:s0], s1  }
0xe6: {  	s1 =	ssub.s32 @!p0 $0x0, s1;
	[sflag:s0] =	ssyncset.done @!p0 $0x0  }
0xe7: {  	[sflag:s0] =	ssyncadd.s32 @!p0 s1  }
0xe8: {  	[bflag:$0x3] =	sbarrier.arrive $0xFFFF  }
0xe9: {  	_ =	shalt  }

// kernel: kernel.16.cloned.1.call-start
scs
__scs_entry_jumppad:
0x0: {  	(pc) =	sbr.rel $0x88, $3  }
0x1: {  	(tag) =	ssettag $0x0;
	lr =	simm.s32 $0x1  }
0x2: {  	[smem:$0x3F99] =	sst lr;
	_ =	strace $0xD0000000  }
0x3: {  	_ = 	snop  }
0x4: {  	_ = 	snop  }
0x5: {  	_ = 	snop  }
0x6: {  	_ = 	snop  }
0x7: {  	_ = 	snop  }
__scs_overlays_trampoline_lowered:
0x8: {  	[smem:$0x3FA8] =	sst s0  }
0x9: {  	[smem:$0x3FA9] =	sst s1  }
0xa: {  	[smem:$0x3FAA] =	sst s2  }
0xb: {  	[smem:$0x3FAB] =	sst s3  }
0xc: {  	[smem:$0x3FAC] =	sst s4  }
0xd: {  	[smem:$0x3FAD] =	sst s5  }
0xe: {  	[smem:$0x3FAE] =	sst s6  }
0xf: {  	[smem:$0x3FAF] =	sst s7  }
0x10: {  	[smem:$0x3FB0] =	sst s8  }
0x11: {  	[smem:$0x3FB1] =	sst s9;
	s0 =	simm.s32 @!p0 $0x0  }
0x12: {  	s1 =	sld [smem:$0x3F97];
	s0 =	simm.s32 @p0 $0x1  }
0x13: {  	[smem:$0x3FB2] =	sst s0;
	s0 =	simm.s32 @!p1 $0x0  }
0x14: {  	s2 =	sld [smem:$0x3F96];
	s0 =	simm.s32 @p1 $0x1  }
0x15: {  	[smem:$0x3FB3] =	sst s0;
	s0 =	simm.s32 @!p2 $0x0  }
0x16: {  	s3 =	sld [smem:$0x3FDB];
	s0 =	simm.s32 @p2 $0x1  }
0x17: {  	s4 =	simm.s32 $0x1BF5;
	[smem:$0x3FB5] =	sst s0  }
0x18: {  	s0 =	sld [smem:$0x3F98];
	_ =	swait.ge [sflag:s4], $0x0  }
0x19: {  	s7 =	sld [smem:$0x3F99]  }
0x1a: {  	s8 =	sadd.s32 $0xFFFFE003, lr  }
0x1b: {  	s9 =	sadd.s32 $0xFFFFFEF7, lr;
	s5 =	simm.s32 $0xFFFFFFFF;
	p2 =	slt.u32 s8, $0xFFFFF086  }
0x1c: {  	p1 =	slt.u32 s9, $0xF7A;
	s5 =	simm.s32 @!p2 $0x0  }
0x1d: {  	s5 =	simm.s32 @p1 $0x1;
	p0 =	seq.s32 s7, s2  }
0x1e: {  	s7 =	smul.u32 @!p0 $0xF7A, s2;
	p2 =	seq.s32 @!p0 s5, $0x0  }
0x1f: {  	s9 =	smul.u32 $0xF7A, s1;
	s8 =	simm.s32 @!p0 $0x1BF5;
	p2 =	por !p2, p0  }
0x20: {  	[sflag:s8] =	ssyncset.s32 @!p0 $0xFFFFF086;
	s6 =	sadd.s32 @!p0 s3, s7;
	s7 =	simm.s32 @!p0 $0x108  }
0x21: {  	s3 =	sadd.s32 s3, s9;
	s6 =	sadd.s32 @!p0 $0x88, s6;
	s7 =	simm.s32 @p2 $0x1082  }
0x22: {  	[simem:s7], [sflag:s8] =	dma.local @!p0 [hbm:s6], $0xF7A  }
0x23: {  	s9 =	sor.u32 $0xD0000000, s2;
	s6 =	simm.s32 $0x108;
	_ =	swait.ge @!p0 [sflag:s8], $0x0  }
0x24: {  	s3 =	sadd.s32 $0x88, s3;
	s6 =	simm.s32 @!p1 $0x1082;
	[sflag:s4] =	ssyncset.s32 $0xFFFFF086  }
0x25: {  	[simem:s6], [sflag:s4] =	dma.local [hbm:s3], $0xF7A  }
0x26: {  	[smem:$0x3F99] =	sst s1;
	(tag) =	ssettag s2;
	_ =	strace s9  }
0x27: {  	s1 =	sld [smem:$0x3FA9]  }
0x28: {  	s2 =	sld [smem:$0x3FAA]  }
0x29: {  	s4 =	sld [smem:$0x3FAC]  }
0x2a: {  	p0 =	seq.s32 s5, $0x0;
	s5 =	sld [smem:$0x3FAD]  }
0x2b: {  	s6 =	sld [smem:$0x3FAE]  }
0x2c: {  	s7 =	sld [smem:$0x3FAF]  }
0x2d: {  	s3 =	simm.s32 $0x108;
	s8 =	sld [smem:$0x3FB0]  }
0x2e: {  	s3 =	simm.s32 @!p0 $0x1082;
	s9 =	sld [smem:$0x3FB1]  }
0x2f: {  	lr =	sadd.s32 s0, s3;
	s0 =	sld [smem:$0x3FA8]  }
0x30: {  	s3 =	sld [smem:$0x3FAB]  }
0x31: {  	[smem:$0x3FB4] =	sst s10  }
0x32: {  	s10 =	sld [smem:$0x3FB2];
	_ =	sdelay $0x3  }
0x33: {  	p0 =	seq.s32 s10, $0x1;
	s10 =	sld [smem:$0x3FB4];
	_ =	sdelay $0x3  }
0x34: {  	[smem:$0x3FB4] =	sst s10  }
0x35: {  	s10 =	sld [smem:$0x3FB3];
	_ =	sdelay $0x3  }
0x36: {  	p1 =	seq.s32 s10, $0x1;
	s10 =	sld [smem:$0x3FB4];
	_ =	sdelay $0x3  }
0x37: {  	[smem:$0x3FB4] =	sst s10  }
0x38: {  	s10 =	sld [smem:$0x3FB5]  }
0x39: {  	_ = 	snop;
	(pc) =	sbr.ind lr, $3  }
0x3a: {  	_ = 	snop  }
0x3b: {  	_ = 	snop  }
0x3c: {  	p2 =	seq.s32 s10, $0x1;
	s10 =	sld [smem:$0x3FB4]  }
0x3d: {  	_ =	shalt  }
0x3e: {  	_ =	shalt  }
0x3f: {  	_ =	shalt  }
0x40: {  	_ =	shalt  }
0x41: {  	_ =	shalt  }
0x42: {  	_ =	shalt  }
0x43: {  	_ =	shalt  }
0x44: {  	_ =	shalt  }
0x45: {  	_ =	shalt  }
0x46: {  	_ =	shalt  }
0x47: {  	_ =	shalt  }
0x48: {  	_ =	shalt  }
0x49: {  	_ =	shalt  }
0x4a: {  	_ =	shalt  }
0x4b: {  	_ =	shalt  }
0x4c: {  	_ =	shalt  }
0x4d: {  	_ =	shalt  }
0x4e: {  	_ =	shalt  }
0x4f: {  	_ =	shalt  }
0x50: {  	_ =	shalt  }
0x51: {  	_ =	shalt  }
0x52: {  	_ =	shalt  }
0x53: {  	_ =	shalt  }
0x54: {  	_ =	shalt  }
0x55: {  	_ =	shalt  }
0x56: {  	_ =	shalt  }
0x57: {  	_ =	shalt  }
0x58: {  	_ =	shalt  }
0x59: {  	_ =	shalt  }
0x5a: {  	_ =	shalt  }
0x5b: {  	_ =	shalt  }
0x5c: {  	_ =	shalt  }
0x5d: {  	_ =	shalt  }
0x5e: {  	_ =	shalt  }
0x5f: {  	_ =	shalt  }
0x60: {  	_ =	shalt  }
0x61: {  	_ =	shalt  }
0x62: {  	_ =	shalt  }
0x63: {  	_ =	shalt  }
0x64: {  	_ =	shalt  }
0x65: {  	_ =	shalt  }
0x66: {  	_ =	shalt  }
0x67: {  	_ =	shalt  }
0x68: {  	_ =	shalt  }
0x69: {  	_ =	shalt  }
0x6a: {  	_ =	shalt  }
0x6b: {  	_ =	shalt  }
0x6c: {  	_ =	shalt  }
0x6d: {  	_ =	shalt  }
0x6e: {  	_ =	shalt  }
0x6f: {  	_ =	shalt  }
0x70: {  	_ =	shalt  }
0x71: {  	_ =	shalt  }
0x72: {  	_ =	shalt  }
0x73: {  	_ =	shalt  }
0x74: {  	_ =	shalt  }
0x75: {  	_ =	shalt  }
0x76: {  	_ =	shalt  }
0x77: {  	_ =	shalt  }
0x78: {  	_ =	shalt  }
0x79: {  	_ =	shalt  }
0x7a: {  	_ =	shalt  }
0x7b: {  	_ =	shalt  }
0x7c: {  	_ =	shalt  }
0x7d: {  	_ =	shalt  }
0x7e: {  	_ =	shalt  }
0x7f: {  	_ =	shalt  }
0x80: {  	_ =	shalt  }
0x81: {  	_ =	shalt  }
0x82: {  	_ =	shalt  }
0x83: {  	_ =	shalt  }
0x84: {  	_ =	shalt  }
0x85: {  	_ =	shalt  }
0x86: {  	_ =	shalt  }
0x87: {  	_ =	shalt  }
.Lfunc_end0:
.L_simem_size_0:
called_computation.2_lowered:
.L_overlay_start_0:
0x88: {  	s2 =	sld [smem:$0x3FD9]  }
0x89: {  	s3 =	sld [smem:$0x3FFE];
	_ =	sdelay $0x1  }
0x8a: {  	s1 =	srdreg.scid  }
0x8b: {  	s0 =	sand.u32 $0x1, s1  }
0x8c: {  	s17 =	sshll.u32 s0, $0xA;
	s2 =	sadd.s32 s3, s2  }
0x8d: {  	s2 =	sadd.s32 s2, s17  }
0x8e: {  	[smem:$0x3FC0] =	sst s2  }
0x8f: {  	_ = 	snop  }
0x90: {  	s2 =	sld [smem:$0x3FD0];
	(tm) =	ssettm $0x1  }
0x91: {  	s18 =	sld [smem:$0x3FFB];
	_ =	sdelay $0x3  }
0x92: {  	_ =	strace s18  }
0x93: {  	s3 =	sld [smem:$0x3FFC];
	_ =	sdelay $0x3  }
0x94: {  	_ =	strace s3  }
0x95: {  	s3 =	sld [smem:$0x3FFD];
	_ =	sdelay $0x3  }
0x96: {  	_ =	strace s3  }
0x97: {  	_ =	strace $0x8FFFFFFF  }
0x98: {  	s19 =	sld [smem:$0x3FDB];
	_ =	sdelay $0x1  }
0x99: {  	s4 =	simm.s32 $_scs_section_size  }
0x9a: {  	s5 =	simm.s32 $_size__tile_overlayer_lowered;
	s6 =	simm.s32 $_tile_overlayer_lowered  }
0x9b: {  	s22 =	simm.s32 $0x1BFF;
	s21 =	sshll.u32 s6, $0x1;
	s3 =	sadd.s32 s4, s19  }
0x9c: {  	s7 =	simm.s32 $0x0;
	s20 =	sshll.u32 s5, $0x1;
	s5 =	sadd.s32 s21, s3  }
0x9d: {  	[timem:s7], [sflag:s22] =	dma.local [hbm:s5], s20  }
0x9e: {  	_ =	swait.ge [sflag:s22], s20  }
0x9f: {  	s4 =	ssub.s32 $0x0, s20;
	[sflag:s22] =	ssyncset.done $0x0  }
0xa0: {  	[sflag:s22] =	ssyncadd.s32 s4;
	_ =	sdelay $0x1  }
0xa1: {  	s23 =	simm.s32 $0x1B8B  }
0xa2: {  	_ =	swait.ge [sflag:s23], $0x1  }
0xa3: {  	[sflag:s23] =	ssyncset.done $0x0  }
0xa4: {  	s25 =	simm.s32 $0x1B8E;
	s24 =	sld [smem:$0x3FFE];
	[sflag:s23] =	ssyncadd.s32 $0xFFFFFFFF  }
0xa5: {  	s26 =	simm.s32 $execute0_lowered;
	[smem:$0x3FD2] =	sst s25  }
0xa6: {  	s5 =	sshll.u32 s26, $0x1;
	_ =	strace $0x8000004C;
	[dreg:$0x1] =	wrdreg $0xFFFFFFFF  }
0xa7: {  	s28 =	simm.s32 $_size_execute0_lowered;
	s3 =	sadd.s32 s3, s5;
	[dreg:$0x0] =	wrdreg $0x0  }
0xa8: {  	s5 =	sshll.u32 s28, $0x1;
	[dreg:$0x2] =	wrdreg s3  }
0xa9: {  	[dreg:$0x3] =	wrdreg s5  }
0xaa: {  	[dreg:$0x4] =	wrdreg $0xC0  }
0xab: {  	_ =	task [dreg:s7], $0x5FFFF  }
0xac: {  	[dreg:$0x1] =	wrdreg $0xFFFFFFFF  }
0xad: {  	[dreg:$0x0] =	wrdreg $0x60  }
0xae: {  	[dreg:$0x2] =	wrdreg s2  }
0xaf: {  	[dreg:$0x3] =	wrdreg s24  }
0xb0: {  	[dreg:$0x4] =	wrdreg $0x52000  }
0xb1: {  	[dreg:$0x5] =	wrdreg $0x9  }
0xb2: {  	_ =	task.clear_ibuf [dreg:s7], $0x6FFFF;
	_ =	strace $0x9000004C  }
0xb3: {  	s29 =	simm.s32 $0x9;
	_ =	strace $0x8000004E  }
0xb4: {  	_ =	swait.ge [sflag:s29], $0x1  }
0xb5: {  	[sflag:s29] =	ssyncadd.s32 $0xFFFFFFFF  }
0xb6: {  	_ =	strace $0x9000004E  }
0xb7: {  	_ =	sfence  }
0xb8: {  	s30 =	sld [smem:$0x0];
	_ =	sdelay $0x2  }
0xb9: {  	s31 =	sshll.u32 s1, $0xD;
	s1 =	sshrl.u32 s1, $0x2  }
0xba: {  	s3 =	sand.u32 $0x4000, s31;
	s1 =	sadd.s32 s1, s30  }
0xbb: {  	s0 =	sor.u32 s3, s0;
	s1 =	sshll.u32 s1, $0x11  }
0xbc: {  	s0 =	sor.u32 s1, s0  }
0xbd: {  	s0 =	sadd.s32 $0x8F2B, s0  }
0xbe: {  	[sflag:s0] =	ssyncadd.remote.s32 $0x1  }
0xbf: {  	_ =	sfence.sel $0xFFFF  }
0xc0: {  	[dreg:$0x0] =	wrdreg $0xFFFFFFFF;
	(pc) =	sbr.abs _section_cstart, $3  }
0xc1: {  	[dreg:$0x1] =	wrdreg $0xFFFFFFFF  }
0xc2: {  	_ =	task.clear_ibuf [dreg:s7], $0x2FFFF;
	_ =	strace $0x9FFFFFFF  }
0xc3: {  	(tm) =	ssettm $0x7FFFFFFF  }
tec
execute0_lowered:
.L_overlay_start_1:
0x0: {  	(tag) =	ssettag $0x1  }
0x1: {  	s1 =	rddreg [dreg:$0x0]  }
0x2: {  	s0 =	rddreg [dreg:$0x1]  }
0x3: {  	s2 =	rddreg [dreg:$0x2]  }
0x4: {  	s3 =	srdreg.scid;
	s4 =	simm.s32 $0x0;
	s13 =	stileid.u32  }
0x5: {  	s29 =	simm.s32 $0x200;
	s30 =	simm.s32 $0x5;
	s11 =	smul.u32 $0x14000, s13  }
0x6: {  	s31 =	simm.s32 $0x80;
	s3 =	sand.u32 $0x1, s3;
	s12 =	smul.u32 $0x50000, s13  }
0x7: {  	[smem:$0x7FF] =	sst s4;
	s6 =	sadd.s32 $0xCC00, s0;
	s20 =	smul.u32 $0x2710, s13  }
0x8: {  	p0 =	seq.s32 s13, $0xF;
	s5 =	sshll.u32 s3, $0x4;
	s9 =	smul.u32 $0x138800, s3  }
0x9: {  	_ =	strace $0x8000004D;
	s8 =	ssub.s32 $0x2, s3;
	s3 =	smul.u32 $0x27100, s3  }
0xa: {  	s5 =	sor.u32 s13, s5;
	s10 =	sshrl.u32 s8, $0x1;
	s19 =	sshrl.u32 s12, $0x2  }
0xb: {  	s13 =	simm.s32 $0x4;
	s7 =	smul.u32 $0x2710, s5;
	s5 =	sadd.s32 $0x2E00, s0  }
0xc: {  	s0 =	sadd.s32 $0x16A00, s0;
	s8 =	ssub.s32 s8, s10;
	s17 =	sadd.s32 s11, s9  }
0xd: {  	s9 =	sshrl.u32 s9, $0x3;
	s12 =	sadd.s32 s19, s2;
	s8 =	smax.u32 s8, $0x1  }
0xe: {  	s3 =	sadd.s32 s20, s3;
	s21 =	sadd.s32 $0x2800, s12;
	[dreg:$0xa] =	wrdreg s8  }
0xf: {  	s10 =	sshrl.u32 s17, $0x3;
	s22 =	sadd.s32 $0x5000, s12;
	[dreg:$0xb] =	wrdreg s21  }
0x10: {  	s23 =	sadd.s32 $0x7800, s12;
	s24 =	sadd.s32 $0xA000, s12;
	[dreg:$0xc] =	wrdreg s22  }
0x11: {  	s25 =	sadd.s32 $0xF0, s3;
	s26 =	sadd.s32 $0xC800, s12;
	[dreg:$0xd] =	wrdreg s23  }
0x12: {  	s28 =	sadd.s32 $0x11800, s12;
	s7 =	sshrl.u32 s7, $0x3;
	[dreg:$0xe] =	wrdreg s24  }
0x13: {  	s10 =	sadd.s32 s0, s10;
	s0 =	sadd.s32 s0, s9;
	[dreg:$0xf] =	wrdreg s26  }
0x14: {  	s8 =	sshrl.u32 s25, $0x3;
	s24 =	sadd.s32 $0xA0, s3;
	s26 =	sadd.s32 $0xF000, s12  }
0x15: {  	s3 =	simm.s32 $0x180;
	s9 =	simm.s32 $0x1;
	s15 =	sadd.s32 s5, s7  }
0x16: {  	s16 =	sadd.s32 s6, s7;
	s18 =	sadd.s32 $0xA, s7;
	[dreg:$0x8] =	wrdreg s10  }
0x17: {  	s0 =	sadd.s32 $0x25800, s0;
	s7 =	sadd.s32 $0x4D8, s7;
	s22 =	sadd.s32 s8, s6  }
0x18: {  	s23 =	sadd.s32 s8, s5;
	s8 =	simm.s32 $0x2A00;
	[dreg:$0x4] =	wrdreg s15  }
0x19: {  	s10 =	simm.s32 $0x3;
	[dreg:$0x5] =	wrdreg s16;
	s14 =	sadd.s32 s5, s18  }
0x1a: {  	s11 =	sadd.s32 s6, s18;
	[dreg:$0x9] =	wrdreg s0;
	s0 =	sadd.s32 $0x12C000, s2  }
0x1b: {  	s20 =	sadd.s32 s5, s7;
	s21 =	sadd.s32 s6, s7;
	[dreg:$0x6] =	wrdreg s14  }
0x1c: {  	s7 =	simm.s32 $0x50;
	[dreg:$0x7] =	wrdreg s11;
	s25 =	sshrl.u32 @p0 s0, $0x3  }
0x1d: {  	v0 =	vimm.f32 $0.0e+00;
	s0 =	simm.s32 $0x100;
	s11 =	simm.s32 $0x2;
	s14 =	simm.s32 $0x0  }
.LBB2_1:
0x1e: {  	s15 =	simm.s32 $0x0;
	s16 =	simm.s32 $0x200  }
.LBB2_2:
0x1f: {  	p1 =	sne.s32 s16, $0x9E00;
	[tilespmem:s15+$0x270] =	vst v0  }
0x20: {  	[tilespmem:s15+$0x200] =	vst v0  }
0x21: {  	[tilespmem:s15+$0x210] =	vst v0  }
.Ltmp0:
0x22: {  	[tilespmem:s15+$0x220] =	vst v0;
	(pc) =	sbr.rel @p1 .LBB2_2-.Ltmp0, $4  }
0x23: {  	[tilespmem:s15+$0x230] =	vst v0  }
0x24: {  	[tilespmem:s15+$0x240] =	vst v0  }
0x25: {  	[tilespmem:s15+$0x250] =	vst v0  }
0x26: {  	[tilespmem:s15+$0x260] =	vst v0;
	s15 =	sshra.s32 s16, $0x2;
	s16 =	sadd.s32 $0x200, s16  }
0x27: {  	[tilespmem:s15+$0x270] =	vst v0  }
0x28: {  	[tilespmem:s15+$0x200] =	vst v0  }
0x29: {  	[tilespmem:s15+$0x210] =	vst v0  }
0x2a: {  	[tilespmem:s15+$0x220] =	vst v0  }
0x2b: {  	[tilespmem:s15+$0x230] =	vst v0  }
0x2c: {  	[tilespmem:s15+$0x240] =	vst v0  }
0x2d: {  	[tilespmem:s15+$0x250] =	vst v0  }
0x2e: {  	[tilespmem:s15+$0x260] =	vst v0  }
0x2f: {  	[spmem:s12] =	stream.linear.scatter [tilespmem:s29], [sflag:$0x5], $0x2800, $0x38;
	[tilespmem:$0x19200] =	vst v63  }
0x30: {  	_ =	swait.ge [sflag:s30], $0x2800  }
0x31: {  	[sflag:s30] =	ssyncset.done $0x0  }
0x32: {  	s18 =	rddreg [dreg:$0xb];
	[sflag:s30] =	ssyncadd.s32 $0xFFFFD800  }
0x33: {  	[spmem:s18] =	stream.linear.scatter [tilespmem:s29], [sflag:$0x5], $0x2800, $0x38;
	[tilespmem:$0x19200] =	vst v63  }
0x34: {  	_ =	swait.ge [sflag:s30], $0x2800  }
0x35: {  	[sflag:s30] =	ssyncset.done $0x0  }
0x36: {  	s19 =	rddreg [dreg:$0xc];
	[sflag:s30] =	ssyncadd.s32 $0xFFFFD800  }
0x37: {  	[spmem:s19] =	stream.linear.scatter [tilespmem:s29], [sflag:$0x5], $0x2800, $0x38;
	[tilespmem:$0x19200] =	vst v63  }
0x38: {  	_ =	swait.ge [sflag:s30], $0x2800  }
0x39: {  	[sflag:s30] =	ssyncset.done $0x0  }
0x3a: {  	s16 =	rddreg [dreg:$0xd];
	[sflag:s30] =	ssyncadd.s32 $0xFFFFD800  }
0x3b: {  	[spmem:s16] =	stream.linear.scatter [tilespmem:s29], [sflag:$0x5], $0x2800, $0x38;
	[tilespmem:$0x19200] =	vst v63  }
0x3c: {  	_ =	swait.ge [sflag:s30], $0x2800  }
0x3d: {  	[sflag:s30] =	ssyncset.done $0x0  }
0x3e: {  	s17 =	rddreg [dreg:$0xe];
	[sflag:s30] =	ssyncadd.s32 $0xFFFFD800  }
0x3f: {  	[spmem:s17] =	stream.linear.scatter [tilespmem:s29], [sflag:$0x5], $0x2800, $0x38;
	[tilespmem:$0x19200] =	vst v63  }
0x40: {  	_ =	swait.ge [sflag:s30], $0x2800  }
0x41: {  	[sflag:s30] =	ssyncset.done $0x0  }
0x42: {  	s18 =	rddreg [dreg:$0xf];
	[sflag:s30] =	ssyncadd.s32 $0xFFFFD800  }
0x43: {  	[spmem:s18] =	stream.linear.scatter [tilespmem:s29], [sflag:$0x5], $0x2800, $0x38;
	[tilespmem:$0x19200] =	vst v63  }
0x44: {  	_ =	swait.ge [sflag:s30], $0x2800  }
0x45: {  	[sflag:s30] =	ssyncset.done $0x0  }
0x46: {  	[sflag:s30] =	ssyncadd.s32 $0xFFFFD800  }
0x47: {  	[spmem:s26] =	stream.linear.scatter [tilespmem:s29], [sflag:$0x5], $0x2800, $0x38;
	[tilespmem:$0x19200] =	vst v63  }
0x48: {  	_ =	swait.ge [sflag:s30], $0x2800  }
0x49: {  	[sflag:s30] =	ssyncset.done $0x0  }
0x4a: {  	[sflag:s30] =	ssyncadd.s32 $0xFFFFD800  }
0x4b: {  	[spmem:s28] =	stream.linear.scatter [tilespmem:s29], [sflag:$0x5], $0x2800, $0x38;
	[tilespmem:$0x19200] =	vst v63  }
0x4c: {  	_ =	swait.ge [sflag:s30], $0x2800  }
0x4d: {  	[sflag:s30] =	ssyncset.done $0x0  }
0x4e: {  	[sflag:s30] =	ssyncadd.s32 $0xFFFFD800  }
0x4f: {  	[bflag:$0x0] =	sbarrier.arrive $0xFFFF  }
0x50: {  	s15 =	simm.s32 $0x0;
	s16 =	rddreg [dreg:$0x4]  }
0x51: {  	[tilespmem:s15], [sflag:$0x5] =	stream.linear.gather [hbm4b:s16+s15], $0x50, $0x38;
	[tilespmem:$0x19200] =	vst v63  }
0x52: {  	_ =	swait.ge [sflag:s30], $0x50  }
0x53: {  	[sflag:s30] =	ssyncset.done $0x0  }
0x54: {  	s19 =	rddreg [dreg:$0x5];
	[sflag:s30] =	ssyncadd.s32 $0xFFFFFFB0  }
0x55: {  	[tilespmem:s31], [sflag:$0x5] =	stream.linear.gather [hbm4b:s19+s15], $0x50, $0x38;
	[tilespmem:$0x19200] =	vst v63  }
0x56: {  	_ =	swait.ge [sflag:s30], $0x50  }
0x57: {  	[sflag:s30] =	ssyncset.done $0x0  }
0x58: {  	s17 =	rddreg [dreg:$0x6];
	[sflag:s30] =	ssyncadd.s32 $0xFFFFFFB0  }
0x59: {  	[tilespmem:s0], [sflag:$0x5] =	stream.linear.gather [hbm4b:s17+s15], $0x50, $0x38;
	[tilespmem:$0x19200] =	vst v63  }
0x5a: {  	_ =	swait.ge [sflag:s30], $0x50  }
0x5b: {  	[sflag:s30] =	ssyncset.done $0x0  }
0x5c: {  	s18 =	rddreg [dreg:$0x7];
	[sflag:s30] =	ssyncadd.s32 $0xFFFFFFB0  }
0x5d: {  	[tilespmem:s3], [sflag:$0x5] =	stream.linear.gather [hbm4b:s18+s15], $0x50, $0x38;
	[tilespmem:$0x19200] =	vst v63  }
0x5e: {  	_ =	swait.ge [sflag:s30], $0x50  }
0x5f: {  	[sflag:s30] =	ssyncset.done $0x0  }
0x60: {  	[sflag:s30] =	ssyncadd.s32 $0xFFFFFFB0  }
0x61: {  	[tilespmem:s29], [sflag:$0x1] =	stream.indirect.gather [hbm4b:s1+s7], $0x80, s15, s7, $0xb8;
	[tilespmem:$0x19200] =	vst v63  }
0x62: {  	_ = 	snop  }
0x63: {  	[tilespmem:s8], [sflag:$0x2] =	stream.indirect.gather [hbm4b:s1+s7], $0x80, s0, s7, $0xb8;
	[tilespmem:$0x19200] =	vst v63  }
0x64: {  	_ =	swait.ge [sflag:s9], $0x2800  }
0x65: {  	[sflag:s9] =	ssyncset.done $0x0  }
0x66: {  	[sflag:s9] =	ssyncadd.s32 $0xFFFFD800  }
0x67: {  	[spmem:s2] =	stream.indirect.scatter.add.f32 [tilespmem:s29], [sflag:$0x5], $0x80, s31, s7, $0xb8;
	[tilespmem:$0x19200] =	vst v63  }
0x68: {  	_ =	swait.ge [sflag:s30], $0x2800  }
0x69: {  	s19 =	sshrl.u32 s24, $0x3;
	[sflag:s30] =	ssyncset.done $0x0  }
0x6a: {  	s17 =	sadd.s32 s5, s19;
	[sflag:s30] =	ssyncadd.s32 $0xFFFFD800  }
0x6b: {  	[tilespmem:s4], [sflag:$0x3] =	stream.linear.gather [hbm4b:s17+s4], $0x50, $0x38;
	[tilespmem:$0x19200] =	vst v63  }
0x6c: {  	s15 =	sadd.s32 s6, s19  }
0x6d: {  	[tilespmem:s31], [sflag:$0x3] =	stream.linear.gather [hbm4b:s15+s4], $0x50, $0x38;
	[tilespmem:$0x19200] =	vst v63  }
0x6e: {  	_ =	swait.ge [sflag:s10], $0x50  }
0x6f: {  	[sflag:s10] =	ssyncset.done $0x0  }
0x70: {  	[sflag:s10] =	ssyncadd.s32 $0xFFFFFFB0  }
0x71: {  	_ =	swait.ge [sflag:s10], $0x50  }
0x72: {  	[sflag:s10] =	ssyncset.done $0x0  }
0x73: {  	[sflag:s10] =	ssyncadd.s32 $0xFFFFFFB0  }
0x74: {  	[tilespmem:s29], [sflag:$0x1] =	stream.indirect.gather [hbm4b:s1+s7], $0x80, s4, s7, $0xb8;
	[tilespmem:$0x19200] =	vst v63  }
0x75: {  	_ =	swait.ge [sflag:s11], $0x2800  }
0x76: {  	[sflag:s11] =	ssyncset.done $0x0  }
0x77: {  	[sflag:s11] =	ssyncadd.s32 $0xFFFFD800  }
0x78: {  	[spmem:s2] =	stream.indirect.scatter.add.f32 [tilespmem:s8], [sflag:$0x5], $0x80, s3, s7, $0xb8;
	[tilespmem:$0x19200] =	vst v63  }
0x79: {  	_ =	swait.ge [sflag:s30], $0x2800  }
0x7a: {  	[sflag:s30] =	ssyncset.done $0x0  }
0x7b: {  	s18 =	sadd.s32 $0x0, s23;
	[sflag:s30] =	ssyncadd.s32 $0xFFFFD800  }
0x7c: {  	[tilespmem:s0], [sflag:$0x4] =	stream.linear.gather [hbm4b:s18+s4], $0x50, $0x38;
	[tilespmem:$0x19200] =	vst v63  }
0x7d: {  	s19 =	sadd.s32 $0x0, s22  }
0x7e: {  	[tilespmem:s3], [sflag:$0x4] =	stream.linear.gather [hbm4b:s19+s4], $0x50, $0x38;
	[tilespmem:$0x19200] =	vst v63  }
0x7f: {  	_ =	swait.ge [sflag:s13], $0x50  }
0x80: {  	[sflag:s13] =	ssyncset.done $0x0  }
0x81: {  	[sflag:s13] =	ssyncadd.s32 $0xFFFFFFB0  }
0x82: {  	_ =	swait.ge [sflag:s13], $0x50  }
0x83: {  	[sflag:s13] =	ssyncset.done $0x0  }
0x84: {  	s16 =	sadd.s32 $0xA0, s24;
	s15 =	simm.s32 $0x14;
	[sflag:s13] =	ssyncadd.s32 $0xFFFFFFB0  }
.LBB2_4:
0x85: {  	[tilespmem:s8], [sflag:$0x2] =	stream.indirect.gather [hbm4b:s1+s7], $0x80, s0, s7, $0xb8;
	[tilespmem:$0x19200] =	vst v63  }
0x86: {  	s17 =	smov.u32 s15  }
0x87: {  	p1 =	sne.s32 s15, $0x4B0;
	s15 =	sadd.s32 $0x14, s15;
	_ =	swait.ge [sflag:s9], $0x2800  }
0x88: {  	[sflag:s9] =	ssyncset.done $0x0  }
0x89: {  	[sflag:s9] =	ssyncadd.s32 $0xFFFFD800  }
0x8a: {  	[spmem:s2] =	stream.indirect.scatter.add.f32 [tilespmem:s29], [sflag:$0x5], $0x80, s31, s7, $0xb8;
	[tilespmem:$0x19200] =	vst v63  }
0x8b: {  	_ =	swait.ge [sflag:s30], $0x2800  }
0x8c: {  	s18 =	sshrl.u32 s16, $0x3;
	[sflag:s30] =	ssyncset.done $0x0  }
0x8d: {  	s19 =	sadd.s32 s5, s18;
	[sflag:s30] =	ssyncadd.s32 $0xFFFFD800  }
0x8e: {  	[tilespmem:s4], [sflag:$0x3] =	stream.linear.gather [hbm4b:s19+s4], $0x50, $0x38;
	[tilespmem:$0x19200] =	vst v63  }
0x8f: {  	s18 =	sadd.s32 s6, s18  }
0x90: {  	[tilespmem:s31], [sflag:$0x3] =	stream.linear.gather [hbm4b:s18+s4], $0x50, $0x38;
	[tilespmem:$0x19200] =	vst v63  }
0x91: {  	_ =	swait.ge [sflag:s10], $0x50  }
0x92: {  	[sflag:s10] =	ssyncset.done $0x0  }
0x93: {  	[sflag:s10] =	ssyncadd.s32 $0xFFFFFFB0  }
0x94: {  	_ =	swait.ge [sflag:s10], $0x50  }
0x95: {  	[sflag:s10] =	ssyncset.done $0x0  }
0x96: {  	[sflag:s10] =	ssyncadd.s32 $0xFFFFFFB0  }
0x97: {  	[tilespmem:s29], [sflag:$0x1] =	stream.indirect.gather [hbm4b:s1+s7], $0x80, s4, s7, $0xb8;
	[tilespmem:$0x19200] =	vst v63  }
0x98: {  	_ =	swait.ge [sflag:s11], $0x2800  }
0x99: {  	[sflag:s11] =	ssyncset.done $0x0  }
0x9a: {  	[sflag:s11] =	ssyncadd.s32 $0xFFFFD800  }
0x9b: {  	[spmem:s2] =	stream.indirect.scatter.add.f32 [tilespmem:s8], [sflag:$0x5], $0x80, s3, s7, $0xb8;
	[tilespmem:$0x19200] =	vst v63  }
0x9c: {  	_ =	swait.ge [sflag:s30], $0x2800  }
0x9d: {  	[sflag:s30] =	ssyncset.done $0x0  }
0x9e: {  	s18 =	sadd.s32 s17, s23;
	[sflag:s30] =	ssyncadd.s32 $0xFFFFD800  }
0x9f: {  	[tilespmem:s0], [sflag:$0x4] =	stream.linear.gather [hbm4b:s18+s4], $0x50, $0x38;
	[tilespmem:$0x19200] =	vst v63  }
0xa0: {  	s17 =	sadd.s32 s17, s22  }
0xa1: {  	[tilespmem:s3], [sflag:$0x4] =	stream.linear.gather [hbm4b:s17+s4], $0x50, $0x38;
	[tilespmem:$0x19200] =	vst v63  }
0xa2: {  	_ =	swait.ge [sflag:s13], $0x50  }
.Ltmp1:
0xa3: {  	[sflag:s13] =	ssyncset.done $0x0;
	(pc) =	sbr.rel @p1 .LBB2_4-.Ltmp1, $4  }
0xa4: {  	[sflag:s13] =	ssyncadd.s32 $0xFFFFFFB0  }
0xa5: {  	_ =	swait.ge [sflag:s13], $0x50  }
0xa6: {  	[sflag:s13] =	ssyncset.done $0x0  }
0xa7: {  	s16 =	sadd.s32 $0xA0, s16;
	[sflag:s13] =	ssyncadd.s32 $0xFFFFFFB0  }
0xa8: {  	[tilespmem:s8], [sflag:$0x2] =	stream.indirect.gather [hbm4b:s1+s7], $0x80, s0, s7, $0xb8;
	[tilespmem:$0x19200] =	vst v63  }
0xa9: {  	_ =	swait.ge [sflag:s9], $0x2800  }
0xaa: {  	[sflag:s9] =	ssyncset.done $0x0  }
0xab: {  	[sflag:s9] =	ssyncadd.s32 $0xFFFFD800  }
0xac: {  	[spmem:s2] =	stream.indirect.scatter.add.f32 [tilespmem:s29], [sflag:$0x5], $0x80, s31, s7, $0xb8;
	[tilespmem:$0x19200] =	vst v63  }
0xad: {  	_ =	swait.ge [sflag:s30], $0x2800  }
0xae: {  	[sflag:s30] =	ssyncset.done $0x0  }
0xaf: {  	[sflag:s30] =	ssyncadd.s32 $0xFFFFD800  }
0xb0: {  	[tilespmem:s4], [sflag:$0x3] =	stream.linear.gather [hbm4b:s20+s4], $0x50, $0x38;
	[tilespmem:$0x19200] =	vst v63  }
0xb1: {  	_ = 	snop  }
0xb2: {  	[tilespmem:s31], [sflag:$0x3] =	stream.linear.gather [hbm4b:s21+s4], $0x50, $0x38;
	[tilespmem:$0x19200] =	vst v63  }
0xb3: {  	_ =	swait.ge [sflag:s10], $0x50  }
0xb4: {  	[sflag:s10] =	ssyncset.done $0x0  }
0xb5: {  	[sflag:s10] =	ssyncadd.s32 $0xFFFFFFB0  }
0xb6: {  	_ =	swait.ge [sflag:s10], $0x50  }
0xb7: {  	[sflag:s10] =	ssyncset.done $0x0  }
0xb8: {  	[sflag:s10] =	ssyncadd.s32 $0xFFFFFFB0  }
0xb9: {  	[tilespmem:s29], [sflag:$0x1] =	stream.indirect.gather [hbm4b:s1+s7], $0x80, s4, s7, $0xb8;
	[tilespmem:$0x19200] =	vst v63  }
0xba: {  	_ =	swait.ge [sflag:s11], $0x2800  }
0xbb: {  	[sflag:s11] =	ssyncset.done $0x0  }
0xbc: {  	[sflag:s11] =	ssyncadd.s32 $0xFFFFD800  }
0xbd: {  	[spmem:s2] =	stream.indirect.scatter.add.f32 [tilespmem:s8], [sflag:$0x5], $0x80, s3, s7, $0xb8;
	[tilespmem:$0x19200] =	vst v63  }
0xbe: {  	_ =	swait.ge [sflag:s30], $0x2800  }
0xbf: {  	[sflag:s30] =	ssyncset.done $0x0  }
0xc0: {  	[sflag:s30] =	ssyncadd.s32 $0xFFFFD800  }
0xc1: {  	_ =	swait.ge [sflag:s9], $0x2800  }
0xc2: {  	[sflag:s9] =	ssyncset.done $0x0  }
0xc3: {  	[sflag:s9] =	ssyncadd.s32 $0xFFFFD800  }
0xc4: {  	[spmem:s2] =	stream.indirect.scatter.add.f32 [tilespmem:s29], [sflag:$0x5], $0x80, s31, s7, $0xb8;
	[tilespmem:$0x19200] =	vst v63  }
0xc5: {  	_ =	swait.ge [sflag:s30], $0x2800  }
0xc6: {  	[sflag:s30] =	ssyncset.done $0x0  }
0xc7: {  	[sflag:s30] =	ssyncadd.s32 $0xFFFFD800  }
0xc8: {  	[bflag:$0x0] =	sbarrier.arrive $0xFFFF  }
0xc9: {  	s15 =	simm.s32 @p0 $0x1FC5;
	s16 =	rddreg [dreg:$0x9]  }
0xca: {  	[hbm:s16], [sflag:s15] =	dma.local @p0 [spmem:s25], $0x1900  }
0xcb: {  	s15 =	simm.s32 @p0 $0x5  }
0xcc: {  	s16 =	stileid.u32;
	_ =	swait.ge @p0 [sflag:s15], $0x1900  }
0xcd: {  	s16 =	sshll.u32 @!p0 s16, $0x6;
	[sflag:s15] =	ssyncset.done @p0 $0x0;
	s17 =	rddreg [dreg:$0x8]  }
0xce: {  	[sflag:s15] =	ssyncadd.s32 @p0 $0xFFFFE700;
	s15 =	sor.u32 @!p0 $0x1C05, s16;
	s16 =	sshrl.u32 @!p0 s12, $0x3  }
0xcf: {  	[hbm:s17], [sflag:s15] =	dma.local @!p0 [spmem:s16], $0x2800  }
0xd0: {  	s15 =	simm.s32 @!p0 $0x5  }
0xd1: {  	_ =	swait.ge @!p0 [sflag:s15], $0x2800  }
0xd2: {  	s14 =	sadd.s32 $0x1, s14;
	s19 =	rddreg [dreg:$0xa]  }
0xd3: {  	p1 =	sne.s32 s14, s19  }
.Ltmp2:
0xd4: {  	_ = 	snop;
	(pc) =	sbr.rel @p1 .LBB2_1-.Ltmp2, $3  }
0xd5: {  	_ =	sdelay $0x1  }
0xd6: {  	[sflag:s15] =	ssyncset.done @!p0 $0x0  }
0xd7: {  	[sflag:s15] =	ssyncadd.s32 @!p0 $0xFFFFD800  }
0xd8: {  	_ =	sfence.sel $0x180000  }
0xd9: {  	[bflag:$0x0] =	sbarrier.arrive $0xFFFF  }
0xda: {  	_ =	strace $0x9000004D  }
0xdb: {  	s0 =	stileid.u32;
	[bflag:$0x2] =	sbarrier.arrive $0xFFFF  }
0xdc: {  	p0 =	sne.s32 s0, $0x0;
	s0 =	rddreg [dreg:$0x3]  }
0xdd: {  	s0 =	sadd.s32 @!p0 $0x100000, s0  }
0xde: {  	[sflag:s0] =	ssyncadd.tile.s32 @!p0 $0x1;
	_ =	shalt  }
.Lfunc_end2:
_tile_overlayer_lowered:
.L_overlay_start_2:
0xdf: {  	(tag) =	ssettag $0x2  }
0xe0: {  	s0 =	rddreg [dreg:$0x0];
	s2 =	stileid.u32  }
0xe1: {  	s1 =	rddreg [dreg:$0x1];
	p0 =	sne.s32 s2, $0x0  }
0xe2: {  	s3 =	rddreg [dreg:$0x2];
	[bflag:$0x3] =	sbarrier.arrive $0xFFFF;
	s2 =	simm.s32 @!p0 $0x1C05  }
0xe3: {  	[timem:s3], [sflag:s2] =	dma.local @!p0 [hbm:s0], s1  }
0xe4: {  	s0 =	simm.s32 @!p0 $0x5  }
0xe5: {  	_ =	swait.ge @!p0 [sflag:s0], s1  }
0xe6: {  	s1 =	ssub.s32 @!p0 $0x0, s1;
	[sflag:s0] =	ssyncset.done @!p0 $0x0  }
0xe7: {  	[sflag:s0] =	ssyncadd.s32 @!p0 s1  }
0xe8: {  	[bflag:$0x3] =	sbarrier.arrive $0xFFFF  }
0xe9: {  	_ =	shalt  }

// kernel: kernel.19.cloned.1.call-start
scs
__scs_entry_jumppad:
0x0: {  	(pc) =	sbr.rel $0x88, $3  }
0x1: {  	(tag) =	ssettag $0x0;
	lr =	simm.s32 $0x1  }
0x2: {  	[smem:$0x3F99] =	sst lr;
	_ =	strace $0xD0000000  }
0x3: {  	_ = 	snop  }
0x4: {  	_ = 	snop  }
0x5: {  	_ = 	snop  }
0x6: {  	_ = 	snop  }
0x7: {  	_ = 	snop  }
__scs_overlays_trampoline_lowered:
0x8: {  	[smem:$0x3FA8] =	sst s0  }
0x9: {  	[smem:$0x3FA9] =	sst s1  }
0xa: {  	[smem:$0x3FAA] =	sst s2  }
0xb: {  	[smem:$0x3FAB] =	sst s3  }
0xc: {  	[smem:$0x3FAC] =	sst s4  }
0xd: {  	[smem:$0x3FAD] =	sst s5  }
0xe: {  	[smem:$0x3FAE] =	sst s6  }
0xf: {  	[smem:$0x3FAF] =	sst s7  }
0x10: {  	[smem:$0x3FB0] =	sst s8  }
0x11: {  	[smem:$0x3FB1] =	sst s9;
	s0 =	simm.s32 @!p0 $0x0  }
0x12: {  	s1 =	sld [smem:$0x3F97];
	s0 =	simm.s32 @p0 $0x1  }
0x13: {  	[smem:$0x3FB2] =	sst s0;
	s0 =	simm.s32 @!p1 $0x0  }
0x14: {  	s2 =	sld [smem:$0x3F96];
	s0 =	simm.s32 @p1 $0x1  }
0x15: {  	[smem:$0x3FB3] =	sst s0;
	s0 =	simm.s32 @!p2 $0x0  }
0x16: {  	s3 =	sld [smem:$0x3FDB];
	s0 =	simm.s32 @p2 $0x1  }
0x17: {  	s4 =	simm.s32 $0x1BF5;
	[smem:$0x3FB5] =	sst s0  }
0x18: {  	s0 =	sld [smem:$0x3F98];
	_ =	swait.ge [sflag:s4], $0x0  }
0x19: {  	s7 =	sld [smem:$0x3F99]  }
0x1a: {  	s8 =	sadd.s32 $0xFFFFE003, lr  }
0x1b: {  	s9 =	sadd.s32 $0xFFFFFEF7, lr;
	s5 =	simm.s32 $0xFFFFFFFF;
	p2 =	slt.u32 s8, $0xFFFFF086  }
0x1c: {  	p1 =	slt.u32 s9, $0xF7A;
	s5 =	simm.s32 @!p2 $0x0  }
0x1d: {  	s5 =	simm.s32 @p1 $0x1;
	p0 =	seq.s32 s7, s2  }
0x1e: {  	s7 =	smul.u32 @!p0 $0xF7A, s2;
	p2 =	seq.s32 @!p0 s5, $0x0  }
0x1f: {  	s9 =	smul.u32 $0xF7A, s1;
	s8 =	simm.s32 @!p0 $0x1BF5;
	p2 =	por !p2, p0  }
0x20: {  	[sflag:s8] =	ssyncset.s32 @!p0 $0xFFFFF086;
	s6 =	sadd.s32 @!p0 s3, s7;
	s7 =	simm.s32 @!p0 $0x108  }
0x21: {  	s3 =	sadd.s32 s3, s9;
	s6 =	sadd.s32 @!p0 $0x88, s6;
	s7 =	simm.s32 @p2 $0x1082  }
0x22: {  	[simem:s7], [sflag:s8] =	dma.local @!p0 [hbm:s6], $0xF7A  }
0x23: {  	s9 =	sor.u32 $0xD0000000, s2;
	s6 =	simm.s32 $0x108;
	_ =	swait.ge @!p0 [sflag:s8], $0x0  }
0x24: {  	s3 =	sadd.s32 $0x88, s3;
	s6 =	simm.s32 @!p1 $0x1082;
	[sflag:s4] =	ssyncset.s32 $0xFFFFF086  }
0x25: {  	[simem:s6], [sflag:s4] =	dma.local [hbm:s3], $0xF7A  }
0x26: {  	[smem:$0x3F99] =	sst s1;
	(tag) =	ssettag s2;
	_ =	strace s9  }
0x27: {  	s1 =	sld [smem:$0x3FA9]  }
0x28: {  	s2 =	sld [smem:$0x3FAA]  }
0x29: {  	s4 =	sld [smem:$0x3FAC]  }
0x2a: {  	p0 =	seq.s32 s5, $0x0;
	s5 =	sld [smem:$0x3FAD]  }
0x2b: {  	s6 =	sld [smem:$0x3FAE]  }
0x2c: {  	s7 =	sld [smem:$0x3FAF]  }
0x2d: {  	s3 =	simm.s32 $0x108;
	s8 =	sld [smem:$0x3FB0]  }
0x2e: {  	s3 =	simm.s32 @!p0 $0x1082;
	s9 =	sld [smem:$0x3FB1]  }
0x2f: {  	lr =	sadd.s32 s0, s3;
	s0 =	sld [smem:$0x3FA8]  }
0x30: {  	s3 =	sld [smem:$0x3FAB]  }
0x31: {  	[smem:$0x3FB4] =	sst s10  }
0x32: {  	s10 =	sld [smem:$0x3FB2];
	_ =	sdelay $0x3  }
0x33: {  	p0 =	seq.s32 s10, $0x1;
	s10 =	sld [smem:$0x3FB4];
	_ =	sdelay $0x3  }
0x34: {  	[smem:$0x3FB4] =	sst s10  }
0x35: {  	s10 =	sld [smem:$0x3FB3];
	_ =	sdelay $0x3  }
0x36: {  	p1 =	seq.s32 s10, $0x1;
	s10 =	sld [smem:$0x3FB4];
	_ =	sdelay $0x3  }
0x37: {  	[smem:$0x3FB4] =	sst s10  }
0x38: {  	s10 =	sld [smem:$0x3FB5]  }
0x39: {  	_ = 	snop;
	(pc) =	sbr.ind lr, $3  }
0x3a: {  	_ = 	snop  }
0x3b: {  	_ = 	snop  }
0x3c: {  	p2 =	seq.s32 s10, $0x1;
	s10 =	sld [smem:$0x3FB4]  }
0x3d: {  	_ =	shalt  }
0x3e: {  	_ =	shalt  }
0x3f: {  	_ =	shalt  }
0x40: {  	_ =	shalt  }
0x41: {  	_ =	shalt  }
0x42: {  	_ =	shalt  }
0x43: {  	_ =	shalt  }
0x44: {  	_ =	shalt  }
0x45: {  	_ =	shalt  }
0x46: {  	_ =	shalt  }
0x47: {  	_ =	shalt  }
0x48: {  	_ =	shalt  }
0x49: {  	_ =	shalt  }
0x4a: {  	_ =	shalt  }
0x4b: {  	_ =	shalt  }
0x4c: {  	_ =	shalt  }
0x4d: {  	_ =	shalt  }
0x4e: {  	_ =	shalt  }
0x4f: {  	_ =	shalt  }
0x50: {  	_ =	shalt  }
0x51: {  	_ =	shalt  }
0x52: {  	_ =	shalt  }
0x53: {  	_ =	shalt  }
0x54: {  	_ =	shalt  }
0x55: {  	_ =	shalt  }
0x56: {  	_ =	shalt  }
0x57: {  	_ =	shalt  }
0x58: {  	_ =	shalt  }
0x59: {  	_ =	shalt  }
0x5a: {  	_ =	shalt  }
0x5b: {  	_ =	shalt  }
0x5c: {  	_ =	shalt  }
0x5d: {  	_ =	shalt  }
0x5e: {  	_ =	shalt  }
0x5f: {  	_ =	shalt  }
0x60: {  	_ =	shalt  }
0x61: {  	_ =	shalt  }
0x62: {  	_ =	shalt  }
0x63: {  	_ =	shalt  }
0x64: {  	_ =	shalt  }
0x65: {  	_ =	shalt  }
0x66: {  	_ =	shalt  }
0x67: {  	_ =	shalt  }
0x68: {  	_ =	shalt  }
0x69: {  	_ =	shalt  }
0x6a: {  	_ =	shalt  }
0x6b: {  	_ =	shalt  }
0x6c: {  	_ =	shalt  }
0x6d: {  	_ =	shalt  }
0x6e: {  	_ =	shalt  }
0x6f: {  	_ =	shalt  }
0x70: {  	_ =	shalt  }
0x71: {  	_ =	shalt  }
0x72: {  	_ =	shalt  }
0x73: {  	_ =	shalt  }
0x74: {  	_ =	shalt  }
0x75: {  	_ =	shalt  }
0x76: {  	_ =	shalt  }
0x77: {  	_ =	shalt  }
0x78: {  	_ =	shalt  }
0x79: {  	_ =	shalt  }
0x7a: {  	_ =	shalt  }
0x7b: {  	_ =	shalt  }
0x7c: {  	_ =	shalt  }
0x7d: {  	_ =	shalt  }
0x7e: {  	_ =	shalt  }
0x7f: {  	_ =	shalt  }
0x80: {  	_ =	shalt  }
0x81: {  	_ =	shalt  }
0x82: {  	_ =	shalt  }
0x83: {  	_ =	shalt  }
0x84: {  	_ =	shalt  }
0x85: {  	_ =	shalt  }
0x86: {  	_ =	shalt  }
0x87: {  	_ =	shalt  }
.Lfunc_end0:
.L_simem_size_0:
called_computation.3_lowered:
.L_overlay_start_0:
0x88: {  	s2 =	sld [smem:$0x3FD9]  }
0x89: {  	s3 =	sld [smem:$0x3FFE];
	_ =	sdelay $0x1  }
0x8a: {  	s1 =	srdreg.scid  }
0x8b: {  	s0 =	sand.u32 $0x1, s1  }
0x8c: {  	s17 =	sshll.u32 s0, $0xA;
	s2 =	sadd.s32 s3, s2  }
0x8d: {  	s2 =	sadd.s32 s2, s17  }
0x8e: {  	[smem:$0x3FC0] =	sst s2  }
0x8f: {  	_ = 	snop  }
0x90: {  	s2 =	sld [smem:$0x3FD0];
	(tm) =	ssettm $0x1  }
0x91: {  	s18 =	sld [smem:$0x3FFB];
	_ =	sdelay $0x3  }
0x92: {  	_ =	strace s18  }
0x93: {  	s3 =	sld [smem:$0x3FFC];
	_ =	sdelay $0x3  }
0x94: {  	_ =	strace s3  }
0x95: {  	s3 =	sld [smem:$0x3FFD];
	_ =	sdelay $0x3  }
0x96: {  	_ =	strace s3  }
0x97: {  	_ =	strace $0x8FFFFFFF  }
0x98: {  	s19 =	sld [smem:$0x3FDB];
	_ =	sdelay $0x1  }
0x99: {  	s4 =	simm.s32 $_scs_section_size  }
0x9a: {  	s5 =	simm.s32 $_size__tile_overlayer_lowered;
	s6 =	simm.s32 $_tile_overlayer_lowered  }
0x9b: {  	s22 =	simm.s32 $0x1BFF;
	s21 =	sshll.u32 s6, $0x1;
	s3 =	sadd.s32 s4, s19  }
0x9c: {  	s7 =	simm.s32 $0x0;
	s20 =	sshll.u32 s5, $0x1;
	s5 =	sadd.s32 s21, s3  }
0x9d: {  	[timem:s7], [sflag:s22] =	dma.local [hbm:s5], s20  }
0x9e: {  	_ =	swait.ge [sflag:s22], s20  }
0x9f: {  	s4 =	ssub.s32 $0x0, s20;
	[sflag:s22] =	ssyncset.done $0x0  }
0xa0: {  	[sflag:s22] =	ssyncadd.s32 s4;
	_ =	sdelay $0x1  }
0xa1: {  	s23 =	simm.s32 $0x1B8B  }
0xa2: {  	_ =	swait.ge [sflag:s23], $0x1  }
0xa3: {  	[sflag:s23] =	ssyncset.done $0x0  }
0xa4: {  	s25 =	simm.s32 $0x1B8E;
	s24 =	sld [smem:$0x3FFE];
	[sflag:s23] =	ssyncadd.s32 $0xFFFFFFFF  }
0xa5: {  	s26 =	simm.s32 $execute0_lowered;
	[smem:$0x3FD2] =	sst s25  }
0xa6: {  	s5 =	sshll.u32 s26, $0x1;
	_ =	strace $0x8000004F;
	[dreg:$0x1] =	wrdreg $0xFFFFFFFF  }
0xa7: {  	s28 =	simm.s32 $_size_execute0_lowered;
	s3 =	sadd.s32 s3, s5;
	[dreg:$0x0] =	wrdreg $0x0  }
0xa8: {  	s5 =	sshll.u32 s28, $0x1;
	[dreg:$0x2] =	wrdreg s3  }
0xa9: {  	[dreg:$0x3] =	wrdreg s5  }
0xaa: {  	[dreg:$0x4] =	wrdreg $0xC0  }
0xab: {  	_ =	task [dreg:s7], $0x5FFFF  }
0xac: {  	[dreg:$0x1] =	wrdreg $0xFFFFFFFF  }
0xad: {  	[dreg:$0x0] =	wrdreg $0x60  }
0xae: {  	[dreg:$0x2] =	wrdreg s2  }
0xaf: {  	[dreg:$0x3] =	wrdreg s24  }
0xb0: {  	[dreg:$0x4] =	wrdreg $0x52000  }
0xb1: {  	[dreg:$0x5] =	wrdreg $0x9  }
0xb2: {  	_ =	task.clear_ibuf [dreg:s7], $0x6FFFF;
	_ =	strace $0x9000004F  }
0xb3: {  	s29 =	simm.s32 $0x9;
	_ =	strace $0x80000051  }
0xb4: {  	_ =	swait.ge [sflag:s29], $0x1  }
0xb5: {  	[sflag:s29] =	ssyncadd.s32 $0xFFFFFFFF  }
0xb6: {  	_ =	strace $0x90000051  }
0xb7: {  	_ =	sfence  }
0xb8: {  	s30 =	sld [smem:$0x0];
	_ =	sdelay $0x2  }
0xb9: {  	s31 =	sshll.u32 s1, $0xD;
	s1 =	sshrl.u32 s1, $0x2  }
0xba: {  	s3 =	sand.u32 $0x4000, s31;
	s1 =	sadd.s32 s1, s30  }
0xbb: {  	s0 =	sor.u32 s3, s0;
	s1 =	sshll.u32 s1, $0x11  }
0xbc: {  	s0 =	sor.u32 s1, s0  }
0xbd: {  	s0 =	sadd.s32 $0x8F2B, s0  }
0xbe: {  	[sflag:s0] =	ssyncadd.remote.s32 $0x1  }
0xbf: {  	_ =	sfence.sel $0xFFFF  }
0xc0: {  	[dreg:$0x0] =	wrdreg $0xFFFFFFFF;
	(pc) =	sbr.abs _section_cstart, $3  }
0xc1: {  	[dreg:$0x1] =	wrdreg $0xFFFFFFFF  }
0xc2: {  	_ =	task.clear_ibuf [dreg:s7], $0x2FFFF;
	_ =	strace $0x9FFFFFFF  }
0xc3: {  	(tm) =	ssettm $0x7FFFFFFF  }
tec
execute0_lowered:
.L_overlay_start_1:
0x0: {  	(tag) =	ssettag $0x1  }
0x1: {  	s1 =	rddreg [dreg:$0x0]  }
0x2: {  	s0 =	rddreg [dreg:$0x1]  }
0x3: {  	s2 =	rddreg [dreg:$0x2]  }
0x4: {  	s3 =	srdreg.scid;
	s4 =	simm.s32 $0x0;
	s13 =	stileid.u32  }
0x5: {  	s29 =	simm.s32 $0x200;
	s30 =	simm.s32 $0x5;
	s11 =	smul.u32 $0x14000, s13  }
0x6: {  	s31 =	simm.s32 $0x80;
	s3 =	sand.u32 $0x1, s3;
	s12 =	smul.u32 $0x50000, s13  }
0x7: {  	[smem:$0x7FF] =	sst s4;
	s6 =	sadd.s32 $0xCC00, s0;
	s20 =	smul.u32 $0x2710, s13  }
0x8: {  	p0 =	seq.s32 s13, $0xF;
	s5 =	sshll.u32 s3, $0x4;
	s9 =	smul.u32 $0x138800, s3  }
0x9: {  	_ =	strace $0x80000050;
	s8 =	ssub.s32 $0x2, s3;
	s3 =	smul.u32 $0x27100, s3  }
0xa: {  	s5 =	sor.u32 s13, s5;
	s10 =	sshrl.u32 s8, $0x1;
	s19 =	sshrl.u32 s12, $0x2  }
0xb: {  	s13 =	simm.s32 $0x4;
	s7 =	smul.u32 $0x2710, s5;
	s5 =	sadd.s32 $0x2E00, s0  }
0xc: {  	s0 =	sadd.s32 $0x16A00, s0;
	s8 =	ssub.s32 s8, s10;
	s17 =	sadd.s32 s11, s9  }
0xd: {  	s9 =	sshrl.u32 s9, $0x3;
	s12 =	sadd.s32 s19, s2;
	s8 =	smax.u32 s8, $0x1  }
0xe: {  	s3 =	sadd.s32 s20, s3;
	s21 =	sadd.s32 $0x2800, s12;
	[dreg:$0xa] =	wrdreg s8  }
0xf: {  	s10 =	sshrl.u32 s17, $0x3;
	s22 =	sadd.s32 $0x5000, s12;
	[dreg:$0xb] =	wrdreg s21  }
0x10: {  	s23 =	sadd.s32 $0x7800, s12;
	s24 =	sadd.s32 $0xA000, s12;
	[dreg:$0xc] =	wrdreg s22  }
0x11: {  	s25 =	sadd.s32 $0xF0, s3;
	s26 =	sadd.s32 $0xC800, s12;
	[dreg:$0xd] =	wrdreg s23  }
0x12: {  	s28 =	sadd.s32 $0x11800, s12;
	s7 =	sshrl.u32 s7, $0x3;
	[dreg:$0xe] =	wrdreg s24  }
0x13: {  	s10 =	sadd.s32 s0, s10;
	s0 =	sadd.s32 s0, s9;
	[dreg:$0xf] =	wrdreg s26  }
0x14: {  	s8 =	sshrl.u32 s25, $0x3;
	s24 =	sadd.s32 $0xA0, s3;
	s26 =	sadd.s32 $0xF000, s12  }
0x15: {  	s3 =	simm.s32 $0x180;
	s9 =	simm.s32 $0x1;
	s15 =	sadd.s32 s5, s7  }
0x16: {  	s16 =	sadd.s32 s6, s7;
	s18 =	sadd.s32 $0xA, s7;
	[dreg:$0x8] =	wrdreg s10  }
0x17: {  	s0 =	sadd.s32 $0x25800, s0;
	s7 =	sadd.s32 $0x4D8, s7;
	s22 =	sadd.s32 s8, s6  }
0x18: {  	s23 =	sadd.s32 s8, s5;
	s8 =	simm.s32 $0x2A00;
	[dreg:$0x4] =	wrdreg s15  }
0x19: {  	s10 =	simm.s32 $0x3;
	[dreg:$0x5] =	wrdreg s16;
	s14 =	sadd.s32 s5, s18  }
0x1a: {  	s11 =	sadd.s32 s6, s18;
	[dreg:$0x9] =	wrdreg s0;
	s0 =	sadd.s32 $0x12C000, s2  }
0x1b: {  	s20 =	sadd.s32 s5, s7;
	s21 =	sadd.s32 s6, s7;
	[dreg:$0x6] =	wrdreg s14  }
0x1c: {  	s7 =	simm.s32 $0x50;
	[dreg:$0x7] =	wrdreg s11;
	s25 =	sshrl.u32 @p0 s0, $0x3  }
0x1d: {  	v0 =	vimm.f32 $0.0e+00;
	s0 =	simm.s32 $0x100;
	s11 =	simm.s32 $0x2;
	s14 =	simm.s32 $0x0  }
.LBB2_1:
0x1e: {  	s15 =	simm.s32 $0x0;
	s16 =	simm.s32 $0x200  }
.LBB2_2:
0x1f: {  	p1 =	sne.s32 s16, $0x9E00;
	[tilespmem:s15+$0x270] =	vst v0  }
0x20: {  	[tilespmem:s15+$0x200] =	vst v0  }
0x21: {  	[tilespmem:s15+$0x210] =	vst v0  }
.Ltmp0:
0x22: {  	[tilespmem:s15+$0x220] =	vst v0;
	(pc) =	sbr.rel @p1 .LBB2_2-.Ltmp0, $4  }
0x23: {  	[tilespmem:s15+$0x230] =	vst v0  }
0x24: {  	[tilespmem:s15+$0x240] =	vst v0  }
0x25: {  	[tilespmem:s15+$0x250] =	vst v0  }
0x26: {  	[tilespmem:s15+$0x260] =	vst v0;
	s15 =	sshra.s32 s16, $0x2;
	s16 =	sadd.s32 $0x200, s16  }
0x27: {  	[tilespmem:s15+$0x270] =	vst v0  }
0x28: {  	[tilespmem:s15+$0x200] =	vst v0  }
0x29: {  	[tilespmem:s15+$0x210] =	vst v0  }
0x2a: {  	[tilespmem:s15+$0x220] =	vst v0  }
0x2b: {  	[tilespmem:s15+$0x230] =	vst v0  }
0x2c: {  	[tilespmem:s15+$0x240] =	vst v0  }
0x2d: {  	[tilespmem:s15+$0x250] =	vst v0  }
0x2e: {  	[tilespmem:s15+$0x260] =	vst v0  }
0x2f: {  	[spmem:s12] =	stream.linear.scatter [tilespmem:s29], [sflag:$0x5], $0x2800, $0x38;
	[tilespmem:$0x19200] =	vst v63  }
0x30: {  	_ =	swait.ge [sflag:s30], $0x2800  }
0x31: {  	[sflag:s30] =	ssyncset.done $0x0  }
0x32: {  	s18 =	rddreg [dreg:$0xb];
	[sflag:s30] =	ssyncadd.s32 $0xFFFFD800  }
0x33: {  	[spmem:s18] =	stream.linear.scatter [tilespmem:s29], [sflag:$0x5], $0x2800, $0x38;
	[tilespmem:$0x19200] =	vst v63  }
0x34: {  	_ =	swait.ge [sflag:s30], $0x2800  }
0x35: {  	[sflag:s30] =	ssyncset.done $0x0  }
0x36: {  	s19 =	rddreg [dreg:$0xc];
	[sflag:s30] =	ssyncadd.s32 $0xFFFFD800  }
0x37: {  	[spmem:s19] =	stream.linear.scatter [tilespmem:s29], [sflag:$0x5], $0x2800, $0x38;
	[tilespmem:$0x19200] =	vst v63  }
0x38: {  	_ =	swait.ge [sflag:s30], $0x2800  }
0x39: {  	[sflag:s30] =	ssyncset.done $0x0  }
0x3a: {  	s16 =	rddreg [dreg:$0xd];
	[sflag:s30] =	ssyncadd.s32 $0xFFFFD800  }
0x3b: {  	[spmem:s16] =	stream.linear.scatter [tilespmem:s29], [sflag:$0x5], $0x2800, $0x38;
	[tilespmem:$0x19200] =	vst v63  }
0x3c: {  	_ =	swait.ge [sflag:s30], $0x2800  }
0x3d: {  	[sflag:s30] =	ssyncset.done $0x0  }
0x3e: {  	s17 =	rddreg [dreg:$0xe];
	[sflag:s30] =	ssyncadd.s32 $0xFFFFD800  }
0x3f: {  	[spmem:s17] =	stream.linear.scatter [tilespmem:s29], [sflag:$0x5], $0x2800, $0x38;
	[tilespmem:$0x19200] =	vst v63  }
0x40: {  	_ =	swait.ge [sflag:s30], $0x2800  }
0x41: {  	[sflag:s30] =	ssyncset.done $0x0  }
0x42: {  	s18 =	rddreg [dreg:$0xf];
	[sflag:s30] =	ssyncadd.s32 $0xFFFFD800  }
0x43: {  	[spmem:s18] =	stream.linear.scatter [tilespmem:s29], [sflag:$0x5], $0x2800, $0x38;
	[tilespmem:$0x19200] =	vst v63  }
0x44: {  	_ =	swait.ge [sflag:s30], $0x2800  }
0x45: {  	[sflag:s30] =	ssyncset.done $0x0  }
0x46: {  	[sflag:s30] =	ssyncadd.s32 $0xFFFFD800  }
0x47: {  	[spmem:s26] =	stream.linear.scatter [tilespmem:s29], [sflag:$0x5], $0x2800, $0x38;
	[tilespmem:$0x19200] =	vst v63  }
0x48: {  	_ =	swait.ge [sflag:s30], $0x2800  }
0x49: {  	[sflag:s30] =	ssyncset.done $0x0  }
0x4a: {  	[sflag:s30] =	ssyncadd.s32 $0xFFFFD800  }
0x4b: {  	[spmem:s28] =	stream.linear.scatter [tilespmem:s29], [sflag:$0x5], $0x2800, $0x38;
	[tilespmem:$0x19200] =	vst v63  }
0x4c: {  	_ =	swait.ge [sflag:s30], $0x2800  }
0x4d: {  	[sflag:s30] =	ssyncset.done $0x0  }
0x4e: {  	[sflag:s30] =	ssyncadd.s32 $0xFFFFD800  }
0x4f: {  	[bflag:$0x0] =	sbarrier.arrive $0xFFFF  }
0x50: {  	s15 =	simm.s32 $0x0;
	s16 =	rddreg [dreg:$0x4]  }
0x51: {  	[tilespmem:s15], [sflag:$0x5] =	stream.linear.gather [hbm4b:s16+s15], $0x50, $0x38;
	[tilespmem:$0x19200] =	vst v63  }
0x52: {  	_ =	swait.ge [sflag:s30], $0x50  }
0x53: {  	[sflag:s30] =	ssyncset.done $0x0  }
0x54: {  	s19 =	rddreg [dreg:$0x5];
	[sflag:s30] =	ssyncadd.s32 $0xFFFFFFB0  }
0x55: {  	[tilespmem:s31], [sflag:$0x5] =	stream.linear.gather [hbm4b:s19+s15], $0x50, $0x38;
	[tilespmem:$0x19200] =	vst v63  }
0x56: {  	_ =	swait.ge [sflag:s30], $0x50  }
0x57: {  	[sflag:s30] =	ssyncset.done $0x0  }
0x58: {  	s17 =	rddreg [dreg:$0x6];
	[sflag:s30] =	ssyncadd.s32 $0xFFFFFFB0  }
0x59: {  	[tilespmem:s0], [sflag:$0x5] =	stream.linear.gather [hbm4b:s17+s15], $0x50, $0x38;
	[tilespmem:$0x19200] =	vst v63  }
0x5a: {  	_ =	swait.ge [sflag:s30], $0x50  }
0x5b: {  	[sflag:s30] =	ssyncset.done $0x0  }
0x5c: {  	s18 =	rddreg [dreg:$0x7];
	[sflag:s30] =	ssyncadd.s32 $0xFFFFFFB0  }
0x5d: {  	[tilespmem:s3], [sflag:$0x5] =	stream.linear.gather [hbm4b:s18+s15], $0x50, $0x38;
	[tilespmem:$0x19200] =	vst v63  }
0x5e: {  	_ =	swait.ge [sflag:s30], $0x50  }
0x5f: {  	[sflag:s30] =	ssyncset.done $0x0  }
0x60: {  	[sflag:s30] =	ssyncadd.s32 $0xFFFFFFB0  }
0x61: {  	[tilespmem:s29], [sflag:$0x1] =	stream.indirect.gather [hbm4b:s1+s7], $0x80, s15, s7, $0xb8;
	[tilespmem:$0x19200] =	vst v63  }
0x62: {  	_ = 	snop  }
0x63: {  	[tilespmem:s8], [sflag:$0x2] =	stream.indirect.gather [hbm4b:s1+s7], $0x80, s0, s7, $0xb8;
	[tilespmem:$0x19200] =	vst v63  }
0x64: {  	_ =	swait.ge [sflag:s9], $0x2800  }
0x65: {  	[sflag:s9] =	ssyncset.done $0x0  }
0x66: {  	[sflag:s9] =	ssyncadd.s32 $0xFFFFD800  }
0x67: {  	[spmem:s2] =	stream.indirect.scatter.add.f32 [tilespmem:s29], [sflag:$0x5], $0x80, s31, s7, $0xb8;
	[tilespmem:$0x19200] =	vst v63  }
0x68: {  	_ =	swait.ge [sflag:s30], $0x2800  }
0x69: {  	s19 =	sshrl.u32 s24, $0x3;
	[sflag:s30] =	ssyncset.done $0x0  }
0x6a: {  	s17 =	sadd.s32 s5, s19;
	[sflag:s30] =	ssyncadd.s32 $0xFFFFD800  }
0x6b: {  	[tilespmem:s4], [sflag:$0x3] =	stream.linear.gather [hbm4b:s17+s4], $0x50, $0x38;
	[tilespmem:$0x19200] =	vst v63  }
0x6c: {  	s15 =	sadd.s32 s6, s19  }
0x6d: {  	[tilespmem:s31], [sflag:$0x3] =	stream.linear.gather [hbm4b:s15+s4], $0x50, $0x38;
	[tilespmem:$0x19200] =	vst v63  }
0x6e: {  	_ =	swait.ge [sflag:s10], $0x50  }
0x6f: {  	[sflag:s10] =	ssyncset.done $0x0  }
0x70: {  	[sflag:s10] =	ssyncadd.s32 $0xFFFFFFB0  }
0x71: {  	_ =	swait.ge [sflag:s10], $0x50  }
0x72: {  	[sflag:s10] =	ssyncset.done $0x0  }
0x73: {  	[sflag:s10] =	ssyncadd.s32 $0xFFFFFFB0  }
0x74: {  	[tilespmem:s29], [sflag:$0x1] =	stream.indirect.gather [hbm4b:s1+s7], $0x80, s4, s7, $0xb8;
	[tilespmem:$0x19200] =	vst v63  }
0x75: {  	_ =	swait.ge [sflag:s11], $0x2800  }
0x76: {  	[sflag:s11] =	ssyncset.done $0x0  }
0x77: {  	[sflag:s11] =	ssyncadd.s32 $0xFFFFD800  }
0x78: {  	[spmem:s2] =	stream.indirect.scatter.add.f32 [tilespmem:s8], [sflag:$0x5], $0x80, s3, s7, $0xb8;
	[tilespmem:$0x19200] =	vst v63  }
0x79: {  	_ =	swait.ge [sflag:s30], $0x2800  }
0x7a: {  	[sflag:s30] =	ssyncset.done $0x0  }
0x7b: {  	s18 =	sadd.s32 $0x0, s23;
	[sflag:s30] =	ssyncadd.s32 $0xFFFFD800  }
0x7c: {  	[tilespmem:s0], [sflag:$0x4] =	stream.linear.gather [hbm4b:s18+s4], $0x50, $0x38;
	[tilespmem:$0x19200] =	vst v63  }
0x7d: {  	s19 =	sadd.s32 $0x0, s22  }
0x7e: {  	[tilespmem:s3], [sflag:$0x4] =	stream.linear.gather [hbm4b:s19+s4], $0x50, $0x38;
	[tilespmem:$0x19200] =	vst v63  }
0x7f: {  	_ =	swait.ge [sflag:s13], $0x50  }
0x80: {  	[sflag:s13] =	ssyncset.done $0x0  }
0x81: {  	[sflag:s13] =	ssyncadd.s32 $0xFFFFFFB0  }
0x82: {  	_ =	swait.ge [sflag:s13], $0x50  }
0x83: {  	[sflag:s13] =	ssyncset.done $0x0  }
0x84: {  	s16 =	sadd.s32 $0xA0, s24;
	s15 =	simm.s32 $0x14;
	[sflag:s13] =	ssyncadd.s32 $0xFFFFFFB0  }
.LBB2_4:
0x85: {  	[tilespmem:s8], [sflag:$0x2] =	stream.indirect.gather [hbm4b:s1+s7], $0x80, s0, s7, $0xb8;
	[tilespmem:$0x19200] =	vst v63  }
0x86: {  	s17 =	smov.u32 s15  }
0x87: {  	p1 =	sne.s32 s15, $0x4B0;
	s15 =	sadd.s32 $0x14, s15;
	_ =	swait.ge [sflag:s9], $0x2800  }
0x88: {  	[sflag:s9] =	ssyncset.done $0x0  }
0x89: {  	[sflag:s9] =	ssyncadd.s32 $0xFFFFD800  }
0x8a: {  	[spmem:s2] =	stream.indirect.scatter.add.f32 [tilespmem:s29], [sflag:$0x5], $0x80, s31, s7, $0xb8;
	[tilespmem:$0x19200] =	vst v63  }
0x8b: {  	_ =	swait.ge [sflag:s30], $0x2800  }
0x8c: {  	s18 =	sshrl.u32 s16, $0x3;
	[sflag:s30] =	ssyncset.done $0x0  }
0x8d: {  	s19 =	sadd.s32 s5, s18;
	[sflag:s30] =	ssyncadd.s32 $0xFFFFD800  }
0x8e: {  	[tilespmem:s4], [sflag:$0x3] =	stream.linear.gather [hbm4b:s19+s4], $0x50, $0x38;
	[tilespmem:$0x19200] =	vst v63  }
0x8f: {  	s18 =	sadd.s32 s6, s18  }
0x90: {  	[tilespmem:s31], [sflag:$0x3] =	stream.linear.gather [hbm4b:s18+s4], $0x50, $0x38;
	[tilespmem:$0x19200] =	vst v63  }
0x91: {  	_ =	swait.ge [sflag:s10], $0x50  }
0x92: {  	[sflag:s10] =	ssyncset.done $0x0  }
0x93: {  	[sflag:s10] =	ssyncadd.s32 $0xFFFFFFB0  }
0x94: {  	_ =	swait.ge [sflag:s10], $0x50  }
0x95: {  	[sflag:s10] =	ssyncset.done $0x0  }
0x96: {  	[sflag:s10] =	ssyncadd.s32 $0xFFFFFFB0  }
0x97: {  	[tilespmem:s29], [sflag:$0x1] =	stream.indirect.gather [hbm4b:s1+s7], $0x80, s4, s7, $0xb8;
	[tilespmem:$0x19200] =	vst v63  }
0x98: {  	_ =	swait.ge [sflag:s11], $0x2800  }
0x99: {  	[sflag:s11] =	ssyncset.done $0x0  }
0x9a: {  	[sflag:s11] =	ssyncadd.s32 $0xFFFFD800  }
0x9b: {  	[spmem:s2] =	stream.indirect.scatter.add.f32 [tilespmem:s8], [sflag:$0x5], $0x80, s3, s7, $0xb8;
	[tilespmem:$0x19200] =	vst v63  }
0x9c: {  	_ =	swait.ge [sflag:s30], $0x2800  }
0x9d: {  	[sflag:s30] =	ssyncset.done $0x0  }
0x9e: {  	s18 =	sadd.s32 s17, s23;
	[sflag:s30] =	ssyncadd.s32 $0xFFFFD800  }
0x9f: {  	[tilespmem:s0], [sflag:$0x4] =	stream.linear.gather [hbm4b:s18+s4], $0x50, $0x38;
	[tilespmem:$0x19200] =	vst v63  }
0xa0: {  	s17 =	sadd.s32 s17, s22  }
0xa1: {  	[tilespmem:s3], [sflag:$0x4] =	stream.linear.gather [hbm4b:s17+s4], $0x50, $0x38;
	[tilespmem:$0x19200] =	vst v63  }
0xa2: {  	_ =	swait.ge [sflag:s13], $0x50  }
.Ltmp1:
0xa3: {  	[sflag:s13] =	ssyncset.done $0x0;
	(pc) =	sbr.rel @p1 .LBB2_4-.Ltmp1, $4  }
0xa4: {  	[sflag:s13] =	ssyncadd.s32 $0xFFFFFFB0  }
0xa5: {  	_ =	swait.ge [sflag:s13], $0x50  }
0xa6: {  	[sflag:s13] =	ssyncset.done $0x0  }
0xa7: {  	s16 =	sadd.s32 $0xA0, s16;
	[sflag:s13] =	ssyncadd.s32 $0xFFFFFFB0  }
0xa8: {  	[tilespmem:s8], [sflag:$0x2] =	stream.indirect.gather [hbm4b:s1+s7], $0x80, s0, s7, $0xb8;
	[tilespmem:$0x19200] =	vst v63  }
0xa9: {  	_ =	swait.ge [sflag:s9], $0x2800  }
0xaa: {  	[sflag:s9] =	ssyncset.done $0x0  }
0xab: {  	[sflag:s9] =	ssyncadd.s32 $0xFFFFD800  }
0xac: {  	[spmem:s2] =	stream.indirect.scatter.add.f32 [tilespmem:s29], [sflag:$0x5], $0x80, s31, s7, $0xb8;
	[tilespmem:$0x19200] =	vst v63  }
0xad: {  	_ =	swait.ge [sflag:s30], $0x2800  }
0xae: {  	[sflag:s30] =	ssyncset.done $0x0  }
0xaf: {  	[sflag:s30] =	ssyncadd.s32 $0xFFFFD800  }
0xb0: {  	[tilespmem:s4], [sflag:$0x3] =	stream.linear.gather [hbm4b:s20+s4], $0x50, $0x38;
	[tilespmem:$0x19200] =	vst v63  }
0xb1: {  	_ = 	snop  }
0xb2: {  	[tilespmem:s31], [sflag:$0x3] =	stream.linear.gather [hbm4b:s21+s4], $0x50, $0x38;
	[tilespmem:$0x19200] =	vst v63  }
0xb3: {  	_ =	swait.ge [sflag:s10], $0x50  }
0xb4: {  	[sflag:s10] =	ssyncset.done $0x0  }
0xb5: {  	[sflag:s10] =	ssyncadd.s32 $0xFFFFFFB0  }
0xb6: {  	_ =	swait.ge [sflag:s10], $0x50  }
0xb7: {  	[sflag:s10] =	ssyncset.done $0x0  }
0xb8: {  	[sflag:s10] =	ssyncadd.s32 $0xFFFFFFB0  }
0xb9: {  	[tilespmem:s29], [sflag:$0x1] =	stream.indirect.gather [hbm4b:s1+s7], $0x80, s4, s7, $0xb8;
	[tilespmem:$0x19200] =	vst v63  }
0xba: {  	_ =	swait.ge [sflag:s11], $0x2800  }
0xbb: {  	[sflag:s11] =	ssyncset.done $0x0  }
0xbc: {  	[sflag:s11] =	ssyncadd.s32 $0xFFFFD800  }
0xbd: {  	[spmem:s2] =	stream.indirect.scatter.add.f32 [tilespmem:s8], [sflag:$0x5], $0x80, s3, s7, $0xb8;
	[tilespmem:$0x19200] =	vst v63  }
0xbe: {  	_ =	swait.ge [sflag:s30], $0x2800  }
0xbf: {  	[sflag:s30] =	ssyncset.done $0x0  }
0xc0: {  	[sflag:s30] =	ssyncadd.s32 $0xFFFFD800  }
0xc1: {  	_ =	swait.ge [sflag:s9], $0x2800  }
0xc2: {  	[sflag:s9] =	ssyncset.done $0x0  }
0xc3: {  	[sflag:s9] =	ssyncadd.s32 $0xFFFFD800  }
0xc4: {  	[spmem:s2] =	stream.indirect.scatter.add.f32 [tilespmem:s29], [sflag:$0x5], $0x80, s31, s7, $0xb8;
	[tilespmem:$0x19200] =	vst v63  }
0xc5: {  	_ =	swait.ge [sflag:s30], $0x2800  }
0xc6: {  	[sflag:s30] =	ssyncset.done $0x0  }
0xc7: {  	[sflag:s30] =	ssyncadd.s32 $0xFFFFD800  }
0xc8: {  	[bflag:$0x0] =	sbarrier.arrive $0xFFFF  }
0xc9: {  	s15 =	simm.s32 @p0 $0x1FC5;
	s16 =	rddreg [dreg:$0x9]  }
0xca: {  	[hbm:s16], [sflag:s15] =	dma.local @p0 [spmem:s25], $0x1900  }
0xcb: {  	s15 =	simm.s32 @p0 $0x5  }
0xcc: {  	s16 =	stileid.u32;
	_ =	swait.ge @p0 [sflag:s15], $0x1900  }
0xcd: {  	s16 =	sshll.u32 @!p0 s16, $0x6;
	[sflag:s15] =	ssyncset.done @p0 $0x0;
	s17 =	rddreg [dreg:$0x8]  }
0xce: {  	[sflag:s15] =	ssyncadd.s32 @p0 $0xFFFFE700;
	s15 =	sor.u32 @!p0 $0x1C05, s16;
	s16 =	sshrl.u32 @!p0 s12, $0x3  }
0xcf: {  	[hbm:s17], [sflag:s15] =	dma.local @!p0 [spmem:s16], $0x2800  }
0xd0: {  	s15 =	simm.s32 @!p0 $0x5  }
0xd1: {  	_ =	swait.ge @!p0 [sflag:s15], $0x2800  }
0xd2: {  	s14 =	sadd.s32 $0x1, s14;
	s19 =	rddreg [dreg:$0xa]  }
0xd3: {  	p1 =	sne.s32 s14, s19  }
.Ltmp2:
0xd4: {  	_ = 	snop;
	(pc) =	sbr.rel @p1 .LBB2_1-.Ltmp2, $3  }
0xd5: {  	_ =	sdelay $0x1  }
0xd6: {  	[sflag:s15] =	ssyncset.done @!p0 $0x0  }
0xd7: {  	[sflag:s15] =	ssyncadd.s32 @!p0 $0xFFFFD800  }
0xd8: {  	_ =	sfence.sel $0x180000  }
0xd9: {  	[bflag:$0x0] =	sbarrier.arrive $0xFFFF  }
0xda: {  	_ =	strace $0x90000050  }
0xdb: {  	s0 =	stileid.u32;
	[bflag:$0x2] =	sbarrier.arrive $0xFFFF  }
0xdc: {  	p0 =	sne.s32 s0, $0x0;
	s0 =	rddreg [dreg:$0x3]  }
0xdd: {  	s0 =	sadd.s32 @!p0 $0x100000, s0  }
0xde: {  	[sflag:s0] =	ssyncadd.tile.s32 @!p0 $0x1;
	_ =	shalt  }
.Lfunc_end2:
_tile_overlayer_lowered:
.L_overlay_start_2:
0xdf: {  	(tag) =	ssettag $0x2  }
0xe0: {  	s0 =	rddreg [dreg:$0x0];
	s2 =	stileid.u32  }
0xe1: {  	s1 =	rddreg [dreg:$0x1];
	p0 =	sne.s32 s2, $0x0  }
0xe2: {  	s3 =	rddreg [dreg:$0x2];
	[bflag:$0x3] =	sbarrier.arrive $0xFFFF;
	s2 =	simm.s32 @!p0 $0x1C05  }
0xe3: {  	[timem:s3], [sflag:s2] =	dma.local @!p0 [hbm:s0], s1  }
0xe4: {  	s0 =	simm.s32 @!p0 $0x5  }
0xe5: {  	_ =	swait.ge @!p0 [sflag:s0], s1  }
0xe6: {  	s1 =	ssub.s32 @!p0 $0x0, s1;
	[sflag:s0] =	ssyncset.done @!p0 $0x0  }
0xe7: {  	[sflag:s0] =	ssyncadd.s32 @!p0 s1  }
0xe8: {  	[bflag:$0x3] =	sbarrier.arrive $0xFFFF  }
0xe9: {  	_ =	shalt  }

</sc_bundles>
